<compile_context>
chip_gen: v7x
topology: tpu7x:2x2x1
jax: 0.10.2.dev20260603
libtpu: 0.0.44.dev20260713+nightly
codegen_flags: <defaults>
</compile_context>

<pallas_src>
import functools

import jax
import jax.numpy as jnp
from jax import lax
from jax.experimental import pallas as pl
from jax.experimental.pallas import tpu as pltpu
from jax.experimental.pallas import tpu_sc as plsc

N = 10000
D = 128
E = 320000
NPAD = 10240
NT = 32
B = 128
NBLK = 80
SLOTS = NT * NBLK * B
RPT = NPAD // 16
CB = 40
NCHUNK = NBLK // CB
RBLK = 5120
NRB = NPAD // RBLK


def _make_agg(d):
    mesh = plsc.VectorSubcoreMesh(core_axis_name="c", subcore_axis_name="s")

    @functools.partial(
        pl.kernel,
        out_type=jax.ShapeDtypeStruct((2 * NPAD, d), jnp.float32),
        mesh=mesh,
        scratch_types=[
            pltpu.VMEM((CB, B), jnp.int32),
            pltpu.VMEM((CB, B), jnp.int32),
            pltpu.VMEM((B, d), jnp.float32),
            pltpu.VMEM((B, d), jnp.float32),
            pltpu.MemorySpace.VMEM_SHARED((NPAD, d), jnp.float32),
            pltpu.SemaphoreType.DMA,
            pltpu.SemaphoreType.DMA,
            pltpu.SemaphoreType.DMA,
            pltpu.SemaphoreType.DMA,
        ],
    )
    def agg(g_hbm, cidx_hbm, ridx_hbm, zero_hbm, out_hbm,
            cbuf, rbuf, rows0, rows1, acc_sh, gs0, gs1, ss0, ss1):
        c = lax.axis_index("c")
        s = lax.axis_index("s")
        wid = c * 16 + s
        base = s * RPT
        pltpu.sync_copy(cidx_hbm.at[pl.ds(wid * NBLK, CB)], cbuf)
        pltpu.sync_copy(ridx_hbm.at[pl.ds(wid * NBLK, CB)], rbuf)
        pltpu.async_copy(g_hbm.at[cbuf.at[0]], rows0, gs0)
        pltpu.async_copy(g_hbm.at[cbuf.at[1]], rows1, gs1)
        pltpu.sync_copy(zero_hbm, acc_sh.at[pl.ds(base, RPT)])
        plsc.subcore_barrier()

        for q in range(NCHUNK):
            if q > 0:
                off = wid * NBLK + q * CB
                pltpu.sync_copy(cidx_hbm.at[pl.ds(off, CB)], cbuf)
                pltpu.sync_copy(ridx_hbm.at[pl.ds(off, CB)], rbuf)
                pltpu.async_copy(g_hbm.at[cbuf.at[0]], rows0, gs0)
                pltpu.async_copy(g_hbm.at[cbuf.at[1]], rows1, gs1)

            @pl.loop(0, CB, step=2)
            def _(j):
                pltpu.make_async_copy(g_hbm.at[cbuf.at[j]], rows0, gs0).wait()
                s0 = pltpu.async_copy(rows0, acc_sh.at[rbuf.at[j]], ss0,
                                      add=True)
                pltpu.make_async_copy(g_hbm.at[cbuf.at[j + 1]], rows1,
                                      gs1).wait()
                s1 = pltpu.async_copy(rows1, acc_sh.at[rbuf.at[j + 1]], ss1,
                                      add=True)
                s0.wait()

                @pl.when(j + 2 < CB)
                def _():
                    pltpu.async_copy(g_hbm.at[cbuf.at[j + 2]], rows0, gs0)

                s1.wait()

                @pl.when(j + 2 < CB)
                def _():
                    pltpu.async_copy(g_hbm.at[cbuf.at[j + 3]], rows1, gs1)

        plsc.subcore_barrier()
        pltpu.sync_copy(acc_sh.at[pl.ds(base, RPT)],
                        out_hbm.at[pl.ds(c * NPAD + base, RPT)])

    return agg


_agg_feat = _make_agg(D)

DDEG = D


def _make_deg():
    mesh = plsc.VectorSubcoreMesh(core_axis_name="c", subcore_axis_name="s")

    @functools.partial(
        pl.kernel,
        out_type=jax.ShapeDtypeStruct((2 * NPAD, DDEG), jnp.float32),
        mesh=mesh,
        scratch_types=[
            pltpu.VMEM((CB, B), jnp.int32),
            pltpu.VMEM((B, DDEG), jnp.float32),
            pltpu.MemorySpace.VMEM_SHARED((NPAD, DDEG), jnp.float32),
        ],
    )
    def deg(ridx_hbm, zero_hbm, ones_hbm, out_hbm, rbuf, ones_v, acc):
        c = lax.axis_index("c")
        s = lax.axis_index("s")
        wid = c * 16 + s
        base = s * RPT
        pltpu.sync_copy(zero_hbm, acc.at[pl.ds(base, RPT)])
        pltpu.sync_copy(ones_hbm, ones_v)
        plsc.subcore_barrier()

        @pl.loop(0, NCHUNK)
        def _(q):
            pltpu.sync_copy(
                ridx_hbm.at[pl.ds((wid * NCHUNK + q) * CB, CB)], rbuf)

            @pl.loop(0, CB)
            def _(j):
                pltpu.sync_copy(ones_v, acc.at[rbuf.at[j]], add=True)

        plsc.subcore_barrier()
        pltpu.sync_copy(acc.at[pl.ds(base, RPT)],
                        out_hbm.at[pl.ds(c * NPAD + base, RPT)])

    return deg


_deg16 = _make_deg()


def _prep_body(x_ref, w_ref, da_ref, db_ref, dis_ref, g0_ref):
    deg = da_ref[:, :1] + db_ref[:, :1] + 1.0
    dis = lax.rsqrt(deg)
    dis_ref[...] = dis
    g0_ref[...] = dis * jnp.dot(x_ref[...], w_ref[...],
                                preferred_element_type=jnp.float32)


def _prep(xp, w1, deg2):
    return pl.pallas_call(
        _prep_body,
        grid=(NRB,),
        in_specs=[
            pl.BlockSpec((RBLK, D), lambda i: (i, 0)),
            pl.BlockSpec((D, D), lambda i: (0, 0)),
            pl.BlockSpec((RBLK, DDEG), lambda i: (i, 0)),
            pl.BlockSpec((RBLK, DDEG), lambda i: (i + NRB, 0)),
        ],
        out_specs=[
            pl.BlockSpec((RBLK, 1), lambda i: (i, 0)),
            pl.BlockSpec((RBLK, D), lambda i: (i, 0)),
        ],
        out_shape=[
            jax.ShapeDtypeStruct((NPAD, 1), jnp.float32),
            jax.ShapeDtypeStruct((NPAD, D), jnp.float32),
        ],
    )(xp, w1, deg2, deg2)


def _layer_body(final, aa_ref, ab_ref, g_ref, dis_ref, w_ref, b_ref, o_ref):
    t = dis_ref[...] * (aa_ref[...] + ab_ref[...] + g_ref[...]) + b_ref[...]
    if final:
        o_ref[...] = t
    else:
        h = jnp.maximum(t, 0.0)
        o_ref[...] = dis_ref[...] * jnp.dot(
            h, w_ref[...], preferred_element_type=jnp.float32)


def _layer(a2, g, dis, w_next, b, final):
    nrows = N if final else NPAD
    return pl.pallas_call(
        functools.partial(_layer_body, final),
        grid=(NRB,),
        in_specs=[
            pl.BlockSpec((RBLK, D), lambda i: (i, 0)),
            pl.BlockSpec((RBLK, D), lambda i: (i + NRB, 0)),
            pl.BlockSpec((RBLK, D), lambda i: (i, 0)),
            pl.BlockSpec((RBLK, 1), lambda i: (i, 0)),
            pl.BlockSpec((D, D), lambda i: (0, 0)),
            pl.BlockSpec((1, D), lambda i: (0, 0)),
        ],
        out_specs=pl.BlockSpec((RBLK, D), lambda i: (i, 0)),
        out_shape=jax.ShapeDtypeStruct((nrows, D), jnp.float32),
    )(a2, a2, g, dis, w_next, b)


def kernel(x, edge_index, W1, b1, W2, b2, W3, b3):
    xp = jnp.pad(x, ((0, NPAD - N), (0, 0)))
    row = edge_index[0].astype(jnp.int32)
    col = edge_index[1].astype(jnp.int32)
    pad = SLOTS - E
    pr = N + jnp.arange(pad, dtype=jnp.int32) % (NPAD - N)
    pc = jnp.arange(pad, dtype=jnp.int32) % N
    ridx = jnp.concatenate([row, pr]).reshape(NT * NBLK, B)
    cidx = jnp.concatenate([col, pc]).reshape(NT * NBLK, B)
    zeros_d = jnp.zeros((RPT, D), jnp.float32)
    ones_b = jnp.ones((B, DDEG), jnp.float32)
    deg2 = _deg16(ridx, zeros_d, ones_b)
    dis, g0 = _prep(xp, W1, deg2)

    a1 = _agg_feat(g0, cidx, ridx, zeros_d)
    g1 = _layer(a1, g0, dis, W2, b1.reshape(1, D), final=False)
    a2 = _agg_feat(g1, cidx, ridx, zeros_d)
    g2 = _layer(a2, g1, dis, W3, b2.reshape(1, D), final=False)
    a3 = _agg_feat(g2, cidx, ridx, zeros_d)
    return _layer(a3, g2, dis, W3, b3.reshape(1, D), final=True)

# --- scband reference (transcript-rebuilt; emitter-appended) ---
"""Pipeline reference for scband-adj-gcn-69329362092560 (READ-ONLY COPY).

The authoritative reference and input builder live on the scoring server;
editing this copy changes nothing except your own understanding.
"""

import jax, jax.numpy as jnp
import numpy as np

N_NODES = 10000
N_EDGES = 320000
D = 128


def _glorot(key, shape):
    fan_in, fan_out = shape[0], shape[1]
    limit = jnp.sqrt(6.0 / (fan_in + fan_out))
    return jax.random.uniform(key, shape, dtype=jnp.float32, minval=-limit, maxval=limit)


def setup_inputs(seed: int = 0) -> dict:
    key = jax.random.key(seed)
    ks = jax.random.split(key, 8)
    x = jax.random.normal(ks[0], (N_NODES, D), dtype=jnp.float32)
    edge_index = jax.random.randint(ks[1], (2, N_EDGES), 0, N_NODES, dtype=jnp.int64 if jax.config.jax_enable_x64 else jnp.int32)
    W1 = _glorot(ks[2], (D, D))
    b1 = jnp.zeros((D,), dtype=jnp.float32)
    W2 = _glorot(ks[3], (D, D))
    b2 = jnp.zeros((D,), dtype=jnp.float32)
    W3 = _glorot(ks[4], (D, D))
    b3 = jnp.zeros((D,), dtype=jnp.float32)
    return {"x": x, "edge_index": edge_index, "W1": W1, "b1": b1, "W2": W2, "b2": b2, "W3": W3, "b3": b3}


def reference(x, edge_index, W1, b1, W2, b2, W3, b3):
    N = x.shape[0]
    # set_diag: add self loops, then symmetric normalization D^{-1/2} A D^{-1/2}
    loop = jnp.arange(N, dtype=edge_index.dtype)
    row = jnp.concatenate([edge_index[0], loop])
    col = jnp.concatenate([edge_index[1], loop])
    ones = jnp.ones(row.shape[0], dtype=jnp.float32)
    deg = jax.ops.segment_sum(ones, row, num_segments=N)
    deg_inv_sqrt = deg ** -0.5
    w = deg_inv_sqrt[row] * deg_inv_sqrt[col]

    def spmm(h):
        return jax.ops.segment_sum(w[:, None] * jnp.take(h, col, axis=0), row, num_segments=N)

    # layer 1 (in==out -> adj @ x @ W + b), relu, dropout p=0
    h = spmm(x) @ W1 + b1
    h = jax.nn.relu(h)
    # layer 2
    h = spmm(h) @ W2 + b2
    h = jax.nn.relu(h)
    # final layer, no activation
    out = spmm(h) @ W3 + b3
    return out

if __name__ == "__main__":
    import jax
    _d = setup_inputs()
    print(jax.jit(kernel)(*tuple(_d.values())))

</pallas_src>

<mosaic_0001>
#map = affine_map<(d0, d1) -> (0, 0)>
module attributes {stable_mosaic.version = 14 : i64} {
  func.func @deg(%arg0: i32, %arg1: i32, %arg2: memref<2560x128xi32, #tpu.memory_space<hbm>>, %arg3: memref<640x128xf32, #tpu.memory_space<hbm>>, %arg4: memref<128x128xf32, #tpu.memory_space<hbm>>, %arg5: memref<20480x128xf32, #tpu.memory_space<hbm>>, %arg6: memref<40x128xi32, #tpu.memory_space<vmem>>, %arg7: memref<128x128xf32, #tpu.memory_space<vmem>>, %arg8: memref<10240x128xf32, #tpu.memory_space<vmem_shared>>) attributes {dimension_semantics = [#tpu.dimension_semantics<core_parallel>, #tpu.dimension_semantics<subcore_parallel>], iteration_bounds = array<i64: 2, 16>, scalar_prefetch = 0 : i64, scratch_operands = 3 : i64, tpu.core_type = #tpu.core_type<sc_vector_subcore>, window_params = [{transform_indices = #map}, {transform_indices = #map}, {transform_indices = #map}, {transform_indices = #map}]} {
    %mul3A = arith.constant 16 : i32
    %mul3A_0 = arith.muli %arg0, %mul3A : i32
    %add3A = arith.addi %mul3A_0, %arg1 : i32
    %mul3A_1 = arith.constant 640 : i32
    %mul3A_2 = arith.muli %arg1, %mul3A_1 : i32
    "tpu.region"() ({
      %run_scoped3A = tpu.sem_alloc : memref<!tpu.dma_semaphore, #tpu.memory_space<semaphore_mem>>
      %dma_start3A = arith.constant 0 : i32
      %dma_start3A_11 = tpu.memref_slice %arg8[%mul3A_2, %dma_start3A] : memref<10240x128xf32, #tpu.memory_space<vmem_shared>> -> memref<640x128xf32, #tpu.memory_space<vmem_shared>>
      tpu.enqueue_dma source(%arg3 : memref<640x128xf32, #tpu.memory_space<hbm>>) target(%dma_start3A_11 : memref<640x128xf32, #tpu.memory_space<vmem_shared>>) target_semaphore(%run_scoped3A : memref<!tpu.dma_semaphore, #tpu.memory_space<semaphore_mem>>)
      %dma_wait3A = arith.constant 0 : i32
      %dma_wait3A_12 = tpu.memref_slice %arg8[%mul3A_2, %dma_wait3A] : memref<10240x128xf32, #tpu.memory_space<vmem_shared>> -> memref<640x128xf32, #tpu.memory_space<vmem_shared>>
      tpu.wait_dma2 semaphore(%run_scoped3A : memref<!tpu.dma_semaphore, #tpu.memory_space<semaphore_mem>>) src(%arg3 : memref<640x128xf32, #tpu.memory_space<hbm>>) dst(%dma_wait3A_12 : memref<640x128xf32, #tpu.memory_space<vmem_shared>>)
      tpu.yield
    }) : () -> ()
    "tpu.region"() ({
      %run_scoped3A = tpu.sem_alloc : memref<!tpu.dma_semaphore, #tpu.memory_space<semaphore_mem>>
      tpu.enqueue_dma source(%arg4 : memref<128x128xf32, #tpu.memory_space<hbm>>) target(%arg7 : memref<128x128xf32, #tpu.memory_space<vmem>>) target_semaphore(%run_scoped3A : memref<!tpu.dma_semaphore, #tpu.memory_space<semaphore_mem>>)
      tpu.wait_dma2 semaphore(%run_scoped3A : memref<!tpu.dma_semaphore, #tpu.memory_space<semaphore_mem>>) src(%arg4 : memref<128x128xf32, #tpu.memory_space<hbm>>) dst(%arg7 : memref<128x128xf32, #tpu.memory_space<vmem>>)
      tpu.yield
    }) : () -> ()
    %barrier3A = arith.constant 0 : index
    tpu.barrier barrier_id(%barrier3A)
    %scan3A = arith.constant 0 : i32
    %scan3A_3 = arith.constant 2 : i32
    %scan3A_4 = arith.addi %scan3A, %scan3A_3 : i32
    %scan3A_5 = arith.constant 1 : i32
    scf.for %scan3A_11 = %scan3A to %scan3A_4 step %scan3A_5  : i32 {
      %mul3A_12 = arith.constant 1 : i32
      %mul3A_13 = arith.muli %scan3A_11, %mul3A_12 : i32
      %add3A_14 = arith.constant 0 : i32
      %add3A_15 = arith.addi %add3A_14, %mul3A_13 : i32
      %mul3A_16 = arith.constant 2 : i32
      %mul3A_17 = arith.muli %add3A, %mul3A_16 : i32
      %add3A_18 = arith.addi %mul3A_17, %add3A_15 : i32
      %mul3A_19 = arith.constant 40 : i32
      %mul3A_20 = arith.muli %add3A_18, %mul3A_19 : i32
      "tpu.region"() ({
        %run_scoped3A = tpu.sem_alloc : memref<!tpu.dma_semaphore, #tpu.memory_space<semaphore_mem>>
        %dma_start3A = arith.constant 0 : i32
        %dma_start3A_26 = tpu.memref_slice %arg2[%mul3A_20, %dma_start3A] : memref<2560x128xi32, #tpu.memory_space<hbm>> -> memref<40x128xi32, #tpu.memory_space<hbm>>
        %dma_start3A_27 = arith.constant 0 : i32
        %dma_start3A_28 = tpu.memref_slice %arg2[%mul3A_20, %dma_start3A_27] : memref<2560x128xi32, #tpu.memory_space<hbm>> -> memref<40x128xi32, #tpu.memory_space<hbm>>
        tpu.enqueue_dma source(%dma_start3A_28 : memref<40x128xi32, #tpu.memory_space<hbm>>) target(%arg6 : memref<40x128xi32, #tpu.memory_space<vmem>>) target_semaphore(%run_scoped3A : memref<!tpu.dma_semaphore, #tpu.memory_space<semaphore_mem>>)
        %dma_wait3A = arith.constant 0 : i32
        %dma_wait3A_29 = tpu.memref_slice %arg2[%mul3A_20, %dma_wait3A] : memref<2560x128xi32, #tpu.memory_space<hbm>> -> memref<40x128xi32, #tpu.memory_space<hbm>>
        %dma_wait3A_30 = arith.constant 0 : i32
        %dma_wait3A_31 = tpu.memref_slice %arg2[%mul3A_20, %dma_wait3A_30] : memref<2560x128xi32, #tpu.memory_space<hbm>> -> memref<40x128xi32, #tpu.memory_space<hbm>>
        tpu.wait_dma2 semaphore(%run_scoped3A : memref<!tpu.dma_semaphore, #tpu.memory_space<semaphore_mem>>) src(%dma_wait3A_31 : memref<40x128xi32, #tpu.memory_space<hbm>>) dst(%arg6 : memref<40x128xi32, #tpu.memory_space<vmem>>)
        tpu.yield
      }) : () -> ()
      %scan3A_21 = arith.constant 0 : i32
      %scan3A_22 = arith.constant 40 : i32
      %scan3A_23 = arith.addi %scan3A_21, %scan3A_22 : i32
      %scan3A_24 = arith.constant 1 : i32
      scf.for %scan3A_26 = %scan3A_21 to %scan3A_23 step %scan3A_24  : i32 {
        %mul3A_27 = arith.constant 1 : i32
        %mul3A_28 = arith.muli %scan3A_26, %mul3A_27 : i32
        %add3A_29 = arith.constant 0 : i32
        %add3A_30 = arith.addi %add3A_29, %mul3A_28 : i32
        "tpu.region"() ({
          %run_scoped3A = tpu.sem_alloc : memref<!tpu.dma_semaphore, #tpu.memory_space<semaphore_mem>>
          %dma_start3A = arith.constant 0 : i32
          %dma_start3A_31 = tpu.memref_slice %arg6[%add3A_30, %dma_start3A] : memref<40x128xi32, #tpu.memory_space<vmem>> -> memref<1x128xi32, #tpu.memory_space<vmem>>
          %dma_start3A_32 = tpu.memref_squeeze %dma_start3A_31 : memref<1x128xi32, #tpu.memory_space<vmem>> -> memref<128xi32, #tpu.memory_space<vmem>>
          %dma_start3A_33 = arith.constant 0 : i32
          %dma_start3A_34 = arith.constant 0 : i32
          %dma_start3A_35 = tpu.memref_slice %arg8[%dma_start3A_33, %dma_start3A_34] : memref<10240x128xf32, #tpu.memory_space<vmem_shared>> -> memref<10240x128xf32, #tpu.memory_space<vmem_shared>>
          tpu.enqueue_indirect_dma source(%arg7 : memref<128x128xf32, #tpu.memory_space<vmem>>) target(%dma_start3A_35 : memref<10240x128xf32, #tpu.memory_space<vmem_shared>>) offsets(%dma_start3A_32 : memref<128xi32, #tpu.memory_space<vmem>>) semaphore(%run_scoped3A : memref<!tpu.dma_semaphore, #tpu.memory_space<semaphore_mem>>) {add = true}
          %dma_wait3A = arith.constant 0 : i32
          %dma_wait3A_36 = tpu.memref_slice %arg6[%add3A_30, %dma_wait3A] : memref<40x128xi32, #tpu.memory_space<vmem>> -> memref<1x128xi32, #tpu.memory_space<vmem>>
          %dma_wait3A_37 = tpu.memref_squeeze %dma_wait3A_36 : memref<1x128xi32, #tpu.memory_space<vmem>> -> memref<128xi32, #tpu.memory_space<vmem>>
          %dma_wait3A_38 = arith.constant 0 : i32
          %dma_wait3A_39 = arith.constant 0 : i32
          %dma_wait3A_40 = tpu.memref_slice %arg8[%dma_wait3A_38, %dma_wait3A_39] : memref<10240x128xf32, #tpu.memory_space<vmem_shared>> -> memref<10240x128xf32, #tpu.memory_space<vmem_shared>>
          tpu.wait_indirect_dma semaphore(%run_scoped3A : memref<!tpu.dma_semaphore, #tpu.memory_space<semaphore_mem>>) src(%arg7 : memref<128x128xf32, #tpu.memory_space<vmem>>) dst(%dma_wait3A_40 : memref<10240x128xf32, #tpu.memory_space<vmem_shared>>)
          tpu.yield
        }) : () -> ()
      }
      %scan3A_25 = arith.constant 40 : i32
    }
    %scan3A_6 = arith.constant 2 : i32
    %barrier3A_7 = arith.constant 0 : index
    tpu.barrier barrier_id(%barrier3A_7)
    %mul3A_8 = arith.constant 10240 : i32
    %mul3A_9 = arith.muli %arg0, %mul3A_8 : i32
    %add3A_10 = arith.addi %mul3A_9, %mul3A_2 : i32
    "tpu.region"() ({
      %run_scoped3A = tpu.sem_alloc : memref<!tpu.dma_semaphore, #tpu.memory_space<semaphore_mem>>
      %dma_start3A = arith.constant 0 : i32
      %dma_start3A_11 = tpu.memref_slice %arg5[%add3A_10, %dma_start3A] : memref<20480x128xf32, #tpu.memory_space<hbm>> -> memref<640x128xf32, #tpu.memory_space<hbm>>
      %dma_start3A_12 = arith.constant 0 : i32
      %dma_start3A_13 = tpu.memref_slice %arg8[%mul3A_2, %dma_start3A_12] : memref<10240x128xf32, #tpu.memory_space<vmem_shared>> -> memref<640x128xf32, #tpu.memory_space<vmem_shared>>
      tpu.enqueue_dma source(%dma_start3A_13 : memref<640x128xf32, #tpu.memory_space<vmem_shared>>) target(%dma_start3A_11 : memref<640x128xf32, #tpu.memory_space<hbm>>) target_semaphore(%run_scoped3A : memref<!tpu.dma_semaphore, #tpu.memory_space<semaphore_mem>>)
      %dma_wait3A = arith.constant 0 : i32
      %dma_wait3A_14 = tpu.memref_slice %arg5[%add3A_10, %dma_wait3A] : memref<20480x128xf32, #tpu.memory_space<hbm>> -> memref<640x128xf32, #tpu.memory_space<hbm>>
      %dma_wait3A_15 = arith.constant 0 : i32
      %dma_wait3A_16 = tpu.memref_slice %arg8[%mul3A_2, %dma_wait3A_15] : memref<10240x128xf32, #tpu.memory_space<vmem_shared>> -> memref<640x128xf32, #tpu.memory_space<vmem_shared>>
      tpu.wait_dma2 semaphore(%run_scoped3A : memref<!tpu.dma_semaphore, #tpu.memory_space<semaphore_mem>>) src(%dma_wait3A_16 : memref<640x128xf32, #tpu.memory_space<vmem_shared>>) dst(%dma_wait3A_14 : memref<640x128xf32, #tpu.memory_space<hbm>>)
      tpu.yield
    }) : () -> ()
    return
  }
}

#map = affine_map<(d0, d1) -> (0, 0)>
module attributes {stable_mosaic.version = 14 : i64} {
  func.func @agg(%arg0: i32, %arg1: i32, %arg2: memref<10240x128xf32, #tpu.memory_space<hbm>>, %arg3: memref<2560x128xi32, #tpu.memory_space<hbm>>, %arg4: memref<2560x128xi32, #tpu.memory_space<hbm>>, %arg5: memref<640x128xf32, #tpu.memory_space<hbm>>, %arg6: memref<20480x128xf32, #tpu.memory_space<hbm>>, %arg7: memref<40x128xi32, #tpu.memory_space<vmem>>, %arg8: memref<40x128xi32, #tpu.memory_space<vmem>>, %arg9: memref<128x128xf32, #tpu.memory_space<vmem>>, %arg10: memref<128x128xf32, #tpu.memory_space<vmem>>, %arg11: memref<10240x128xf32, #tpu.memory_space<vmem_shared>>, %arg12: memref<!tpu.dma_semaphore, #tpu.memory_space<semaphore_mem>>, %arg13: memref<!tpu.dma_semaphore, #tpu.memory_space<semaphore_mem>>, %arg14: memref<!tpu.dma_semaphore, #tpu.memory_space<semaphore_mem>>, %arg15: memref<!tpu.dma_semaphore, #tpu.memory_space<semaphore_mem>>) attributes {dimension_semantics = [#tpu.dimension_semantics<core_parallel>, #tpu.dimension_semantics<subcore_parallel>], iteration_bounds = array<i64: 2, 16>, scalar_prefetch = 0 : i64, scratch_operands = 9 : i64, tpu.core_type = #tpu.core_type<sc_vector_subcore>, window_params = [{transform_indices = #map}, {transform_indices = #map}, {transform_indices = #map}, {transform_indices = #map}, {transform_indices = #map}]} {
    %mul3A = arith.constant 16 : i32
    %mul3A_0 = arith.muli %arg0, %mul3A : i32
    %add3A = arith.addi %mul3A_0, %arg1 : i32
    %mul3A_1 = arith.constant 640 : i32
    %mul3A_2 = arith.muli %arg1, %mul3A_1 : i32
    %mul3A_3 = arith.constant 80 : i32
    %mul3A_4 = arith.muli %add3A, %mul3A_3 : i32
    "tpu.region"() ({
      %run_scoped3A = tpu.sem_alloc : memref<!tpu.dma_semaphore, #tpu.memory_space<semaphore_mem>>
      %dma_start3A_51 = arith.constant 0 : i32
      %dma_start3A_52 = tpu.memref_slice %arg3[%mul3A_4, %dma_start3A_51] : memref<2560x128xi32, #tpu.memory_space<hbm>> -> memref<40x128xi32, #tpu.memory_space<hbm>>
      %dma_start3A_53 = arith.constant 0 : i32
      %dma_start3A_54 = tpu.memref_slice %arg3[%mul3A_4, %dma_start3A_53] : memref<2560x128xi32, #tpu.memory_space<hbm>> -> memref<40x128xi32, #tpu.memory_space<hbm>>
      tpu.enqueue_dma source(%dma_start3A_54 : memref<40x128xi32, #tpu.memory_space<hbm>>) target(%arg7 : memref<40x128xi32, #tpu.memory_space<vmem>>) target_semaphore(%run_scoped3A : memref<!tpu.dma_semaphore, #tpu.memory_space<semaphore_mem>>)
      %dma_wait3A = arith.constant 0 : i32
      %dma_wait3A_55 = tpu.memref_slice %arg3[%mul3A_4, %dma_wait3A] : memref<2560x128xi32, #tpu.memory_space<hbm>> -> memref<40x128xi32, #tpu.memory_space<hbm>>
      %dma_wait3A_56 = arith.constant 0 : i32
      %dma_wait3A_57 = tpu.memref_slice %arg3[%mul3A_4, %dma_wait3A_56] : memref<2560x128xi32, #tpu.memory_space<hbm>> -> memref<40x128xi32, #tpu.memory_space<hbm>>
      tpu.wait_dma2 semaphore(%run_scoped3A : memref<!tpu.dma_semaphore, #tpu.memory_space<semaphore_mem>>) src(%dma_wait3A_57 : memref<40x128xi32, #tpu.memory_space<hbm>>) dst(%arg7 : memref<40x128xi32, #tpu.memory_space<vmem>>)
      tpu.yield
    }) : () -> ()
    %mul3A_5 = arith.constant 80 : i32
    %mul3A_6 = arith.muli %add3A, %mul3A_5 : i32
    "tpu.region"() ({
      %run_scoped3A = tpu.sem_alloc : memref<!tpu.dma_semaphore, #tpu.memory_space<semaphore_mem>>
      %dma_start3A_51 = arith.constant 0 : i32
      %dma_start3A_52 = tpu.memref_slice %arg4[%mul3A_6, %dma_start3A_51] : memref<2560x128xi32, #tpu.memory_space<hbm>> -> memref<40x128xi32, #tpu.memory_space<hbm>>
      %dma_start3A_53 = arith.constant 0 : i32
      %dma_start3A_54 = tpu.memref_slice %arg4[%mul3A_6, %dma_start3A_53] : memref<2560x128xi32, #tpu.memory_space<hbm>> -> memref<40x128xi32, #tpu.memory_space<hbm>>
      tpu.enqueue_dma source(%dma_start3A_54 : memref<40x128xi32, #tpu.memory_space<hbm>>) target(%arg8 : memref<40x128xi32, #tpu.memory_space<vmem>>) target_semaphore(%run_scoped3A : memref<!tpu.dma_semaphore, #tpu.memory_space<semaphore_mem>>)
      %dma_wait3A = arith.constant 0 : i32
      %dma_wait3A_55 = tpu.memref_slice %arg4[%mul3A_6, %dma_wait3A] : memref<2560x128xi32, #tpu.memory_space<hbm>> -> memref<40x128xi32, #tpu.memory_space<hbm>>
      %dma_wait3A_56 = arith.constant 0 : i32
      %dma_wait3A_57 = tpu.memref_slice %arg4[%mul3A_6, %dma_wait3A_56] : memref<2560x128xi32, #tpu.memory_space<hbm>> -> memref<40x128xi32, #tpu.memory_space<hbm>>
      tpu.wait_dma2 semaphore(%run_scoped3A : memref<!tpu.dma_semaphore, #tpu.memory_space<semaphore_mem>>) src(%dma_wait3A_57 : memref<40x128xi32, #tpu.memory_space<hbm>>) dst(%arg8 : memref<40x128xi32, #tpu.memory_space<vmem>>)
      tpu.yield
    }) : () -> ()
    %dma_start3A = arith.constant 0 : i32
    %dma_start3A_7 = arith.constant 0 : i32
    %dma_start3A_8 = tpu.memref_slice %arg7[%dma_start3A, %dma_start3A_7] : memref<40x128xi32, #tpu.memory_space<vmem>> -> memref<1x128xi32, #tpu.memory_space<vmem>>
    %dma_start3A_9 = tpu.memref_squeeze %dma_start3A_8 : memref<1x128xi32, #tpu.memory_space<vmem>> -> memref<128xi32, #tpu.memory_space<vmem>>
    %dma_start3A_10 = arith.constant 0 : i32
    %dma_start3A_11 = arith.constant 0 : i32
    %dma_start3A_12 = tpu.memref_slice %arg2[%dma_start3A_10, %dma_start3A_11] : memref<10240x128xf32, #tpu.memory_space<hbm>> -> memref<10240x128xf32, #tpu.memory_space<hbm>>
    tpu.enqueue_indirect_dma source(%dma_start3A_12 : memref<10240x128xf32, #tpu.memory_space<hbm>>) target(%arg9 : memref<128x128xf32, #tpu.memory_space<vmem>>) offsets(%dma_start3A_9 : memref<128xi32, #tpu.memory_space<vmem>>) semaphore(%arg12 : memref<!tpu.dma_semaphore, #tpu.memory_space<semaphore_mem>>)
    %dma_start3A_13 = arith.constant 1 : i32
    %dma_start3A_14 = arith.constant 0 : i32
    %dma_start3A_15 = tpu.memref_slice %arg7[%dma_start3A_13, %dma_start3A_14] : memref<40x128xi32, #tpu.memory_space<vmem>> -> memref<1x128xi32, #tpu.memory_space<vmem>>
    %dma_start3A_16 = tpu.memref_squeeze %dma_start3A_15 : memref<1x128xi32, #tpu.memory_space<vmem>> -> memref<128xi32, #tpu.memory_space<vmem>>
    %dma_start3A_17 = arith.constant 0 : i32
    %dma_start3A_18 = arith.constant 0 : i32
    %dma_start3A_19 = tpu.memref_slice %arg2[%dma_start3A_17, %dma_start3A_18] : memref<10240x128xf32, #tpu.memory_space<hbm>> -> memref<10240x128xf32, #tpu.memory_space<hbm>>
    tpu.enqueue_indirect_dma source(%dma_start3A_19 : memref<10240x128xf32, #tpu.memory_space<hbm>>) target(%arg10 : memref<128x128xf32, #tpu.memory_space<vmem>>) offsets(%dma_start3A_16 : memref<128xi32, #tpu.memory_space<vmem>>) semaphore(%arg13 : memref<!tpu.dma_semaphore, #tpu.memory_space<semaphore_mem>>)
    "tpu.region"() ({
      %run_scoped3A = tpu.sem_alloc : memref<!tpu.dma_semaphore, #tpu.memory_space<semaphore_mem>>
      %dma_start3A_51 = arith.constant 0 : i32
      %dma_start3A_52 = tpu.memref_slice %arg11[%mul3A_2, %dma_start3A_51] : memref<10240x128xf32, #tpu.memory_space<vmem_shared>> -> memref<640x128xf32, #tpu.memory_space<vmem_shared>>
      tpu.enqueue_dma source(%arg5 : memref<640x128xf32, #tpu.memory_space<hbm>>) target(%dma_start3A_52 : memref<640x128xf32, #tpu.memory_space<vmem_shared>>) target_semaphore(%run_scoped3A : memref<!tpu.dma_semaphore, #tpu.memory_space<semaphore_mem>>)
      %dma_wait3A = arith.constant 0 : i32
      %dma_wait3A_53 = tpu.memref_slice %arg11[%mul3A_2, %dma_wait3A] : memref<10240x128xf32, #tpu.memory_space<vmem_shared>> -> memref<640x128xf32, #tpu.memory_space<vmem_shared>>
      tpu.wait_dma2 semaphore(%run_scoped3A : memref<!tpu.dma_semaphore, #tpu.memory_space<semaphore_mem>>) src(%arg5 : memref<640x128xf32, #tpu.memory_space<hbm>>) dst(%dma_wait3A_53 : memref<640x128xf32, #tpu.memory_space<vmem_shared>>)
      tpu.yield
    }) : () -> ()
    %barrier3A = arith.constant 0 : index
    tpu.barrier barrier_id(%barrier3A)
    %scan3A = arith.constant 0 : i32
    %scan3A_20 = arith.constant 20 : i32
    %scan3A_21 = arith.addi %scan3A, %scan3A_20 : i32
    %scan3A_22 = arith.constant 1 : i32
    scf.for %scan3A_51 = %scan3A to %scan3A_21 step %scan3A_22  : i32 {
      %mul3A_52 = arith.constant 2 : i32
      %mul3A_53 = arith.muli %scan3A_51, %mul3A_52 : i32
      %add3A_54 = arith.constant 0 : i32
      %add3A_55 = arith.addi %add3A_54, %mul3A_53 : i32
      %dma_wait3A = arith.constant 0 : i32
      %dma_wait3A_56 = tpu.memref_slice %arg7[%add3A_55, %dma_wait3A] : memref<40x128xi32, #tpu.memory_space<vmem>> -> memref<1x128xi32, #tpu.memory_space<vmem>>
      %dma_wait3A_57 = tpu.memref_squeeze %dma_wait3A_56 : memref<1x128xi32, #tpu.memory_space<vmem>> -> memref<128xi32, #tpu.memory_space<vmem>>
      %dma_wait3A_58 = arith.constant 0 : i32
      %dma_wait3A_59 = arith.constant 0 : i32
      %dma_wait3A_60 = tpu.memref_slice %arg2[%dma_wait3A_58, %dma_wait3A_59] : memref<10240x128xf32, #tpu.memory_space<hbm>> -> memref<10240x128xf32, #tpu.memory_space<hbm>>
      tpu.wait_indirect_dma semaphore(%arg12 : memref<!tpu.dma_semaphore, #tpu.memory_space<semaphore_mem>>) src(%dma_wait3A_60 : memref<10240x128xf32, #tpu.memory_space<hbm>>) dst(%arg9 : memref<128x128xf32, #tpu.memory_space<vmem>>)
      %dma_start3A_61 = arith.constant 0 : i32
      %dma_start3A_62 = tpu.memref_slice %arg8[%add3A_55, %dma_start3A_61] : memref<40x128xi32, #tpu.memory_space<vmem>> -> memref<1x128xi32, #tpu.memory_space<vmem>>
      %dma_start3A_63 = tpu.memref_squeeze %dma_start3A_62 : memref<1x128xi32, #tpu.memory_space<vmem>> -> memref<128xi32, #tpu.memory_space<vmem>>
      %dma_start3A_64 = arith.constant 0 : i32
      %dma_start3A_65 = arith.constant 0 : i32
      %dma_start3A_66 = tpu.memref_slice %arg11[%dma_start3A_64, %dma_start3A_65] : memref<10240x128xf32, #tpu.memory_space<vmem_shared>> -> memref<10240x128xf32, #tpu.memory_space<vmem_shared>>
      tpu.enqueue_indirect_dma source(%arg9 : memref<128x128xf32, #tpu.memory_space<vmem>>) target(%dma_start3A_66 : memref<10240x128xf32, #tpu.memory_space<vmem_shared>>) offsets(%dma_start3A_63 : memref<128xi32, #tpu.memory_space<vmem>>) semaphore(%arg14 : memref<!tpu.dma_semaphore, #tpu.memory_space<semaphore_mem>>) {add = true}
      %add3A_67 = arith.constant 1 : i32
      %add3A_68 = arith.addi %add3A_55, %add3A_67 : i32
      %dma_wait3A_69 = arith.constant 0 : i32
      %dma_wait3A_70 = tpu.memref_slice %arg7[%add3A_68, %dma_wait3A_69] : memref<40x128xi32, #tpu.memory_space<vmem>> -> memref<1x128xi32, #tpu.memory_space<vmem>>
      %dma_wait3A_71 = tpu.memref_squeeze %dma_wait3A_70 : memref<1x128xi32, #tpu.memory_space<vmem>> -> memref<128xi32, #tpu.memory_space<vmem>>
      %dma_wait3A_72 = arith.constant 0 : i32
      %dma_wait3A_73 = arith.constant 0 : i32
      %dma_wait3A_74 = tpu.memref_slice %arg2[%dma_wait3A_72, %dma_wait3A_73] : memref<10240x128xf32, #tpu.memory_space<hbm>> -> memref<10240x128xf32, #tpu.memory_space<hbm>>
      tpu.wait_indirect_dma semaphore(%arg13 : memref<!tpu.dma_semaphore, #tpu.memory_space<semaphore_mem>>) src(%dma_wait3A_74 : memref<10240x128xf32, #tpu.memory_space<hbm>>) dst(%arg10 : memref<128x128xf32, #tpu.memory_space<vmem>>)
      %add3A_75 = arith.constant 1 : i32
      %add3A_76 = arith.addi %add3A_55, %add3A_75 : i32
      %dma_start3A_77 = arith.constant 0 : i32
      %dma_start3A_78 = tpu.memref_slice %arg8[%add3A_76, %dma_start3A_77] : memref<40x128xi32, #tpu.memory_space<vmem>> -> memref<1x128xi32, #tpu.memory_space<vmem>>
      %dma_start3A_79 = tpu.memref_squeeze %dma_start3A_78 : memref<1x128xi32, #tpu.memory_space<vmem>> -> memref<128xi32, #tpu.memory_space<vmem>>
      %dma_start3A_80 = arith.constant 0 : i32
      %dma_start3A_81 = arith.constant 0 : i32
      %dma_start3A_82 = tpu.memref_slice %arg11[%dma_start3A_80, %dma_start3A_81] : memref<10240x128xf32, #tpu.memory_space<vmem_shared>> -> memref<10240x128xf32, #tpu.memory_space<vmem_shared>>
      tpu.enqueue_indirect_dma source(%arg10 : memref<128x128xf32, #tpu.memory_space<vmem>>) target(%dma_start3A_82 : memref<10240x128xf32, #tpu.memory_space<vmem_shared>>) offsets(%dma_start3A_79 : memref<128xi32, #tpu.memory_space<vmem>>) semaphore(%arg15 : memref<!tpu.dma_semaphore, #tpu.memory_space<semaphore_mem>>) {add = true}
      %dma_wait3A_83 = arith.constant 0 : i32
      %dma_wait3A_84 = tpu.memref_slice %arg8[%add3A_55, %dma_wait3A_83] : memref<40x128xi32, #tpu.memory_space<vmem>> -> memref<1x128xi32, #tpu.memory_space<vmem>>
      %dma_wait3A_85 = tpu.memref_squeeze %dma_wait3A_84 : memref<1x128xi32, #tpu.memory_space<vmem>> -> memref<128xi32, #tpu.memory_space<vmem>>
      %dma_wait3A_86 = arith.constant 0 : i32
      %dma_wait3A_87 = arith.constant 0 : i32
      %dma_wait3A_88 = tpu.memref_slice %arg11[%dma_wait3A_86, %dma_wait3A_87] : memref<10240x128xf32, #tpu.memory_space<vmem_shared>> -> memref<10240x128xf32, #tpu.memory_space<vmem_shared>>
      tpu.wait_indirect_dma semaphore(%arg14 : memref<!tpu.dma_semaphore, #tpu.memory_space<semaphore_mem>>) src(%arg9 : memref<128x128xf32, #tpu.memory_space<vmem>>) dst(%dma_wait3A_88 : memref<10240x128xf32, #tpu.memory_space<vmem_shared>>)
      %add3A_89 = arith.constant 2 : i32
      %add3A_90 = arith.addi %add3A_55, %add3A_89 : i32
      %lt3A = arith.constant 40 : i32
      %lt3A_91 = arith.cmpi slt, %add3A_90, %lt3A : i32
      %convert_element_type3A = arith.extui %lt3A_91 : i1 to i32
      %cond3A = arith.constant 0 : i32
      %cond3A_92 = arith.cmpi ne, %convert_element_type3A, %cond3A : i32
      scf.if %cond3A_92 {
        %add3A_106 = arith.constant 2 : i32
        %add3A_107 = arith.addi %add3A_55, %add3A_106 : i32
        %dma_start3A_108 = arith.constant 0 : i32
        %dma_start3A_109 = tpu.memref_slice %arg7[%add3A_107, %dma_start3A_108] : memref<40x128xi32, #tpu.memory_space<vmem>> -> memref<1x128xi32, #tpu.memory_space<vmem>>
        %dma_start3A_110 = tpu.memref_squeeze %dma_start3A_109 : memref<1x128xi32, #tpu.memory_space<vmem>> -> memref<128xi32, #tpu.memory_space<vmem>>
        %dma_start3A_111 = arith.constant 0 : i32
        %dma_start3A_112 = arith.constant 0 : i32
        %dma_start3A_113 = tpu.memref_slice %arg2[%dma_start3A_111, %dma_start3A_112] : memref<10240x128xf32, #tpu.memory_space<hbm>> -> memref<10240x128xf32, #tpu.memory_space<hbm>>
        tpu.enqueue_indirect_dma source(%dma_start3A_113 : memref<10240x128xf32, #tpu.memory_space<hbm>>) target(%arg9 : memref<128x128xf32, #tpu.memory_space<vmem>>) offsets(%dma_start3A_110 : memref<128xi32, #tpu.memory_space<vmem>>) semaphore(%arg12 : memref<!tpu.dma_semaphore, #tpu.memory_space<semaphore_mem>>)
      } else {
      }
      %dma_wait3A_93 = arith.constant 0 : i32
      %dma_wait3A_94 = tpu.memref_slice %arg8[%add3A_76, %dma_wait3A_93] : memref<40x128xi32, #tpu.memory_space<vmem>> -> memref<1x128xi32, #tpu.memory_space<vmem>>
      %dma_wait3A_95 = tpu.memref_squeeze %dma_wait3A_94 : memref<1x128xi32, #tpu.memory_space<vmem>> -> memref<128xi32, #tpu.memory_space<vmem>>
      %dma_wait3A_96 = arith.constant 0 : i32
      %dma_wait3A_97 = arith.constant 0 : i32
      %dma_wait3A_98 = tpu.memref_slice %arg11[%dma_wait3A_96, %dma_wait3A_97] : memref<10240x128xf32, #tpu.memory_space<vmem_shared>> -> memref<10240x128xf32, #tpu.memory_space<vmem_shared>>
      tpu.wait_indirect_dma semaphore(%arg15 : memref<!tpu.dma_semaphore, #tpu.memory_space<semaphore_mem>>) src(%arg10 : memref<128x128xf32, #tpu.memory_space<vmem>>) dst(%dma_wait3A_98 : memref<10240x128xf32, #tpu.memory_space<vmem_shared>>)
      %add3A_99 = arith.constant 2 : i32
      %add3A_100 = arith.addi %add3A_55, %add3A_99 : i32
      %lt3A_101 = arith.constant 40 : i32
      %lt3A_102 = arith.cmpi slt, %add3A_100, %lt3A_101 : i32
      %convert_element_type3A_103 = arith.extui %lt3A_102 : i1 to i32
      %cond3A_104 = arith.constant 0 : i32
      %cond3A_105 = arith.cmpi ne, %convert_element_type3A_103, %cond3A_104 : i32
      scf.if %cond3A_105 {
        %add3A_106 = arith.constant 3 : i32
        %add3A_107 = arith.addi %add3A_55, %add3A_106 : i32
        %dma_start3A_108 = arith.constant 0 : i32
        %dma_start3A_109 = tpu.memref_slice %arg7[%add3A_107, %dma_start3A_108] : memref<40x128xi32, #tpu.memory_space<vmem>> -> memref<1x128xi32, #tpu.memory_space<vmem>>
        %dma_start3A_110 = tpu.memref_squeeze %dma_start3A_109 : memref<1x128xi32, #tpu.memory_space<vmem>> -> memref<128xi32, #tpu.memory_space<vmem>>
        %dma_start3A_111 = arith.constant 0 : i32
        %dma_start3A_112 = arith.constant 0 : i32
        %dma_start3A_113 = tpu.memref_slice %arg2[%dma_start3A_111, %dma_start3A_112] : memref<10240x128xf32, #tpu.memory_space<hbm>> -> memref<10240x128xf32, #tpu.memory_space<hbm>>
        tpu.enqueue_indirect_dma source(%dma_start3A_113 : memref<10240x128xf32, #tpu.memory_space<hbm>>) target(%arg10 : memref<128x128xf32, #tpu.memory_space<vmem>>) offsets(%dma_start3A_110 : memref<128xi32, #tpu.memory_space<vmem>>) semaphore(%arg13 : memref<!tpu.dma_semaphore, #tpu.memory_space<semaphore_mem>>)
      } else {
      }
    }
    %scan3A_23 = arith.constant 20 : i32
    %mul3A_24 = arith.constant 80 : i32
    %mul3A_25 = arith.muli %add3A, %mul3A_24 : i32
    %add3A_26 = arith.constant 40 : i32
    %add3A_27 = arith.addi %mul3A_25, %add3A_26 : i32
    "tpu.region"() ({
      %run_scoped3A = tpu.sem_alloc : memref<!tpu.dma_semaphore, #tpu.memory_space<semaphore_mem>>
      %dma_start3A_51 = arith.constant 0 : i32
      %dma_start3A_52 = tpu.memref_slice %arg3[%add3A_27, %dma_start3A_51] : memref<2560x128xi32, #tpu.memory_space<hbm>> -> memref<40x128xi32, #tpu.memory_space<hbm>>
      %dma_start3A_53 = arith.constant 0 : i32
      %dma_start3A_54 = tpu.memref_slice %arg3[%add3A_27, %dma_start3A_53] : memref<2560x128xi32, #tpu.memory_space<hbm>> -> memref<40x128xi32, #tpu.memory_space<hbm>>
      tpu.enqueue_dma source(%dma_start3A_54 : memref<40x128xi32, #tpu.memory_space<hbm>>) target(%arg7 : memref<40x128xi32, #tpu.memory_space<vmem>>) target_semaphore(%run_scoped3A : memref<!tpu.dma_semaphore, #tpu.memory_space<semaphore_mem>>)
      %dma_wait3A = arith.constant 0 : i32
      %dma_wait3A_55 = tpu.memref_slice %arg3[%add3A_27, %dma_wait3A] : memref<2560x128xi32, #tpu.memory_space<hbm>> -> memref<40x128xi32, #tpu.memory_space<hbm>>
      %dma_wait3A_56 = arith.constant 0 : i32
      %dma_wait3A_57 = tpu.memref_slice %arg3[%add3A_27, %dma_wait3A_56] : memref<2560x128xi32, #tpu.memory_space<hbm>> -> memref<40x128xi32, #tpu.memory_space<hbm>>
      tpu.wait_dma2 semaphore(%run_scoped3A : memref<!tpu.dma_semaphore, #tpu.memory_space<semaphore_mem>>) src(%dma_wait3A_57 : memref<40x128xi32, #tpu.memory_space<hbm>>) dst(%arg7 : memref<40x128xi32, #tpu.memory_space<vmem>>)
      tpu.yield
    }) : () -> ()
    "tpu.region"() ({
      %run_scoped3A = tpu.sem_alloc : memref<!tpu.dma_semaphore, #tpu.memory_space<semaphore_mem>>
      %dma_start3A_51 = arith.constant 0 : i32
      %dma_start3A_52 = tpu.memref_slice %arg4[%add3A_27, %dma_start3A_51] : memref<2560x128xi32, #tpu.memory_space<hbm>> -> memref<40x128xi32, #tpu.memory_space<hbm>>
      %dma_start3A_53 = arith.constant 0 : i32
      %dma_start3A_54 = tpu.memref_slice %arg4[%add3A_27, %dma_start3A_53] : memref<2560x128xi32, #tpu.memory_space<hbm>> -> memref<40x128xi32, #tpu.memory_space<hbm>>
      tpu.enqueue_dma source(%dma_start3A_54 : memref<40x128xi32, #tpu.memory_space<hbm>>) target(%arg8 : memref<40x128xi32, #tpu.memory_space<vmem>>) target_semaphore(%run_scoped3A : memref<!tpu.dma_semaphore, #tpu.memory_space<semaphore_mem>>)
      %dma_wait3A = arith.constant 0 : i32
      %dma_wait3A_55 = tpu.memref_slice %arg4[%add3A_27, %dma_wait3A] : memref<2560x128xi32, #tpu.memory_space<hbm>> -> memref<40x128xi32, #tpu.memory_space<hbm>>
      %dma_wait3A_56 = arith.constant 0 : i32
      %dma_wait3A_57 = tpu.memref_slice %arg4[%add3A_27, %dma_wait3A_56] : memref<2560x128xi32, #tpu.memory_space<hbm>> -> memref<40x128xi32, #tpu.memory_space<hbm>>
      tpu.wait_dma2 semaphore(%run_scoped3A : memref<!tpu.dma_semaphore, #tpu.memory_space<semaphore_mem>>) src(%dma_wait3A_57 : memref<40x128xi32, #tpu.memory_space<hbm>>) dst(%arg8 : memref<40x128xi32, #tpu.memory_space<vmem>>)
      tpu.yield
    }) : () -> ()
    %dma_start3A_28 = arith.constant 0 : i32
    %dma_start3A_29 = arith.constant 0 : i32
    %dma_start3A_30 = tpu.memref_slice %arg7[%dma_start3A_28, %dma_start3A_29] : memref<40x128xi32, #tpu.memory_space<vmem>> -> memref<1x128xi32, #tpu.memory_space<vmem>>
    %dma_start3A_31 = tpu.memref_squeeze %dma_start3A_30 : memref<1x128xi32, #tpu.memory_space<vmem>> -> memref<128xi32, #tpu.memory_space<vmem>>
    %dma_start3A_32 = arith.constant 0 : i32
    %dma_start3A_33 = arith.constant 0 : i32
    %dma_start3A_34 = tpu.memref_slice %arg2[%dma_start3A_32, %dma_start3A_33] : memref<10240x128xf32, #tpu.memory_space<hbm>> -> memref<10240x128xf32, #tpu.memory_space<hbm>>
    tpu.enqueue_indirect_dma source(%dma_start3A_34 : memref<10240x128xf32, #tpu.memory_space<hbm>>) target(%arg9 : memref<128x128xf32, #tpu.memory_space<vmem>>) offsets(%dma_start3A_31 : memref<128xi32, #tpu.memory_space<vmem>>) semaphore(%arg12 : memref<!tpu.dma_semaphore, #tpu.memory_space<semaphore_mem>>)
    %dma_start3A_35 = arith.constant 1 : i32
    %dma_start3A_36 = arith.constant 0 : i32
    %dma_start3A_37 = tpu.memref_slice %arg7[%dma_start3A_35, %dma_start3A_36] : memref<40x128xi32, #tpu.memory_space<vmem>> -> memref<1x128xi32, #tpu.memory_space<vmem>>
    %dma_start3A_38 = tpu.memref_squeeze %dma_start3A_37 : memref<1x128xi32, #tpu.memory_space<vmem>> -> memref<128xi32, #tpu.memory_space<vmem>>
    %dma_start3A_39 = arith.constant 0 : i32
    %dma_start3A_40 = arith.constant 0 : i32
    %dma_start3A_41 = tpu.memref_slice %arg2[%dma_start3A_39, %dma_start3A_40] : memref<10240x128xf32, #tpu.memory_space<hbm>> -> memref<10240x128xf32, #tpu.memory_space<hbm>>
    tpu.enqueue_indirect_dma source(%dma_start3A_41 : memref<10240x128xf32, #tpu.memory_space<hbm>>) target(%arg10 : memref<128x128xf32, #tpu.memory_space<vmem>>) offsets(%dma_start3A_38 : memref<128xi32, #tpu.memory_space<vmem>>) semaphore(%arg13 : memref<!tpu.dma_semaphore, #tpu.memory_space<semaphore_mem>>)
    %scan3A_42 = arith.constant 0 : i32
    %scan3A_43 = arith.constant 20 : i32
    %scan3A_44 = arith.addi %scan3A_42, %scan3A_43 : i32
    %scan3A_45 = arith.constant 1 : i32
    scf.for %scan3A_51 = %scan3A_42 to %scan3A_44 step %scan3A_45  : i32 {
      %mul3A_52 = arith.constant 2 : i32
      %mul3A_53 = arith.muli %scan3A_51, %mul3A_52 : i32
      %add3A_54 = arith.constant 0 : i32
      %add3A_55 = arith.addi %add3A_54, %mul3A_53 : i32
      %dma_wait3A = arith.constant 0 : i32
      %dma_wait3A_56 = tpu.memref_slice %arg7[%add3A_55, %dma_wait3A] : memref<40x128xi32, #tpu.memory_space<vmem>> -> memref<1x128xi32, #tpu.memory_space<vmem>>
      %dma_wait3A_57 = tpu.memref_squeeze %dma_wait3A_56 : memref<1x128xi32, #tpu.memory_space<vmem>> -> memref<128xi32, #tpu.memory_space<vmem>>
      %dma_wait3A_58 = arith.constant 0 : i32
      %dma_wait3A_59 = arith.constant 0 : i32
      %dma_wait3A_60 = tpu.memref_slice %arg2[%dma_wait3A_58, %dma_wait3A_59] : memref<10240x128xf32, #tpu.memory_space<hbm>> -> memref<10240x128xf32, #tpu.memory_space<hbm>>
      tpu.wait_indirect_dma semaphore(%arg12 : memref<!tpu.dma_semaphore, #tpu.memory_space<semaphore_mem>>) src(%dma_wait3A_60 : memref<10240x128xf32, #tpu.memory_space<hbm>>) dst(%arg9 : memref<128x128xf32, #tpu.memory_space<vmem>>)
      %dma_start3A_61 = arith.constant 0 : i32
      %dma_start3A_62 = tpu.memref_slice %arg8[%add3A_55, %dma_start3A_61] : memref<40x128xi32, #tpu.memory_space<vmem>> -> memref<1x128xi32, #tpu.memory_space<vmem>>
      %dma_start3A_63 = tpu.memref_squeeze %dma_start3A_62 : memref<1x128xi32, #tpu.memory_space<vmem>> -> memref<128xi32, #tpu.memory_space<vmem>>
      %dma_start3A_64 = arith.constant 0 : i32
      %dma_start3A_65 = arith.constant 0 : i32
      %dma_start3A_66 = tpu.memref_slice %arg11[%dma_start3A_64, %dma_start3A_65] : memref<10240x128xf32, #tpu.memory_space<vmem_shared>> -> memref<10240x128xf32, #tpu.memory_space<vmem_shared>>
      tpu.enqueue_indirect_dma source(%arg9 : memref<128x128xf32, #tpu.memory_space<vmem>>) target(%dma_start3A_66 : memref<10240x128xf32, #tpu.memory_space<vmem_shared>>) offsets(%dma_start3A_63 : memref<128xi32, #tpu.memory_space<vmem>>) semaphore(%arg14 : memref<!tpu.dma_semaphore, #tpu.memory_space<semaphore_mem>>) {add = true}
      %add3A_67 = arith.constant 1 : i32
      %add3A_68 = arith.addi %add3A_55, %add3A_67 : i32
      %dma_wait3A_69 = arith.constant 0 : i32
      %dma_wait3A_70 = tpu.memref_slice %arg7[%add3A_68, %dma_wait3A_69] : memref<40x128xi32, #tpu.memory_space<vmem>> -> memref<1x128xi32, #tpu.memory_space<vmem>>
      %dma_wait3A_71 = tpu.memref_squeeze %dma_wait3A_70 : memref<1x128xi32, #tpu.memory_space<vmem>> -> memref<128xi32, #tpu.memory_space<vmem>>
      %dma_wait3A_72 = arith.constant 0 : i32
      %dma_wait3A_73 = arith.constant 0 : i32
      %dma_wait3A_74 = tpu.memref_slice %arg2[%dma_wait3A_72, %dma_wait3A_73] : memref<10240x128xf32, #tpu.memory_space<hbm>> -> memref<10240x128xf32, #tpu.memory_space<hbm>>
      tpu.wait_indirect_dma semaphore(%arg13 : memref<!tpu.dma_semaphore, #tpu.memory_space<semaphore_mem>>) src(%dma_wait3A_74 : memref<10240x128xf32, #tpu.memory_space<hbm>>) dst(%arg10 : memref<128x128xf32, #tpu.memory_space<vmem>>)
      %add3A_75 = arith.constant 1 : i32
      %add3A_76 = arith.addi %add3A_55, %add3A_75 : i32
      %dma_start3A_77 = arith.constant 0 : i32
      %dma_start3A_78 = tpu.memref_slice %arg8[%add3A_76, %dma_start3A_77] : memref<40x128xi32, #tpu.memory_space<vmem>> -> memref<1x128xi32, #tpu.memory_space<vmem>>
      %dma_start3A_79 = tpu.memref_squeeze %dma_start3A_78 : memref<1x128xi32, #tpu.memory_space<vmem>> -> memref<128xi32, #tpu.memory_space<vmem>>
      %dma_start3A_80 = arith.constant 0 : i32
      %dma_start3A_81 = arith.constant 0 : i32
      %dma_start3A_82 = tpu.memref_slice %arg11[%dma_start3A_80, %dma_start3A_81] : memref<10240x128xf32, #tpu.memory_space<vmem_shared>> -> memref<10240x128xf32, #tpu.memory_space<vmem_shared>>
      tpu.enqueue_indirect_dma source(%arg10 : memref<128x128xf32, #tpu.memory_space<vmem>>) target(%dma_start3A_82 : memref<10240x128xf32, #tpu.memory_space<vmem_shared>>) offsets(%dma_start3A_79 : memref<128xi32, #tpu.memory_space<vmem>>) semaphore(%arg15 : memref<!tpu.dma_semaphore, #tpu.memory_space<semaphore_mem>>) {add = true}
      %dma_wait3A_83 = arith.constant 0 : i32
      %dma_wait3A_84 = tpu.memref_slice %arg8[%add3A_55, %dma_wait3A_83] : memref<40x128xi32, #tpu.memory_space<vmem>> -> memref<1x128xi32, #tpu.memory_space<vmem>>
      %dma_wait3A_85 = tpu.memref_squeeze %dma_wait3A_84 : memref<1x128xi32, #tpu.memory_space<vmem>> -> memref<128xi32, #tpu.memory_space<vmem>>
      %dma_wait3A_86 = arith.constant 0 : i32
      %dma_wait3A_87 = arith.constant 0 : i32
      %dma_wait3A_88 = tpu.memref_slice %arg11[%dma_wait3A_86, %dma_wait3A_87] : memref<10240x128xf32, #tpu.memory_space<vmem_shared>> -> memref<10240x128xf32, #tpu.memory_space<vmem_shared>>
      tpu.wait_indirect_dma semaphore(%arg14 : memref<!tpu.dma_semaphore, #tpu.memory_space<semaphore_mem>>) src(%arg9 : memref<128x128xf32, #tpu.memory_space<vmem>>) dst(%dma_wait3A_88 : memref<10240x128xf32, #tpu.memory_space<vmem_shared>>)
      %add3A_89 = arith.constant 2 : i32
      %add3A_90 = arith.addi %add3A_55, %add3A_89 : i32
      %lt3A = arith.constant 40 : i32
      %lt3A_91 = arith.cmpi slt, %add3A_90, %lt3A : i32
      %convert_element_type3A = arith.extui %lt3A_91 : i1 to i32
      %cond3A = arith.constant 0 : i32
      %cond3A_92 = arith.cmpi ne, %convert_element_type3A, %cond3A : i32
      scf.if %cond3A_92 {
        %add3A_106 = arith.constant 2 : i32
        %add3A_107 = arith.addi %add3A_55, %add3A_106 : i32
        %dma_start3A_108 = arith.constant 0 : i32
        %dma_start3A_109 = tpu.memref_slice %arg7[%add3A_107, %dma_start3A_108] : memref<40x128xi32, #tpu.memory_space<vmem>> -> memref<1x128xi32, #tpu.memory_space<vmem>>
        %dma_start3A_110 = tpu.memref_squeeze %dma_start3A_109 : memref<1x128xi32, #tpu.memory_space<vmem>> -> memref<128xi32, #tpu.memory_space<vmem>>
        %dma_start3A_111 = arith.constant 0 : i32
        %dma_start3A_112 = arith.constant 0 : i32
        %dma_start3A_113 = tpu.memref_slice %arg2[%dma_start3A_111, %dma_start3A_112] : memref<10240x128xf32, #tpu.memory_space<hbm>> -> memref<10240x128xf32, #tpu.memory_space<hbm>>
        tpu.enqueue_indirect_dma source(%dma_start3A_113 : memref<10240x128xf32, #tpu.memory_space<hbm>>) target(%arg9 : memref<128x128xf32, #tpu.memory_space<vmem>>) offsets(%dma_start3A_110 : memref<128xi32, #tpu.memory_space<vmem>>) semaphore(%arg12 : memref<!tpu.dma_semaphore, #tpu.memory_space<semaphore_mem>>)
      } else {
      }
      %dma_wait3A_93 = arith.constant 0 : i32
      %dma_wait3A_94 = tpu.memref_slice %arg8[%add3A_76, %dma_wait3A_93] : memref<40x128xi32, #tpu.memory_space<vmem>> -> memref<1x128xi32, #tpu.memory_space<vmem>>
      %dma_wait3A_95 = tpu.memref_squeeze %dma_wait3A_94 : memref<1x128xi32, #tpu.memory_space<vmem>> -> memref<128xi32, #tpu.memory_space<vmem>>
      %dma_wait3A_96 = arith.constant 0 : i32
      %dma_wait3A_97 = arith.constant 0 : i32
      %dma_wait3A_98 = tpu.memref_slice %arg11[%dma_wait3A_96, %dma_wait3A_97] : memref<10240x128xf32, #tpu.memory_space<vmem_shared>> -> memref<10240x128xf32, #tpu.memory_space<vmem_shared>>
      tpu.wait_indirect_dma semaphore(%arg15 : memref<!tpu.dma_semaphore, #tpu.memory_space<semaphore_mem>>) src(%arg10 : memref<128x128xf32, #tpu.memory_space<vmem>>) dst(%dma_wait3A_98 : memref<10240x128xf32, #tpu.memory_space<vmem_shared>>)
      %add3A_99 = arith.constant 2 : i32
      %add3A_100 = arith.addi %add3A_55, %add3A_99 : i32
      %lt3A_101 = arith.constant 40 : i32
      %lt3A_102 = arith.cmpi slt, %add3A_100, %lt3A_101 : i32
      %convert_element_type3A_103 = arith.extui %lt3A_102 : i1 to i32
      %cond3A_104 = arith.constant 0 : i32
      %cond3A_105 = arith.cmpi ne, %convert_element_type3A_103, %cond3A_104 : i32
      scf.if %cond3A_105 {
        %add3A_106 = arith.constant 3 : i32
        %add3A_107 = arith.addi %add3A_55, %add3A_106 : i32
        %dma_start3A_108 = arith.constant 0 : i32
        %dma_start3A_109 = tpu.memref_slice %arg7[%add3A_107, %dma_start3A_108] : memref<40x128xi32, #tpu.memory_space<vmem>> -> memref<1x128xi32, #tpu.memory_space<vmem>>
        %dma_start3A_110 = tpu.memref_squeeze %dma_start3A_109 : memref<1x128xi32, #tpu.memory_space<vmem>> -> memref<128xi32, #tpu.memory_space<vmem>>
        %dma_start3A_111 = arith.constant 0 : i32
        %dma_start3A_112 = arith.constant 0 : i32
        %dma_start3A_113 = tpu.memref_slice %arg2[%dma_start3A_111, %dma_start3A_112] : memref<10240x128xf32, #tpu.memory_space<hbm>> -> memref<10240x128xf32, #tpu.memory_space<hbm>>
        tpu.enqueue_indirect_dma source(%dma_start3A_113 : memref<10240x128xf32, #tpu.memory_space<hbm>>) target(%arg10 : memref<128x128xf32, #tpu.memory_space<vmem>>) offsets(%dma_start3A_110 : memref<128xi32, #tpu.memory_space<vmem>>) semaphore(%arg13 : memref<!tpu.dma_semaphore, #tpu.memory_space<semaphore_mem>>)
      } else {
      }
    }
    %scan3A_46 = arith.constant 20 : i32
    %barrier3A_47 = arith.constant 0 : index
    tpu.barrier barrier_id(%barrier3A_47)
    %mul3A_48 = arith.constant 10240 : i32
    %mul3A_49 = arith.muli %arg0, %mul3A_48 : i32
    %add3A_50 = arith.addi %mul3A_49, %mul3A_2 : i32
    "tpu.region"() ({
      %run_scoped3A = tpu.sem_alloc : memref<!tpu.dma_semaphore, #tpu.memory_space<semaphore_mem>>
      %dma_start3A_51 = arith.constant 0 : i32
      %dma_start3A_52 = tpu.memref_slice %arg6[%add3A_50, %dma_start3A_51] : memref<20480x128xf32, #tpu.memory_space<hbm>> -> memref<640x128xf32, #tpu.memory_space<hbm>>
      %dma_start3A_53 = arith.constant 0 : i32
      %dma_start3A_54 = tpu.memref_slice %arg11[%mul3A_2, %dma_start3A_53] : memref<10240x128xf32, #tpu.memory_space<vmem_shared>> -> memref<640x128xf32, #tpu.memory_space<vmem_shared>>
      tpu.enqueue_dma source(%dma_start3A_54 : memref<640x128xf32, #tpu.memory_space<vmem_shared>>) target(%dma_start3A_52 : memref<640x128xf32, #tpu.memory_space<hbm>>) target_semaphore(%run_scoped3A : memref<!tpu.dma_semaphore, #tpu.memory_space<semaphore_mem>>)
      %dma_wait3A = arith.constant 0 : i32
      %dma_wait3A_55 = tpu.memref_slice %arg6[%add3A_50, %dma_wait3A] : memref<20480x128xf32, #tpu.memory_space<hbm>> -> memref<640x128xf32, #tpu.memory_space<hbm>>
      %dma_wait3A_56 = arith.constant 0 : i32
      %dma_wait3A_57 = tpu.memref_slice %arg11[%mul3A_2, %dma_wait3A_56] : memref<10240x128xf32, #tpu.memory_space<vmem_shared>> -> memref<640x128xf32, #tpu.memory_space<vmem_shared>>
      tpu.wait_dma2 semaphore(%run_scoped3A : memref<!tpu.dma_semaphore, #tpu.memory_space<semaphore_mem>>) src(%dma_wait3A_57 : memref<640x128xf32, #tpu.memory_space<vmem_shared>>) dst(%dma_wait3A_55 : memref<640x128xf32, #tpu.memory_space<hbm>>)
      tpu.yield
    }) : () -> ()
    return
  }
}

#map = affine_map<(d0, d1) -> (0, 0)>
module attributes {stable_mosaic.version = 14 : i64} {
  func.func @agg(%arg0: i32, %arg1: i32, %arg2: memref<10240x128xf32, #tpu.memory_space<hbm>>, %arg3: memref<2560x128xi32, #tpu.memory_space<hbm>>, %arg4: memref<2560x128xi32, #tpu.memory_space<hbm>>, %arg5: memref<640x128xf32, #tpu.memory_space<hbm>>, %arg6: memref<20480x128xf32, #tpu.memory_space<hbm>>, %arg7: memref<40x128xi32, #tpu.memory_space<vmem>>, %arg8: memref<40x128xi32, #tpu.memory_space<vmem>>, %arg9: memref<128x128xf32, #tpu.memory_space<vmem>>, %arg10: memref<128x128xf32, #tpu.memory_space<vmem>>, %arg11: memref<10240x128xf32, #tpu.memory_space<vmem_shared>>, %arg12: memref<!tpu.dma_semaphore, #tpu.memory_space<semaphore_mem>>, %arg13: memref<!tpu.dma_semaphore, #tpu.memory_space<semaphore_mem>>, %arg14: memref<!tpu.dma_semaphore, #tpu.memory_space<semaphore_mem>>, %arg15: memref<!tpu.dma_semaphore, #tpu.memory_space<semaphore_mem>>) attributes {dimension_semantics = [#tpu.dimension_semantics<core_parallel>, #tpu.dimension_semantics<subcore_parallel>], iteration_bounds = array<i64: 2, 16>, scalar_prefetch = 0 : i64, scratch_operands = 9 : i64, tpu.core_type = #tpu.core_type<sc_vector_subcore>, window_params = [{transform_indices = #map}, {transform_indices = #map}, {transform_indices = #map}, {transform_indices = #map}, {transform_indices = #map}]} {
    %mul3A = arith.constant 16 : i32
    %mul3A_0 = arith.muli %arg0, %mul3A : i32
    %add3A = arith.addi %mul3A_0, %arg1 : i32
    %mul3A_1 = arith.constant 640 : i32
    %mul3A_2 = arith.muli %arg1, %mul3A_1 : i32
    %mul3A_3 = arith.constant 80 : i32
    %mul3A_4 = arith.muli %add3A, %mul3A_3 : i32
    "tpu.region"() ({
      %run_scoped3A = tpu.sem_alloc : memref<!tpu.dma_semaphore, #tpu.memory_space<semaphore_mem>>
      %dma_start3A_51 = arith.constant 0 : i32
      %dma_start3A_52 = tpu.memref_slice %arg3[%mul3A_4, %dma_start3A_51] : memref<2560x128xi32, #tpu.memory_space<hbm>> -> memref<40x128xi32, #tpu.memory_space<hbm>>
      %dma_start3A_53 = arith.constant 0 : i32
      %dma_start3A_54 = tpu.memref_slice %arg3[%mul3A_4, %dma_start3A_53] : memref<2560x128xi32, #tpu.memory_space<hbm>> -> memref<40x128xi32, #tpu.memory_space<hbm>>
      tpu.enqueue_dma source(%dma_start3A_54 : memref<40x128xi32, #tpu.memory_space<hbm>>) target(%arg7 : memref<40x128xi32, #tpu.memory_space<vmem>>) target_semaphore(%run_scoped3A : memref<!tpu.dma_semaphore, #tpu.memory_space<semaphore_mem>>)
      %dma_wait3A = arith.constant 0 : i32
      %dma_wait3A_55 = tpu.memref_slice %arg3[%mul3A_4, %dma_wait3A] : memref<2560x128xi32, #tpu.memory_space<hbm>> -> memref<40x128xi32, #tpu.memory_space<hbm>>
      %dma_wait3A_56 = arith.constant 0 : i32
      %dma_wait3A_57 = tpu.memref_slice %arg3[%mul3A_4, %dma_wait3A_56] : memref<2560x128xi32, #tpu.memory_space<hbm>> -> memref<40x128xi32, #tpu.memory_space<hbm>>
      tpu.wait_dma2 semaphore(%run_scoped3A : memref<!tpu.dma_semaphore, #tpu.memory_space<semaphore_mem>>) src(%dma_wait3A_57 : memref<40x128xi32, #tpu.memory_space<hbm>>) dst(%arg7 : memref<40x128xi32, #tpu.memory_space<vmem>>)
      tpu.yield
    }) : () -> ()
    %mul3A_5 = arith.constant 80 : i32
    %mul3A_6 = arith.muli %add3A, %mul3A_5 : i32
    "tpu.region"() ({
      %run_scoped3A = tpu.sem_alloc : memref<!tpu.dma_semaphore, #tpu.memory_space<semaphore_mem>>
      %dma_start3A_51 = arith.constant 0 : i32
      %dma_start3A_52 = tpu.memref_slice %arg4[%mul3A_6, %dma_start3A_51] : memref<2560x128xi32, #tpu.memory_space<hbm>> -> memref<40x128xi32, #tpu.memory_space<hbm>>
      %dma_start3A_53 = arith.constant 0 : i32
      %dma_start3A_54 = tpu.memref_slice %arg4[%mul3A_6, %dma_start3A_53] : memref<2560x128xi32, #tpu.memory_space<hbm>> -> memref<40x128xi32, #tpu.memory_space<hbm>>
      tpu.enqueue_dma source(%dma_start3A_54 : memref<40x128xi32, #tpu.memory_space<hbm>>) target(%arg8 : memref<40x128xi32, #tpu.memory_space<vmem>>) target_semaphore(%run_scoped3A : memref<!tpu.dma_semaphore, #tpu.memory_space<semaphore_mem>>)
      %dma_wait3A = arith.constant 0 : i32
      %dma_wait3A_55 = tpu.memref_slice %arg4[%mul3A_6, %dma_wait3A] : memref<2560x128xi32, #tpu.memory_space<hbm>> -> memref<40x128xi32, #tpu.memory_space<hbm>>
      %dma_wait3A_56 = arith.constant 0 : i32
      %dma_wait3A_57 = tpu.memref_slice %arg4[%mul3A_6, %dma_wait3A_56] : memref<2560x128xi32, #tpu.memory_space<hbm>> -> memref<40x128xi32, #tpu.memory_space<hbm>>
      tpu.wait_dma2 semaphore(%run_scoped3A : memref<!tpu.dma_semaphore, #tpu.memory_space<semaphore_mem>>) src(%dma_wait3A_57 : memref<40x128xi32, #tpu.memory_space<hbm>>) dst(%arg8 : memref<40x128xi32, #tpu.memory_space<vmem>>)
      tpu.yield
    }) : () -> ()
    %dma_start3A = arith.constant 0 : i32
    %dma_start3A_7 = arith.constant 0 : i32
    %dma_start3A_8 = tpu.memref_slice %arg7[%dma_start3A, %dma_start3A_7] : memref<40x128xi32, #tpu.memory_space<vmem>> -> memref<1x128xi32, #tpu.memory_space<vmem>>
    %dma_start3A_9 = tpu.memref_squeeze %dma_start3A_8 : memref<1x128xi32, #tpu.memory_space<vmem>> -> memref<128xi32, #tpu.memory_space<vmem>>
    %dma_start3A_10 = arith.constant 0 : i32
    %dma_start3A_11 = arith.constant 0 : i32
    %dma_start3A_12 = tpu.memref_slice %arg2[%dma_start3A_10, %dma_start3A_11] : memref<10240x128xf32, #tpu.memory_space<hbm>> -> memref<10240x128xf32, #tpu.memory_space<hbm>>
    tpu.enqueue_indirect_dma source(%dma_start3A_12 : memref<10240x128xf32, #tpu.memory_space<hbm>>) target(%arg9 : memref<128x128xf32, #tpu.memory_space<vmem>>) offsets(%dma_start3A_9 : memref<128xi32, #tpu.memory_space<vmem>>) semaphore(%arg12 : memref<!tpu.dma_semaphore, #tpu.memory_space<semaphore_mem>>)
    %dma_start3A_13 = arith.constant 1 : i32
    %dma_start3A_14 = arith.constant 0 : i32
    %dma_start3A_15 = tpu.memref_slice %arg7[%dma_start3A_13, %dma_start3A_14] : memref<40x128xi32, #tpu.memory_space<vmem>> -> memref<1x128xi32, #tpu.memory_space<vmem>>
    %dma_start3A_16 = tpu.memref_squeeze %dma_start3A_15 : memref<1x128xi32, #tpu.memory_space<vmem>> -> memref<128xi32, #tpu.memory_space<vmem>>
    %dma_start3A_17 = arith.constant 0 : i32
    %dma_start3A_18 = arith.constant 0 : i32
    %dma_start3A_19 = tpu.memref_slice %arg2[%dma_start3A_17, %dma_start3A_18] : memref<10240x128xf32, #tpu.memory_space<hbm>> -> memref<10240x128xf32, #tpu.memory_space<hbm>>
    tpu.enqueue_indirect_dma source(%dma_start3A_19 : memref<10240x128xf32, #tpu.memory_space<hbm>>) target(%arg10 : memref<128x128xf32, #tpu.memory_space<vmem>>) offsets(%dma_start3A_16 : memref<128xi32, #tpu.memory_space<vmem>>) semaphore(%arg13 : memref<!tpu.dma_semaphore, #tpu.memory_space<semaphore_mem>>)
    "tpu.region"() ({
      %run_scoped3A = tpu.sem_alloc : memref<!tpu.dma_semaphore, #tpu.memory_space<semaphore_mem>>
      %dma_start3A_51 = arith.constant 0 : i32
      %dma_start3A_52 = tpu.memref_slice %arg11[%mul3A_2, %dma_start3A_51] : memref<10240x128xf32, #tpu.memory_space<vmem_shared>> -> memref<640x128xf32, #tpu.memory_space<vmem_shared>>
      tpu.enqueue_dma source(%arg5 : memref<640x128xf32, #tpu.memory_space<hbm>>) target(%dma_start3A_52 : memref<640x128xf32, #tpu.memory_space<vmem_shared>>) target_semaphore(%run_scoped3A : memref<!tpu.dma_semaphore, #tpu.memory_space<semaphore_mem>>)
      %dma_wait3A = arith.constant 0 : i32
      %dma_wait3A_53 = tpu.memref_slice %arg11[%mul3A_2, %dma_wait3A] : memref<10240x128xf32, #tpu.memory_space<vmem_shared>> -> memref<640x128xf32, #tpu.memory_space<vmem_shared>>
      tpu.wait_dma2 semaphore(%run_scoped3A : memref<!tpu.dma_semaphore, #tpu.memory_space<semaphore_mem>>) src(%arg5 : memref<640x128xf32, #tpu.memory_space<hbm>>) dst(%dma_wait3A_53 : memref<640x128xf32, #tpu.memory_space<vmem_shared>>)
      tpu.yield
    }) : () -> ()
    %barrier3A = arith.constant 0 : index
    tpu.barrier barrier_id(%barrier3A)
    %scan3A = arith.constant 0 : i32
    %scan3A_20 = arith.constant 20 : i32
    %scan3A_21 = arith.addi %scan3A, %scan3A_20 : i32
    %scan3A_22 = arith.constant 1 : i32
    scf.for %scan3A_51 = %scan3A to %scan3A_21 step %scan3A_22  : i32 {
      %mul3A_52 = arith.constant 2 : i32
      %mul3A_53 = arith.muli %scan3A_51, %mul3A_52 : i32
      %add3A_54 = arith.constant 0 : i32
      %add3A_55 = arith.addi %add3A_54, %mul3A_53 : i32
      %dma_wait3A = arith.constant 0 : i32
      %dma_wait3A_56 = tpu.memref_slice %arg7[%add3A_55, %dma_wait3A] : memref<40x128xi32, #tpu.memory_space<vmem>> -> memref<1x128xi32, #tpu.memory_space<vmem>>
      %dma_wait3A_57 = tpu.memref_squeeze %dma_wait3A_56 : memref<1x128xi32, #tpu.memory_space<vmem>> -> memref<128xi32, #tpu.memory_space<vmem>>
      %dma_wait3A_58 = arith.constant 0 : i32
      %dma_wait3A_59 = arith.constant 0 : i32
      %dma_wait3A_60 = tpu.memref_slice %arg2[%dma_wait3A_58, %dma_wait3A_59] : memref<10240x128xf32, #tpu.memory_space<hbm>> -> memref<10240x128xf32, #tpu.memory_space<hbm>>
      tpu.wait_indirect_dma semaphore(%arg12 : memref<!tpu.dma_semaphore, #tpu.memory_space<semaphore_mem>>) src(%dma_wait3A_60 : memref<10240x128xf32, #tpu.memory_space<hbm>>) dst(%arg9 : memref<128x128xf32, #tpu.memory_space<vmem>>)
      %dma_start3A_61 = arith.constant 0 : i32
      %dma_start3A_62 = tpu.memref_slice %arg8[%add3A_55, %dma_start3A_61] : memref<40x128xi32, #tpu.memory_space<vmem>> -> memref<1x128xi32, #tpu.memory_space<vmem>>
      %dma_start3A_63 = tpu.memref_squeeze %dma_start3A_62 : memref<1x128xi32, #tpu.memory_space<vmem>> -> memref<128xi32, #tpu.memory_space<vmem>>
      %dma_start3A_64 = arith.constant 0 : i32
      %dma_start3A_65 = arith.constant 0 : i32
      %dma_start3A_66 = tpu.memref_slice %arg11[%dma_start3A_64, %dma_start3A_65] : memref<10240x128xf32, #tpu.memory_space<vmem_shared>> -> memref<10240x128xf32, #tpu.memory_space<vmem_shared>>
      tpu.enqueue_indirect_dma source(%arg9 : memref<128x128xf32, #tpu.memory_space<vmem>>) target(%dma_start3A_66 : memref<10240x128xf32, #tpu.memory_space<vmem_shared>>) offsets(%dma_start3A_63 : memref<128xi32, #tpu.memory_space<vmem>>) semaphore(%arg14 : memref<!tpu.dma_semaphore, #tpu.memory_space<semaphore_mem>>) {add = true}
      %add3A_67 = arith.constant 1 : i32
      %add3A_68 = arith.addi %add3A_55, %add3A_67 : i32
      %dma_wait3A_69 = arith.constant 0 : i32
      %dma_wait3A_70 = tpu.memref_slice %arg7[%add3A_68, %dma_wait3A_69] : memref<40x128xi32, #tpu.memory_space<vmem>> -> memref<1x128xi32, #tpu.memory_space<vmem>>
      %dma_wait3A_71 = tpu.memref_squeeze %dma_wait3A_70 : memref<1x128xi32, #tpu.memory_space<vmem>> -> memref<128xi32, #tpu.memory_space<vmem>>
      %dma_wait3A_72 = arith.constant 0 : i32
      %dma_wait3A_73 = arith.constant 0 : i32
      %dma_wait3A_74 = tpu.memref_slice %arg2[%dma_wait3A_72, %dma_wait3A_73] : memref<10240x128xf32, #tpu.memory_space<hbm>> -> memref<10240x128xf32, #tpu.memory_space<hbm>>
      tpu.wait_indirect_dma semaphore(%arg13 : memref<!tpu.dma_semaphore, #tpu.memory_space<semaphore_mem>>) src(%dma_wait3A_74 : memref<10240x128xf32, #tpu.memory_space<hbm>>) dst(%arg10 : memref<128x128xf32, #tpu.memory_space<vmem>>)
      %add3A_75 = arith.constant 1 : i32
      %add3A_76 = arith.addi %add3A_55, %add3A_75 : i32
      %dma_start3A_77 = arith.constant 0 : i32
      %dma_start3A_78 = tpu.memref_slice %arg8[%add3A_76, %dma_start3A_77] : memref<40x128xi32, #tpu.memory_space<vmem>> -> memref<1x128xi32, #tpu.memory_space<vmem>>
      %dma_start3A_79 = tpu.memref_squeeze %dma_start3A_78 : memref<1x128xi32, #tpu.memory_space<vmem>> -> memref<128xi32, #tpu.memory_space<vmem>>
      %dma_start3A_80 = arith.constant 0 : i32
      %dma_start3A_81 = arith.constant 0 : i32
      %dma_start3A_82 = tpu.memref_slice %arg11[%dma_start3A_80, %dma_start3A_81] : memref<10240x128xf32, #tpu.memory_space<vmem_shared>> -> memref<10240x128xf32, #tpu.memory_space<vmem_shared>>
      tpu.enqueue_indirect_dma source(%arg10 : memref<128x128xf32, #tpu.memory_space<vmem>>) target(%dma_start3A_82 : memref<10240x128xf32, #tpu.memory_space<vmem_shared>>) offsets(%dma_start3A_79 : memref<128xi32, #tpu.memory_space<vmem>>) semaphore(%arg15 : memref<!tpu.dma_semaphore, #tpu.memory_space<semaphore_mem>>) {add = true}
      %dma_wait3A_83 = arith.constant 0 : i32
      %dma_wait3A_84 = tpu.memref_slice %arg8[%add3A_55, %dma_wait3A_83] : memref<40x128xi32, #tpu.memory_space<vmem>> -> memref<1x128xi32, #tpu.memory_space<vmem>>
      %dma_wait3A_85 = tpu.memref_squeeze %dma_wait3A_84 : memref<1x128xi32, #tpu.memory_space<vmem>> -> memref<128xi32, #tpu.memory_space<vmem>>
      %dma_wait3A_86 = arith.constant 0 : i32
      %dma_wait3A_87 = arith.constant 0 : i32
      %dma_wait3A_88 = tpu.memref_slice %arg11[%dma_wait3A_86, %dma_wait3A_87] : memref<10240x128xf32, #tpu.memory_space<vmem_shared>> -> memref<10240x128xf32, #tpu.memory_space<vmem_shared>>
      tpu.wait_indirect_dma semaphore(%arg14 : memref<!tpu.dma_semaphore, #tpu.memory_space<semaphore_mem>>) src(%arg9 : memref<128x128xf32, #tpu.memory_space<vmem>>) dst(%dma_wait3A_88 : memref<10240x128xf32, #tpu.memory_space<vmem_shared>>)
      %add3A_89 = arith.constant 2 : i32
      %add3A_90 = arith.addi %add3A_55, %add3A_89 : i32
      %lt3A = arith.constant 40 : i32
      %lt3A_91 = arith.cmpi slt, %add3A_90, %lt3A : i32
      %convert_element_type3A = arith.extui %lt3A_91 : i1 to i32
      %cond3A = arith.constant 0 : i32
      %cond3A_92 = arith.cmpi ne, %convert_element_type3A, %cond3A : i32
      scf.if %cond3A_92 {
        %add3A_106 = arith.constant 2 : i32
        %add3A_107 = arith.addi %add3A_55, %add3A_106 : i32
        %dma_start3A_108 = arith.constant 0 : i32
        %dma_start3A_109 = tpu.memref_slice %arg7[%add3A_107, %dma_start3A_108] : memref<40x128xi32, #tpu.memory_space<vmem>> -> memref<1x128xi32, #tpu.memory_space<vmem>>
        %dma_start3A_110 = tpu.memref_squeeze %dma_start3A_109 : memref<1x128xi32, #tpu.memory_space<vmem>> -> memref<128xi32, #tpu.memory_space<vmem>>
        %dma_start3A_111 = arith.constant 0 : i32
        %dma_start3A_112 = arith.constant 0 : i32
        %dma_start3A_113 = tpu.memref_slice %arg2[%dma_start3A_111, %dma_start3A_112] : memref<10240x128xf32, #tpu.memory_space<hbm>> -> memref<10240x128xf32, #tpu.memory_space<hbm>>
        tpu.enqueue_indirect_dma source(%dma_start3A_113 : memref<10240x128xf32, #tpu.memory_space<hbm>>) target(%arg9 : memref<128x128xf32, #tpu.memory_space<vmem>>) offsets(%dma_start3A_110 : memref<128xi32, #tpu.memory_space<vmem>>) semaphore(%arg12 : memref<!tpu.dma_semaphore, #tpu.memory_space<semaphore_mem>>)
      } else {
      }
      %dma_wait3A_93 = arith.constant 0 : i32
      %dma_wait3A_94 = tpu.memref_slice %arg8[%add3A_76, %dma_wait3A_93] : memref<40x128xi32, #tpu.memory_space<vmem>> -> memref<1x128xi32, #tpu.memory_space<vmem>>
      %dma_wait3A_95 = tpu.memref_squeeze %dma_wait3A_94 : memref<1x128xi32, #tpu.memory_space<vmem>> -> memref<128xi32, #tpu.memory_space<vmem>>
      %dma_wait3A_96 = arith.constant 0 : i32
      %dma_wait3A_97 = arith.constant 0 : i32
      %dma_wait3A_98 = tpu.memref_slice %arg11[%dma_wait3A_96, %dma_wait3A_97] : memref<10240x128xf32, #tpu.memory_space<vmem_shared>> -> memref<10240x128xf32, #tpu.memory_space<vmem_shared>>
      tpu.wait_indirect_dma semaphore(%arg15 : memref<!tpu.dma_semaphore, #tpu.memory_space<semaphore_mem>>) src(%arg10 : memref<128x128xf32, #tpu.memory_space<vmem>>) dst(%dma_wait3A_98 : memref<10240x128xf32, #tpu.memory_space<vmem_shared>>)
      %add3A_99 = arith.constant 2 : i32
      %add3A_100 = arith.addi %add3A_55, %add3A_99 : i32
      %lt3A_101 = arith.constant 40 : i32
      %lt3A_102 = arith.cmpi slt, %add3A_100, %lt3A_101 : i32
      %convert_element_type3A_103 = arith.extui %lt3A_102 : i1 to i32
      %cond3A_104 = arith.constant 0 : i32
      %cond3A_105 = arith.cmpi ne, %convert_element_type3A_103, %cond3A_104 : i32
      scf.if %cond3A_105 {
        %add3A_106 = arith.constant 3 : i32
        %add3A_107 = arith.addi %add3A_55, %add3A_106 : i32
        %dma_start3A_108 = arith.constant 0 : i32
        %dma_start3A_109 = tpu.memref_slice %arg7[%add3A_107, %dma_start3A_108] : memref<40x128xi32, #tpu.memory_space<vmem>> -> memref<1x128xi32, #tpu.memory_space<vmem>>
        %dma_start3A_110 = tpu.memref_squeeze %dma_start3A_109 : memref<1x128xi32, #tpu.memory_space<vmem>> -> memref<128xi32, #tpu.memory_space<vmem>>
        %dma_start3A_111 = arith.constant 0 : i32
        %dma_start3A_112 = arith.constant 0 : i32
        %dma_start3A_113 = tpu.memref_slice %arg2[%dma_start3A_111, %dma_start3A_112] : memref<10240x128xf32, #tpu.memory_space<hbm>> -> memref<10240x128xf32, #tpu.memory_space<hbm>>
        tpu.enqueue_indirect_dma source(%dma_start3A_113 : memref<10240x128xf32, #tpu.memory_space<hbm>>) target(%arg10 : memref<128x128xf32, #tpu.memory_space<vmem>>) offsets(%dma_start3A_110 : memref<128xi32, #tpu.memory_space<vmem>>) semaphore(%arg13 : memref<!tpu.dma_semaphore, #tpu.memory_space<semaphore_mem>>)
      } else {
      }
    }
    %scan3A_23 = arith.constant 20 : i32
    %mul3A_24 = arith.constant 80 : i32
    %mul3A_25 = arith.muli %add3A, %mul3A_24 : i32
    %add3A_26 = arith.constant 40 : i32
    %add3A_27 = arith.addi %mul3A_25, %add3A_26 : i32
    "tpu.region"() ({
      %run_scoped3A = tpu.sem_alloc : memref<!tpu.dma_semaphore, #tpu.memory_space<semaphore_mem>>
      %dma_start3A_51 = arith.constant 0 : i32
      %dma_start3A_52 = tpu.memref_slice %arg3[%add3A_27, %dma_start3A_51] : memref<2560x128xi32, #tpu.memory_space<hbm>> -> memref<40x128xi32, #tpu.memory_space<hbm>>
      %dma_start3A_53 = arith.constant 0 : i32
      %dma_start3A_54 = tpu.memref_slice %arg3[%add3A_27, %dma_start3A_53] : memref<2560x128xi32, #tpu.memory_space<hbm>> -> memref<40x128xi32, #tpu.memory_space<hbm>>
      tpu.enqueue_dma source(%dma_start3A_54 : memref<40x128xi32, #tpu.memory_space<hbm>>) target(%arg7 : memref<40x128xi32, #tpu.memory_space<vmem>>) target_semaphore(%run_scoped3A : memref<!tpu.dma_semaphore, #tpu.memory_space<semaphore_mem>>)
      %dma_wait3A = arith.constant 0 : i32
      %dma_wait3A_55 = tpu.memref_slice %arg3[%add3A_27, %dma_wait3A] : memref<2560x128xi32, #tpu.memory_space<hbm>> -> memref<40x128xi32, #tpu.memory_space<hbm>>
      %dma_wait3A_56 = arith.constant 0 : i32
      %dma_wait3A_57 = tpu.memref_slice %arg3[%add3A_27, %dma_wait3A_56] : memref<2560x128xi32, #tpu.memory_space<hbm>> -> memref<40x128xi32, #tpu.memory_space<hbm>>
      tpu.wait_dma2 semaphore(%run_scoped3A : memref<!tpu.dma_semaphore, #tpu.memory_space<semaphore_mem>>) src(%dma_wait3A_57 : memref<40x128xi32, #tpu.memory_space<hbm>>) dst(%arg7 : memref<40x128xi32, #tpu.memory_space<vmem>>)
      tpu.yield
    }) : () -> ()
    "tpu.region"() ({
      %run_scoped3A = tpu.sem_alloc : memref<!tpu.dma_semaphore, #tpu.memory_space<semaphore_mem>>
      %dma_start3A_51 = arith.constant 0 : i32
      %dma_start3A_52 = tpu.memref_slice %arg4[%add3A_27, %dma_start3A_51] : memref<2560x128xi32, #tpu.memory_space<hbm>> -> memref<40x128xi32, #tpu.memory_space<hbm>>
      %dma_start3A_53 = arith.constant 0 : i32
      %dma_start3A_54 = tpu.memref_slice %arg4[%add3A_27, %dma_start3A_53] : memref<2560x128xi32, #tpu.memory_space<hbm>> -> memref<40x128xi32, #tpu.memory_space<hbm>>
      tpu.enqueue_dma source(%dma_start3A_54 : memref<40x128xi32, #tpu.memory_space<hbm>>) target(%arg8 : memref<40x128xi32, #tpu.memory_space<vmem>>) target_semaphore(%run_scoped3A : memref<!tpu.dma_semaphore, #tpu.memory_space<semaphore_mem>>)
      %dma_wait3A = arith.constant 0 : i32
      %dma_wait3A_55 = tpu.memref_slice %arg4[%add3A_27, %dma_wait3A] : memref<2560x128xi32, #tpu.memory_space<hbm>> -> memref<40x128xi32, #tpu.memory_space<hbm>>
      %dma_wait3A_56 = arith.constant 0 : i32
      %dma_wait3A_57 = tpu.memref_slice %arg4[%add3A_27, %dma_wait3A_56] : memref<2560x128xi32, #tpu.memory_space<hbm>> -> memref<40x128xi32, #tpu.memory_space<hbm>>
      tpu.wait_dma2 semaphore(%run_scoped3A : memref<!tpu.dma_semaphore, #tpu.memory_space<semaphore_mem>>) src(%dma_wait3A_57 : memref<40x128xi32, #tpu.memory_space<hbm>>) dst(%arg8 : memref<40x128xi32, #tpu.memory_space<vmem>>)
      tpu.yield
    }) : () -> ()
    %dma_start3A_28 = arith.constant 0 : i32
    %dma_start3A_29 = arith.constant 0 : i32
    %dma_start3A_30 = tpu.memref_slice %arg7[%dma_start3A_28, %dma_start3A_29] : memref<40x128xi32, #tpu.memory_space<vmem>> -> memref<1x128xi32, #tpu.memory_space<vmem>>
    %dma_start3A_31 = tpu.memref_squeeze %dma_start3A_30 : memref<1x128xi32, #tpu.memory_space<vmem>> -> memref<128xi32, #tpu.memory_space<vmem>>
    %dma_start3A_32 = arith.constant 0 : i32
    %dma_start3A_33 = arith.constant 0 : i32
    %dma_start3A_34 = tpu.memref_slice %arg2[%dma_start3A_32, %dma_start3A_33] : memref<10240x128xf32, #tpu.memory_space<hbm>> -> memref<10240x128xf32, #tpu.memory_space<hbm>>
    tpu.enqueue_indirect_dma source(%dma_start3A_34 : memref<10240x128xf32, #tpu.memory_space<hbm>>) target(%arg9 : memref<128x128xf32, #tpu.memory_space<vmem>>) offsets(%dma_start3A_31 : memref<128xi32, #tpu.memory_space<vmem>>) semaphore(%arg12 : memref<!tpu.dma_semaphore, #tpu.memory_space<semaphore_mem>>)
    %dma_start3A_35 = arith.constant 1 : i32
    %dma_start3A_36 = arith.constant 0 : i32
    %dma_start3A_37 = tpu.memref_slice %arg7[%dma_start3A_35, %dma_start3A_36] : memref<40x128xi32, #tpu.memory_space<vmem>> -> memref<1x128xi32, #tpu.memory_space<vmem>>
    %dma_start3A_38 = tpu.memref_squeeze %dma_start3A_37 : memref<1x128xi32, #tpu.memory_space<vmem>> -> memref<128xi32, #tpu.memory_space<vmem>>
    %dma_start3A_39 = arith.constant 0 : i32
    %dma_start3A_40 = arith.constant 0 : i32
    %dma_start3A_41 = tpu.memref_slice %arg2[%dma_start3A_39, %dma_start3A_40] : memref<10240x128xf32, #tpu.memory_space<hbm>> -> memref<10240x128xf32, #tpu.memory_space<hbm>>
    tpu.enqueue_indirect_dma source(%dma_start3A_41 : memref<10240x128xf32, #tpu.memory_space<hbm>>) target(%arg10 : memref<128x128xf32, #tpu.memory_space<vmem>>) offsets(%dma_start3A_38 : memref<128xi32, #tpu.memory_space<vmem>>) semaphore(%arg13 : memref<!tpu.dma_semaphore, #tpu.memory_space<semaphore_mem>>)
    %scan3A_42 = arith.constant 0 : i32
    %scan3A_43 = arith.constant 20 : i32
    %scan3A_44 = arith.addi %scan3A_42, %scan3A_43 : i32
    %scan3A_45 = arith.constant 1 : i32
    scf.for %scan3A_51 = %scan3A_42 to %scan3A_44 step %scan3A_45  : i32 {
      %mul3A_52 = arith.constant 2 : i32
      %mul3A_53 = arith.muli %scan3A_51, %mul3A_52 : i32
      %add3A_54 = arith.constant 0 : i32
      %add3A_55 = arith.addi %add3A_54, %mul3A_53 : i32
      %dma_wait3A = arith.constant 0 : i32
      %dma_wait3A_56 = tpu.memref_slice %arg7[%add3A_55, %dma_wait3A] : memref<40x128xi32, #tpu.memory_space<vmem>> -> memref<1x128xi32, #tpu.memory_space<vmem>>
      %dma_wait3A_57 = tpu.memref_squeeze %dma_wait3A_56 : memref<1x128xi32, #tpu.memory_space<vmem>> -> memref<128xi32, #tpu.memory_space<vmem>>
      %dma_wait3A_58 = arith.constant 0 : i32
      %dma_wait3A_59 = arith.constant 0 : i32
      %dma_wait3A_60 = tpu.memref_slice %arg2[%dma_wait3A_58, %dma_wait3A_59] : memref<10240x128xf32, #tpu.memory_space<hbm>> -> memref<10240x128xf32, #tpu.memory_space<hbm>>
      tpu.wait_indirect_dma semaphore(%arg12 : memref<!tpu.dma_semaphore, #tpu.memory_space<semaphore_mem>>) src(%dma_wait3A_60 : memref<10240x128xf32, #tpu.memory_space<hbm>>) dst(%arg9 : memref<128x128xf32, #tpu.memory_space<vmem>>)
      %dma_start3A_61 = arith.constant 0 : i32
      %dma_start3A_62 = tpu.memref_slice %arg8[%add3A_55, %dma_start3A_61] : memref<40x128xi32, #tpu.memory_space<vmem>> -> memref<1x128xi32, #tpu.memory_space<vmem>>
      %dma_start3A_63 = tpu.memref_squeeze %dma_start3A_62 : memref<1x128xi32, #tpu.memory_space<vmem>> -> memref<128xi32, #tpu.memory_space<vmem>>
      %dma_start3A_64 = arith.constant 0 : i32
      %dma_start3A_65 = arith.constant 0 : i32
      %dma_start3A_66 = tpu.memref_slice %arg11[%dma_start3A_64, %dma_start3A_65] : memref<10240x128xf32, #tpu.memory_space<vmem_shared>> -> memref<10240x128xf32, #tpu.memory_space<vmem_shared>>
      tpu.enqueue_indirect_dma source(%arg9 : memref<128x128xf32, #tpu.memory_space<vmem>>) target(%dma_start3A_66 : memref<10240x128xf32, #tpu.memory_space<vmem_shared>>) offsets(%dma_start3A_63 : memref<128xi32, #tpu.memory_space<vmem>>) semaphore(%arg14 : memref<!tpu.dma_semaphore, #tpu.memory_space<semaphore_mem>>) {add = true}
      %add3A_67 = arith.constant 1 : i32
      %add3A_68 = arith.addi %add3A_55, %add3A_67 : i32
      %dma_wait3A_69 = arith.constant 0 : i32
      %dma_wait3A_70 = tpu.memref_slice %arg7[%add3A_68, %dma_wait3A_69] : memref<40x128xi32, #tpu.memory_space<vmem>> -> memref<1x128xi32, #tpu.memory_space<vmem>>
      %dma_wait3A_71 = tpu.memref_squeeze %dma_wait3A_70 : memref<1x128xi32, #tpu.memory_space<vmem>> -> memref<128xi32, #tpu.memory_space<vmem>>
      %dma_wait3A_72 = arith.constant 0 : i32
      %dma_wait3A_73 = arith.constant 0 : i32
      %dma_wait3A_74 = tpu.memref_slice %arg2[%dma_wait3A_72, %dma_wait3A_73] : memref<10240x128xf32, #tpu.memory_space<hbm>> -> memref<10240x128xf32, #tpu.memory_space<hbm>>
      tpu.wait_indirect_dma semaphore(%arg13 : memref<!tpu.dma_semaphore, #tpu.memory_space<semaphore_mem>>) src(%dma_wait3A_74 : memref<10240x128xf32, #tpu.memory_space<hbm>>) dst(%arg10 : memref<128x128xf32, #tpu.memory_space<vmem>>)
      %add3A_75 = arith.constant 1 : i32
      %add3A_76 = arith.addi %add3A_55, %add3A_75 : i32
      %dma_start3A_77 = arith.constant 0 : i32
      %dma_start3A_78 = tpu.memref_slice %arg8[%add3A_76, %dma_start3A_77] : memref<40x128xi32, #tpu.memory_space<vmem>> -> memref<1x128xi32, #tpu.memory_space<vmem>>
      %dma_start3A_79 = tpu.memref_squeeze %dma_start3A_78 : memref<1x128xi32, #tpu.memory_space<vmem>> -> memref<128xi32, #tpu.memory_space<vmem>>
      %dma_start3A_80 = arith.constant 0 : i32
      %dma_start3A_81 = arith.constant 0 : i32
      %dma_start3A_82 = tpu.memref_slice %arg11[%dma_start3A_80, %dma_start3A_81] : memref<10240x128xf32, #tpu.memory_space<vmem_shared>> -> memref<10240x128xf32, #tpu.memory_space<vmem_shared>>
      tpu.enqueue_indirect_dma source(%arg10 : memref<128x128xf32, #tpu.memory_space<vmem>>) target(%dma_start3A_82 : memref<10240x128xf32, #tpu.memory_space<vmem_shared>>) offsets(%dma_start3A_79 : memref<128xi32, #tpu.memory_space<vmem>>) semaphore(%arg15 : memref<!tpu.dma_semaphore, #tpu.memory_space<semaphore_mem>>) {add = true}
      %dma_wait3A_83 = arith.constant 0 : i32
      %dma_wait3A_84 = tpu.memref_slice %arg8[%add3A_55, %dma_wait3A_83] : memref<40x128xi32, #tpu.memory_space<vmem>> -> memref<1x128xi32, #tpu.memory_space<vmem>>
      %dma_wait3A_85 = tpu.memref_squeeze %dma_wait3A_84 : memref<1x128xi32, #tpu.memory_space<vmem>> -> memref<128xi32, #tpu.memory_space<vmem>>
      %dma_wait3A_86 = arith.constant 0 : i32
      %dma_wait3A_87 = arith.constant 0 : i32
      %dma_wait3A_88 = tpu.memref_slice %arg11[%dma_wait3A_86, %dma_wait3A_87] : memref<10240x128xf32, #tpu.memory_space<vmem_shared>> -> memref<10240x128xf32, #tpu.memory_space<vmem_shared>>
      tpu.wait_indirect_dma semaphore(%arg14 : memref<!tpu.dma_semaphore, #tpu.memory_space<semaphore_mem>>) src(%arg9 : memref<128x128xf32, #tpu.memory_space<vmem>>) dst(%dma_wait3A_88 : memref<10240x128xf32, #tpu.memory_space<vmem_shared>>)
      %add3A_89 = arith.constant 2 : i32
      %add3A_90 = arith.addi %add3A_55, %add3A_89 : i32
      %lt3A = arith.constant 40 : i32
      %lt3A_91 = arith.cmpi slt, %add3A_90, %lt3A : i32
      %convert_element_type3A = arith.extui %lt3A_91 : i1 to i32
      %cond3A = arith.constant 0 : i32
      %cond3A_92 = arith.cmpi ne, %convert_element_type3A, %cond3A : i32
      scf.if %cond3A_92 {
        %add3A_106 = arith.constant 2 : i32
        %add3A_107 = arith.addi %add3A_55, %add3A_106 : i32
        %dma_start3A_108 = arith.constant 0 : i32
        %dma_start3A_109 = tpu.memref_slice %arg7[%add3A_107, %dma_start3A_108] : memref<40x128xi32, #tpu.memory_space<vmem>> -> memref<1x128xi32, #tpu.memory_space<vmem>>
        %dma_start3A_110 = tpu.memref_squeeze %dma_start3A_109 : memref<1x128xi32, #tpu.memory_space<vmem>> -> memref<128xi32, #tpu.memory_space<vmem>>
        %dma_start3A_111 = arith.constant 0 : i32
        %dma_start3A_112 = arith.constant 0 : i32
        %dma_start3A_113 = tpu.memref_slice %arg2[%dma_start3A_111, %dma_start3A_112] : memref<10240x128xf32, #tpu.memory_space<hbm>> -> memref<10240x128xf32, #tpu.memory_space<hbm>>
        tpu.enqueue_indirect_dma source(%dma_start3A_113 : memref<10240x128xf32, #tpu.memory_space<hbm>>) target(%arg9 : memref<128x128xf32, #tpu.memory_space<vmem>>) offsets(%dma_start3A_110 : memref<128xi32, #tpu.memory_space<vmem>>) semaphore(%arg12 : memref<!tpu.dma_semaphore, #tpu.memory_space<semaphore_mem>>)
      } else {
      }
      %dma_wait3A_93 = arith.constant 0 : i32
      %dma_wait3A_94 = tpu.memref_slice %arg8[%add3A_76, %dma_wait3A_93] : memref<40x128xi32, #tpu.memory_space<vmem>> -> memref<1x128xi32, #tpu.memory_space<vmem>>
      %dma_wait3A_95 = tpu.memref_squeeze %dma_wait3A_94 : memref<1x128xi32, #tpu.memory_space<vmem>> -> memref<128xi32, #tpu.memory_space<vmem>>
      %dma_wait3A_96 = arith.constant 0 : i32
      %dma_wait3A_97 = arith.constant 0 : i32
      %dma_wait3A_98 = tpu.memref_slice %arg11[%dma_wait3A_96, %dma_wait3A_97] : memref<10240x128xf32, #tpu.memory_space<vmem_shared>> -> memref<10240x128xf32, #tpu.memory_space<vmem_shared>>
      tpu.wait_indirect_dma semaphore(%arg15 : memref<!tpu.dma_semaphore, #tpu.memory_space<semaphore_mem>>) src(%arg10 : memref<128x128xf32, #tpu.memory_space<vmem>>) dst(%dma_wait3A_98 : memref<10240x128xf32, #tpu.memory_space<vmem_shared>>)
      %add3A_99 = arith.constant 2 : i32
      %add3A_100 = arith.addi %add3A_55, %add3A_99 : i32
      %lt3A_101 = arith.constant 40 : i32
      %lt3A_102 = arith.cmpi slt, %add3A_100, %lt3A_101 : i32
      %convert_element_type3A_103 = arith.extui %lt3A_102 : i1 to i32
      %cond3A_104 = arith.constant 0 : i32
      %cond3A_105 = arith.cmpi ne, %convert_element_type3A_103, %cond3A_104 : i32
      scf.if %cond3A_105 {
        %add3A_106 = arith.constant 3 : i32
        %add3A_107 = arith.addi %add3A_55, %add3A_106 : i32
        %dma_start3A_108 = arith.constant 0 : i32
        %dma_start3A_109 = tpu.memref_slice %arg7[%add3A_107, %dma_start3A_108] : memref<40x128xi32, #tpu.memory_space<vmem>> -> memref<1x128xi32, #tpu.memory_space<vmem>>
        %dma_start3A_110 = tpu.memref_squeeze %dma_start3A_109 : memref<1x128xi32, #tpu.memory_space<vmem>> -> memref<128xi32, #tpu.memory_space<vmem>>
        %dma_start3A_111 = arith.constant 0 : i32
        %dma_start3A_112 = arith.constant 0 : i32
        %dma_start3A_113 = tpu.memref_slice %arg2[%dma_start3A_111, %dma_start3A_112] : memref<10240x128xf32, #tpu.memory_space<hbm>> -> memref<10240x128xf32, #tpu.memory_space<hbm>>
        tpu.enqueue_indirect_dma source(%dma_start3A_113 : memref<10240x128xf32, #tpu.memory_space<hbm>>) target(%arg10 : memref<128x128xf32, #tpu.memory_space<vmem>>) offsets(%dma_start3A_110 : memref<128xi32, #tpu.memory_space<vmem>>) semaphore(%arg13 : memref<!tpu.dma_semaphore, #tpu.memory_space<semaphore_mem>>)
      } else {
      }
    }
    %scan3A_46 = arith.constant 20 : i32
    %barrier3A_47 = arith.constant 0 : index
    tpu.barrier barrier_id(%barrier3A_47)
    %mul3A_48 = arith.constant 10240 : i32
    %mul3A_49 = arith.muli %arg0, %mul3A_48 : i32
    %add3A_50 = arith.addi %mul3A_49, %mul3A_2 : i32
    "tpu.region"() ({
      %run_scoped3A = tpu.sem_alloc : memref<!tpu.dma_semaphore, #tpu.memory_space<semaphore_mem>>
      %dma_start3A_51 = arith.constant 0 : i32
      %dma_start3A_52 = tpu.memref_slice %arg6[%add3A_50, %dma_start3A_51] : memref<20480x128xf32, #tpu.memory_space<hbm>> -> memref<640x128xf32, #tpu.memory_space<hbm>>
      %dma_start3A_53 = arith.constant 0 : i32
      %dma_start3A_54 = tpu.memref_slice %arg11[%mul3A_2, %dma_start3A_53] : memref<10240x128xf32, #tpu.memory_space<vmem_shared>> -> memref<640x128xf32, #tpu.memory_space<vmem_shared>>
      tpu.enqueue_dma source(%dma_start3A_54 : memref<640x128xf32, #tpu.memory_space<vmem_shared>>) target(%dma_start3A_52 : memref<640x128xf32, #tpu.memory_space<hbm>>) target_semaphore(%run_scoped3A : memref<!tpu.dma_semaphore, #tpu.memory_space<semaphore_mem>>)
      %dma_wait3A = arith.constant 0 : i32
      %dma_wait3A_55 = tpu.memref_slice %arg6[%add3A_50, %dma_wait3A] : memref<20480x128xf32, #tpu.memory_space<hbm>> -> memref<640x128xf32, #tpu.memory_space<hbm>>
      %dma_wait3A_56 = arith.constant 0 : i32
      %dma_wait3A_57 = tpu.memref_slice %arg11[%mul3A_2, %dma_wait3A_56] : memref<10240x128xf32, #tpu.memory_space<vmem_shared>> -> memref<640x128xf32, #tpu.memory_space<vmem_shared>>
      tpu.wait_dma2 semaphore(%run_scoped3A : memref<!tpu.dma_semaphore, #tpu.memory_space<semaphore_mem>>) src(%dma_wait3A_57 : memref<640x128xf32, #tpu.memory_space<vmem_shared>>) dst(%dma_wait3A_55 : memref<640x128xf32, #tpu.memory_space<hbm>>)
      tpu.yield
    }) : () -> ()
    return
  }
}

#map = affine_map<(d0, d1) -> (0, 0)>
module attributes {stable_mosaic.version = 14 : i64} {
  func.func @agg(%arg0: i32, %arg1: i32, %arg2: memref<10240x128xf32, #tpu.memory_space<hbm>>, %arg3: memref<2560x128xi32, #tpu.memory_space<hbm>>, %arg4: memref<2560x128xi32, #tpu.memory_space<hbm>>, %arg5: memref<640x128xf32, #tpu.memory_space<hbm>>, %arg6: memref<20480x128xf32, #tpu.memory_space<hbm>>, %arg7: memref<40x128xi32, #tpu.memory_space<vmem>>, %arg8: memref<40x128xi32, #tpu.memory_space<vmem>>, %arg9: memref<128x128xf32, #tpu.memory_space<vmem>>, %arg10: memref<128x128xf32, #tpu.memory_space<vmem>>, %arg11: memref<10240x128xf32, #tpu.memory_space<vmem_shared>>, %arg12: memref<!tpu.dma_semaphore, #tpu.memory_space<semaphore_mem>>, %arg13: memref<!tpu.dma_semaphore, #tpu.memory_space<semaphore_mem>>, %arg14: memref<!tpu.dma_semaphore, #tpu.memory_space<semaphore_mem>>, %arg15: memref<!tpu.dma_semaphore, #tpu.memory_space<semaphore_mem>>) attributes {dimension_semantics = [#tpu.dimension_semantics<core_parallel>, #tpu.dimension_semantics<subcore_parallel>], iteration_bounds = array<i64: 2, 16>, scalar_prefetch = 0 : i64, scratch_operands = 9 : i64, tpu.core_type = #tpu.core_type<sc_vector_subcore>, window_params = [{transform_indices = #map}, {transform_indices = #map}, {transform_indices = #map}, {transform_indices = #map}, {transform_indices = #map}]} {
    %mul3A = arith.constant 16 : i32
    %mul3A_0 = arith.muli %arg0, %mul3A : i32
    %add3A = arith.addi %mul3A_0, %arg1 : i32
    %mul3A_1 = arith.constant 640 : i32
    %mul3A_2 = arith.muli %arg1, %mul3A_1 : i32
    %mul3A_3 = arith.constant 80 : i32
    %mul3A_4 = arith.muli %add3A, %mul3A_3 : i32
    "tpu.region"() ({
      %run_scoped3A = tpu.sem_alloc : memref<!tpu.dma_semaphore, #tpu.memory_space<semaphore_mem>>
      %dma_start3A_51 = arith.constant 0 : i32
      %dma_start3A_52 = tpu.memref_slice %arg3[%mul3A_4, %dma_start3A_51] : memref<2560x128xi32, #tpu.memory_space<hbm>> -> memref<40x128xi32, #tpu.memory_space<hbm>>
      %dma_start3A_53 = arith.constant 0 : i32
      %dma_start3A_54 = tpu.memref_slice %arg3[%mul3A_4, %dma_start3A_53] : memref<2560x128xi32, #tpu.memory_space<hbm>> -> memref<40x128xi32, #tpu.memory_space<hbm>>
      tpu.enqueue_dma source(%dma_start3A_54 : memref<40x128xi32, #tpu.memory_space<hbm>>) target(%arg7 : memref<40x128xi32, #tpu.memory_space<vmem>>) target_semaphore(%run_scoped3A : memref<!tpu.dma_semaphore, #tpu.memory_space<semaphore_mem>>)
      %dma_wait3A = arith.constant 0 : i32
      %dma_wait3A_55 = tpu.memref_slice %arg3[%mul3A_4, %dma_wait3A] : memref<2560x128xi32, #tpu.memory_space<hbm>> -> memref<40x128xi32, #tpu.memory_space<hbm>>
      %dma_wait3A_56 = arith.constant 0 : i32
      %dma_wait3A_57 = tpu.memref_slice %arg3[%mul3A_4, %dma_wait3A_56] : memref<2560x128xi32, #tpu.memory_space<hbm>> -> memref<40x128xi32, #tpu.memory_space<hbm>>
      tpu.wait_dma2 semaphore(%run_scoped3A : memref<!tpu.dma_semaphore, #tpu.memory_space<semaphore_mem>>) src(%dma_wait3A_57 : memref<40x128xi32, #tpu.memory_space<hbm>>) dst(%arg7 : memref<40x128xi32, #tpu.memory_space<vmem>>)
      tpu.yield
    }) : () -> ()
    %mul3A_5 = arith.constant 80 : i32
    %mul3A_6 = arith.muli %add3A, %mul3A_5 : i32
    "tpu.region"() ({
      %run_scoped3A = tpu.sem_alloc : memref<!tpu.dma_semaphore, #tpu.memory_space<semaphore_mem>>
      %dma_start3A_51 = arith.constant 0 : i32
      %dma_start3A_52 = tpu.memref_slice %arg4[%mul3A_6, %dma_start3A_51] : memref<2560x128xi32, #tpu.memory_space<hbm>> -> memref<40x128xi32, #tpu.memory_space<hbm>>
      %dma_start3A_53 = arith.constant 0 : i32
      %dma_start3A_54 = tpu.memref_slice %arg4[%mul3A_6, %dma_start3A_53] : memref<2560x128xi32, #tpu.memory_space<hbm>> -> memref<40x128xi32, #tpu.memory_space<hbm>>
      tpu.enqueue_dma source(%dma_start3A_54 : memref<40x128xi32, #tpu.memory_space<hbm>>) target(%arg8 : memref<40x128xi32, #tpu.memory_space<vmem>>) target_semaphore(%run_scoped3A : memref<!tpu.dma_semaphore, #tpu.memory_space<semaphore_mem>>)
      %dma_wait3A = arith.constant 0 : i32
      %dma_wait3A_55 = tpu.memref_slice %arg4[%mul3A_6, %dma_wait3A] : memref<2560x128xi32, #tpu.memory_space<hbm>> -> memref<40x128xi32, #tpu.memory_space<hbm>>
      %dma_wait3A_56 = arith.constant 0 : i32
      %dma_wait3A_57 = tpu.memref_slice %arg4[%mul3A_6, %dma_wait3A_56] : memref<2560x128xi32, #tpu.memory_space<hbm>> -> memref<40x128xi32, #tpu.memory_space<hbm>>
      tpu.wait_dma2 semaphore(%run_scoped3A : memref<!tpu.dma_semaphore, #tpu.memory_space<semaphore_mem>>) src(%dma_wait3A_57 : memref<40x128xi32, #tpu.memory_space<hbm>>) dst(%arg8 : memref<40x128xi32, #tpu.memory_space<vmem>>)
      tpu.yield
    }) : () -> ()
    %dma_start3A = arith.constant 0 : i32
    %dma_start3A_7 = arith.constant 0 : i32
    %dma_start3A_8 = tpu.memref_slice %arg7[%dma_start3A, %dma_start3A_7] : memref<40x128xi32, #tpu.memory_space<vmem>> -> memref<1x128xi32, #tpu.memory_space<vmem>>
    %dma_start3A_9 = tpu.memref_squeeze %dma_start3A_8 : memref<1x128xi32, #tpu.memory_space<vmem>> -> memref<128xi32, #tpu.memory_space<vmem>>
    %dma_start3A_10 = arith.constant 0 : i32
    %dma_start3A_11 = arith.constant 0 : i32
    %dma_start3A_12 = tpu.memref_slice %arg2[%dma_start3A_10, %dma_start3A_11] : memref<10240x128xf32, #tpu.memory_space<hbm>> -> memref<10240x128xf32, #tpu.memory_space<hbm>>
    tpu.enqueue_indirect_dma source(%dma_start3A_12 : memref<10240x128xf32, #tpu.memory_space<hbm>>) target(%arg9 : memref<128x128xf32, #tpu.memory_space<vmem>>) offsets(%dma_start3A_9 : memref<128xi32, #tpu.memory_space<vmem>>) semaphore(%arg12 : memref<!tpu.dma_semaphore, #tpu.memory_space<semaphore_mem>>)
    %dma_start3A_13 = arith.constant 1 : i32
    %dma_start3A_14 = arith.constant 0 : i32
    %dma_start3A_15 = tpu.memref_slice %arg7[%dma_start3A_13, %dma_start3A_14] : memref<40x128xi32, #tpu.memory_space<vmem>> -> memref<1x128xi32, #tpu.memory_space<vmem>>
    %dma_start3A_16 = tpu.memref_squeeze %dma_start3A_15 : memref<1x128xi32, #tpu.memory_space<vmem>> -> memref<128xi32, #tpu.memory_space<vmem>>
    %dma_start3A_17 = arith.constant 0 : i32
    %dma_start3A_18 = arith.constant 0 : i32
    %dma_start3A_19 = tpu.memref_slice %arg2[%dma_start3A_17, %dma_start3A_18] : memref<10240x128xf32, #tpu.memory_space<hbm>> -> memref<10240x128xf32, #tpu.memory_space<hbm>>
    tpu.enqueue_indirect_dma source(%dma_start3A_19 : memref<10240x128xf32, #tpu.memory_space<hbm>>) target(%arg10 : memref<128x128xf32, #tpu.memory_space<vmem>>) offsets(%dma_start3A_16 : memref<128xi32, #tpu.memory_space<vmem>>) semaphore(%arg13 : memref<!tpu.dma_semaphore, #tpu.memory_space<semaphore_mem>>)
    "tpu.region"() ({
      %run_scoped3A = tpu.sem_alloc : memref<!tpu.dma_semaphore, #tpu.memory_space<semaphore_mem>>
      %dma_start3A_51 = arith.constant 0 : i32
      %dma_start3A_52 = tpu.memref_slice %arg11[%mul3A_2, %dma_start3A_51] : memref<10240x128xf32, #tpu.memory_space<vmem_shared>> -> memref<640x128xf32, #tpu.memory_space<vmem_shared>>
      tpu.enqueue_dma source(%arg5 : memref<640x128xf32, #tpu.memory_space<hbm>>) target(%dma_start3A_52 : memref<640x128xf32, #tpu.memory_space<vmem_shared>>) target_semaphore(%run_scoped3A : memref<!tpu.dma_semaphore, #tpu.memory_space<semaphore_mem>>)
      %dma_wait3A = arith.constant 0 : i32
      %dma_wait3A_53 = tpu.memref_slice %arg11[%mul3A_2, %dma_wait3A] : memref<10240x128xf32, #tpu.memory_space<vmem_shared>> -> memref<640x128xf32, #tpu.memory_space<vmem_shared>>
      tpu.wait_dma2 semaphore(%run_scoped3A : memref<!tpu.dma_semaphore, #tpu.memory_space<semaphore_mem>>) src(%arg5 : memref<640x128xf32, #tpu.memory_space<hbm>>) dst(%dma_wait3A_53 : memref<640x128xf32, #tpu.memory_space<vmem_shared>>)
      tpu.yield
    }) : () -> ()
    %barrier3A = arith.constant 0 : index
    tpu.barrier barrier_id(%barrier3A)
    %scan3A = arith.constant 0 : i32
    %scan3A_20 = arith.constant 20 : i32
    %scan3A_21 = arith.addi %scan3A, %scan3A_20 : i32
    %scan3A_22 = arith.constant 1 : i32
    scf.for %scan3A_51 = %scan3A to %scan3A_21 step %scan3A_22  : i32 {
      %mul3A_52 = arith.constant 2 : i32
      %mul3A_53 = arith.muli %scan3A_51, %mul3A_52 : i32
      %add3A_54 = arith.constant 0 : i32
      %add3A_55 = arith.addi %add3A_54, %mul3A_53 : i32
      %dma_wait3A = arith.constant 0 : i32
      %dma_wait3A_56 = tpu.memref_slice %arg7[%add3A_55, %dma_wait3A] : memref<40x128xi32, #tpu.memory_space<vmem>> -> memref<1x128xi32, #tpu.memory_space<vmem>>
      %dma_wait3A_57 = tpu.memref_squeeze %dma_wait3A_56 : memref<1x128xi32, #tpu.memory_space<vmem>> -> memref<128xi32, #tpu.memory_space<vmem>>
      %dma_wait3A_58 = arith.constant 0 : i32
      %dma_wait3A_59 = arith.constant 0 : i32
      %dma_wait3A_60 = tpu.memref_slice %arg2[%dma_wait3A_58, %dma_wait3A_59] : memref<10240x128xf32, #tpu.memory_space<hbm>> -> memref<10240x128xf32, #tpu.memory_space<hbm>>
      tpu.wait_indirect_dma semaphore(%arg12 : memref<!tpu.dma_semaphore, #tpu.memory_space<semaphore_mem>>) src(%dma_wait3A_60 : memref<10240x128xf32, #tpu.memory_space<hbm>>) dst(%arg9 : memref<128x128xf32, #tpu.memory_space<vmem>>)
      %dma_start3A_61 = arith.constant 0 : i32
      %dma_start3A_62 = tpu.memref_slice %arg8[%add3A_55, %dma_start3A_61] : memref<40x128xi32, #tpu.memory_space<vmem>> -> memref<1x128xi32, #tpu.memory_space<vmem>>
      %dma_start3A_63 = tpu.memref_squeeze %dma_start3A_62 : memref<1x128xi32, #tpu.memory_space<vmem>> -> memref<128xi32, #tpu.memory_space<vmem>>
      %dma_start3A_64 = arith.constant 0 : i32
      %dma_start3A_65 = arith.constant 0 : i32
      %dma_start3A_66 = tpu.memref_slice %arg11[%dma_start3A_64, %dma_start3A_65] : memref<10240x128xf32, #tpu.memory_space<vmem_shared>> -> memref<10240x128xf32, #tpu.memory_space<vmem_shared>>
      tpu.enqueue_indirect_dma source(%arg9 : memref<128x128xf32, #tpu.memory_space<vmem>>) target(%dma_start3A_66 : memref<10240x128xf32, #tpu.memory_space<vmem_shared>>) offsets(%dma_start3A_63 : memref<128xi32, #tpu.memory_space<vmem>>) semaphore(%arg14 : memref<!tpu.dma_semaphore, #tpu.memory_space<semaphore_mem>>) {add = true}
      %add3A_67 = arith.constant 1 : i32
      %add3A_68 = arith.addi %add3A_55, %add3A_67 : i32
      %dma_wait3A_69 = arith.constant 0 : i32
      %dma_wait3A_70 = tpu.memref_slice %arg7[%add3A_68, %dma_wait3A_69] : memref<40x128xi32, #tpu.memory_space<vmem>> -> memref<1x128xi32, #tpu.memory_space<vmem>>
      %dma_wait3A_71 = tpu.memref_squeeze %dma_wait3A_70 : memref<1x128xi32, #tpu.memory_space<vmem>> -> memref<128xi32, #tpu.memory_space<vmem>>
      %dma_wait3A_72 = arith.constant 0 : i32
      %dma_wait3A_73 = arith.constant 0 : i32
      %dma_wait3A_74 = tpu.memref_slice %arg2[%dma_wait3A_72, %dma_wait3A_73] : memref<10240x128xf32, #tpu.memory_space<hbm>> -> memref<10240x128xf32, #tpu.memory_space<hbm>>
      tpu.wait_indirect_dma semaphore(%arg13 : memref<!tpu.dma_semaphore, #tpu.memory_space<semaphore_mem>>) src(%dma_wait3A_74 : memref<10240x128xf32, #tpu.memory_space<hbm>>) dst(%arg10 : memref<128x128xf32, #tpu.memory_space<vmem>>)
      %add3A_75 = arith.constant 1 : i32
      %add3A_76 = arith.addi %add3A_55, %add3A_75 : i32
      %dma_start3A_77 = arith.constant 0 : i32
      %dma_start3A_78 = tpu.memref_slice %arg8[%add3A_76, %dma_start3A_77] : memref<40x128xi32, #tpu.memory_space<vmem>> -> memref<1x128xi32, #tpu.memory_space<vmem>>
      %dma_start3A_79 = tpu.memref_squeeze %dma_start3A_78 : memref<1x128xi32, #tpu.memory_space<vmem>> -> memref<128xi32, #tpu.memory_space<vmem>>
      %dma_start3A_80 = arith.constant 0 : i32
      %dma_start3A_81 = arith.constant 0 : i32
      %dma_start3A_82 = tpu.memref_slice %arg11[%dma_start3A_80, %dma_start3A_81] : memref<10240x128xf32, #tpu.memory_space<vmem_shared>> -> memref<10240x128xf32, #tpu.memory_space<vmem_shared>>
      tpu.enqueue_indirect_dma source(%arg10 : memref<128x128xf32, #tpu.memory_space<vmem>>) target(%dma_start3A_82 : memref<10240x128xf32, #tpu.memory_space<vmem_shared>>) offsets(%dma_start3A_79 : memref<128xi32, #tpu.memory_space<vmem>>) semaphore(%arg15 : memref<!tpu.dma_semaphore, #tpu.memory_space<semaphore_mem>>) {add = true}
      %dma_wait3A_83 = arith.constant 0 : i32
      %dma_wait3A_84 = tpu.memref_slice %arg8[%add3A_55, %dma_wait3A_83] : memref<40x128xi32, #tpu.memory_space<vmem>> -> memref<1x128xi32, #tpu.memory_space<vmem>>
      %dma_wait3A_85 = tpu.memref_squeeze %dma_wait3A_84 : memref<1x128xi32, #tpu.memory_space<vmem>> -> memref<128xi32, #tpu.memory_space<vmem>>
      %dma_wait3A_86 = arith.constant 0 : i32
      %dma_wait3A_87 = arith.constant 0 : i32
      %dma_wait3A_88 = tpu.memref_slice %arg11[%dma_wait3A_86, %dma_wait3A_87] : memref<10240x128xf32, #tpu.memory_space<vmem_shared>> -> memref<10240x128xf32, #tpu.memory_space<vmem_shared>>
      tpu.wait_indirect_dma semaphore(%arg14 : memref<!tpu.dma_semaphore, #tpu.memory_space<semaphore_mem>>) src(%arg9 : memref<128x128xf32, #tpu.memory_space<vmem>>) dst(%dma_wait3A_88 : memref<10240x128xf32, #tpu.memory_space<vmem_shared>>)
      %add3A_89 = arith.constant 2 : i32
      %add3A_90 = arith.addi %add3A_55, %add3A_89 : i32
      %lt3A = arith.constant 40 : i32
      %lt3A_91 = arith.cmpi slt, %add3A_90, %lt3A : i32
      %convert_element_type3A = arith.extui %lt3A_91 : i1 to i32
      %cond3A = arith.constant 0 : i32
      %cond3A_92 = arith.cmpi ne, %convert_element_type3A, %cond3A : i32
      scf.if %cond3A_92 {
        %add3A_106 = arith.constant 2 : i32
        %add3A_107 = arith.addi %add3A_55, %add3A_106 : i32
        %dma_start3A_108 = arith.constant 0 : i32
        %dma_start3A_109 = tpu.memref_slice %arg7[%add3A_107, %dma_start3A_108] : memref<40x128xi32, #tpu.memory_space<vmem>> -> memref<1x128xi32, #tpu.memory_space<vmem>>
        %dma_start3A_110 = tpu.memref_squeeze %dma_start3A_109 : memref<1x128xi32, #tpu.memory_space<vmem>> -> memref<128xi32, #tpu.memory_space<vmem>>
        %dma_start3A_111 = arith.constant 0 : i32
        %dma_start3A_112 = arith.constant 0 : i32
        %dma_start3A_113 = tpu.memref_slice %arg2[%dma_start3A_111, %dma_start3A_112] : memref<10240x128xf32, #tpu.memory_space<hbm>> -> memref<10240x128xf32, #tpu.memory_space<hbm>>
        tpu.enqueue_indirect_dma source(%dma_start3A_113 : memref<10240x128xf32, #tpu.memory_space<hbm>>) target(%arg9 : memref<128x128xf32, #tpu.memory_space<vmem>>) offsets(%dma_start3A_110 : memref<128xi32, #tpu.memory_space<vmem>>) semaphore(%arg12 : memref<!tpu.dma_semaphore, #tpu.memory_space<semaphore_mem>>)
      } else {
      }
      %dma_wait3A_93 = arith.constant 0 : i32
      %dma_wait3A_94 = tpu.memref_slice %arg8[%add3A_76, %dma_wait3A_93] : memref<40x128xi32, #tpu.memory_space<vmem>> -> memref<1x128xi32, #tpu.memory_space<vmem>>
      %dma_wait3A_95 = tpu.memref_squeeze %dma_wait3A_94 : memref<1x128xi32, #tpu.memory_space<vmem>> -> memref<128xi32, #tpu.memory_space<vmem>>
      %dma_wait3A_96 = arith.constant 0 : i32
      %dma_wait3A_97 = arith.constant 0 : i32
      %dma_wait3A_98 = tpu.memref_slice %arg11[%dma_wait3A_96, %dma_wait3A_97] : memref<10240x128xf32, #tpu.memory_space<vmem_shared>> -> memref<10240x128xf32, #tpu.memory_space<vmem_shared>>
      tpu.wait_indirect_dma semaphore(%arg15 : memref<!tpu.dma_semaphore, #tpu.memory_space<semaphore_mem>>) src(%arg10 : memref<128x128xf32, #tpu.memory_space<vmem>>) dst(%dma_wait3A_98 : memref<10240x128xf32, #tpu.memory_space<vmem_shared>>)
      %add3A_99 = arith.constant 2 : i32
      %add3A_100 = arith.addi %add3A_55, %add3A_99 : i32
      %lt3A_101 = arith.constant 40 : i32
      %lt3A_102 = arith.cmpi slt, %add3A_100, %lt3A_101 : i32
      %convert_element_type3A_103 = arith.extui %lt3A_102 : i1 to i32
      %cond3A_104 = arith.constant 0 : i32
      %cond3A_105 = arith.cmpi ne, %convert_element_type3A_103, %cond3A_104 : i32
      scf.if %cond3A_105 {
        %add3A_106 = arith.constant 3 : i32
        %add3A_107 = arith.addi %add3A_55, %add3A_106 : i32
        %dma_start3A_108 = arith.constant 0 : i32
        %dma_start3A_109 = tpu.memref_slice %arg7[%add3A_107, %dma_start3A_108] : memref<40x128xi32, #tpu.memory_space<vmem>> -> memref<1x128xi32, #tpu.memory_space<vmem>>
        %dma_start3A_110 = tpu.memref_squeeze %dma_start3A_109 : memref<1x128xi32, #tpu.memory_space<vmem>> -> memref<128xi32, #tpu.memory_space<vmem>>
        %dma_start3A_111 = arith.constant 0 : i32
        %dma_start3A_112 = arith.constant 0 : i32
        %dma_start3A_113 = tpu.memref_slice %arg2[%dma_start3A_111, %dma_start3A_112] : memref<10240x128xf32, #tpu.memory_space<hbm>> -> memref<10240x128xf32, #tpu.memory_space<hbm>>
        tpu.enqueue_indirect_dma source(%dma_start3A_113 : memref<10240x128xf32, #tpu.memory_space<hbm>>) target(%arg10 : memref<128x128xf32, #tpu.memory_space<vmem>>) offsets(%dma_start3A_110 : memref<128xi32, #tpu.memory_space<vmem>>) semaphore(%arg13 : memref<!tpu.dma_semaphore, #tpu.memory_space<semaphore_mem>>)
      } else {
      }
    }
    %scan3A_23 = arith.constant 20 : i32
    %mul3A_24 = arith.constant 80 : i32
    %mul3A_25 = arith.muli %add3A, %mul3A_24 : i32
    %add3A_26 = arith.constant 40 : i32
    %add3A_27 = arith.addi %mul3A_25, %add3A_26 : i32
    "tpu.region"() ({
      %run_scoped3A = tpu.sem_alloc : memref<!tpu.dma_semaphore, #tpu.memory_space<semaphore_mem>>
      %dma_start3A_51 = arith.constant 0 : i32
      %dma_start3A_52 = tpu.memref_slice %arg3[%add3A_27, %dma_start3A_51] : memref<2560x128xi32, #tpu.memory_space<hbm>> -> memref<40x128xi32, #tpu.memory_space<hbm>>
      %dma_start3A_53 = arith.constant 0 : i32
      %dma_start3A_54 = tpu.memref_slice %arg3[%add3A_27, %dma_start3A_53] : memref<2560x128xi32, #tpu.memory_space<hbm>> -> memref<40x128xi32, #tpu.memory_space<hbm>>
      tpu.enqueue_dma source(%dma_start3A_54 : memref<40x128xi32, #tpu.memory_space<hbm>>) target(%arg7 : memref<40x128xi32, #tpu.memory_space<vmem>>) target_semaphore(%run_scoped3A : memref<!tpu.dma_semaphore, #tpu.memory_space<semaphore_mem>>)
      %dma_wait3A = arith.constant 0 : i32
      %dma_wait3A_55 = tpu.memref_slice %arg3[%add3A_27, %dma_wait3A] : memref<2560x128xi32, #tpu.memory_space<hbm>> -> memref<40x128xi32, #tpu.memory_space<hbm>>
      %dma_wait3A_56 = arith.constant 0 : i32
      %dma_wait3A_57 = tpu.memref_slice %arg3[%add3A_27, %dma_wait3A_56] : memref<2560x128xi32, #tpu.memory_space<hbm>> -> memref<40x128xi32, #tpu.memory_space<hbm>>
      tpu.wait_dma2 semaphore(%run_scoped3A : memref<!tpu.dma_semaphore, #tpu.memory_space<semaphore_mem>>) src(%dma_wait3A_57 : memref<40x128xi32, #tpu.memory_space<hbm>>) dst(%arg7 : memref<40x128xi32, #tpu.memory_space<vmem>>)
      tpu.yield
    }) : () -> ()
    "tpu.region"() ({
      %run_scoped3A = tpu.sem_alloc : memref<!tpu.dma_semaphore, #tpu.memory_space<semaphore_mem>>
      %dma_start3A_51 = arith.constant 0 : i32
      %dma_start3A_52 = tpu.memref_slice %arg4[%add3A_27, %dma_start3A_51] : memref<2560x128xi32, #tpu.memory_space<hbm>> -> memref<40x128xi32, #tpu.memory_space<hbm>>
      %dma_start3A_53 = arith.constant 0 : i32
      %dma_start3A_54 = tpu.memref_slice %arg4[%add3A_27, %dma_start3A_53] : memref<2560x128xi32, #tpu.memory_space<hbm>> -> memref<40x128xi32, #tpu.memory_space<hbm>>
      tpu.enqueue_dma source(%dma_start3A_54 : memref<40x128xi32, #tpu.memory_space<hbm>>) target(%arg8 : memref<40x128xi32, #tpu.memory_space<vmem>>) target_semaphore(%run_scoped3A : memref<!tpu.dma_semaphore, #tpu.memory_space<semaphore_mem>>)
      %dma_wait3A = arith.constant 0 : i32
      %dma_wait3A_55 = tpu.memref_slice %arg4[%add3A_27, %dma_wait3A] : memref<2560x128xi32, #tpu.memory_space<hbm>> -> memref<40x128xi32, #tpu.memory_space<hbm>>
      %dma_wait3A_56 = arith.constant 0 : i32
      %dma_wait3A_57 = tpu.memref_slice %arg4[%add3A_27, %dma_wait3A_56] : memref<2560x128xi32, #tpu.memory_space<hbm>> -> memref<40x128xi32, #tpu.memory_space<hbm>>
      tpu.wait_dma2 semaphore(%run_scoped3A : memref<!tpu.dma_semaphore, #tpu.memory_space<semaphore_mem>>) src(%dma_wait3A_57 : memref<40x128xi32, #tpu.memory_space<hbm>>) dst(%arg8 : memref<40x128xi32, #tpu.memory_space<vmem>>)
      tpu.yield
    }) : () -> ()
    %dma_start3A_28 = arith.constant 0 : i32
    %dma_start3A_29 = arith.constant 0 : i32
    %dma_start3A_30 = tpu.memref_slice %arg7[%dma_start3A_28, %dma_start3A_29] : memref<40x128xi32, #tpu.memory_space<vmem>> -> memref<1x128xi32, #tpu.memory_space<vmem>>
    %dma_start3A_31 = tpu.memref_squeeze %dma_start3A_30 : memref<1x128xi32, #tpu.memory_space<vmem>> -> memref<128xi32, #tpu.memory_space<vmem>>
    %dma_start3A_32 = arith.constant 0 : i32
    %dma_start3A_33 = arith.constant 0 : i32
    %dma_start3A_34 = tpu.memref_slice %arg2[%dma_start3A_32, %dma_start3A_33] : memref<10240x128xf32, #tpu.memory_space<hbm>> -> memref<10240x128xf32, #tpu.memory_space<hbm>>
    tpu.enqueue_indirect_dma source(%dma_start3A_34 : memref<10240x128xf32, #tpu.memory_space<hbm>>) target(%arg9 : memref<128x128xf32, #tpu.memory_space<vmem>>) offsets(%dma_start3A_31 : memref<128xi32, #tpu.memory_space<vmem>>) semaphore(%arg12 : memref<!tpu.dma_semaphore, #tpu.memory_space<semaphore_mem>>)
    %dma_start3A_35 = arith.constant 1 : i32
    %dma_start3A_36 = arith.constant 0 : i32
    %dma_start3A_37 = tpu.memref_slice %arg7[%dma_start3A_35, %dma_start3A_36] : memref<40x128xi32, #tpu.memory_space<vmem>> -> memref<1x128xi32, #tpu.memory_space<vmem>>
    %dma_start3A_38 = tpu.memref_squeeze %dma_start3A_37 : memref<1x128xi32, #tpu.memory_space<vmem>> -> memref<128xi32, #tpu.memory_space<vmem>>
    %dma_start3A_39 = arith.constant 0 : i32
    %dma_start3A_40 = arith.constant 0 : i32
    %dma_start3A_41 = tpu.memref_slice %arg2[%dma_start3A_39, %dma_start3A_40] : memref<10240x128xf32, #tpu.memory_space<hbm>> -> memref<10240x128xf32, #tpu.memory_space<hbm>>
    tpu.enqueue_indirect_dma source(%dma_start3A_41 : memref<10240x128xf32, #tpu.memory_space<hbm>>) target(%arg10 : memref<128x128xf32, #tpu.memory_space<vmem>>) offsets(%dma_start3A_38 : memref<128xi32, #tpu.memory_space<vmem>>) semaphore(%arg13 : memref<!tpu.dma_semaphore, #tpu.memory_space<semaphore_mem>>)
    %scan3A_42 = arith.constant 0 : i32
    %scan3A_43 = arith.constant 20 : i32
    %scan3A_44 = arith.addi %scan3A_42, %scan3A_43 : i32
    %scan3A_45 = arith.constant 1 : i32
    scf.for %scan3A_51 = %scan3A_42 to %scan3A_44 step %scan3A_45  : i32 {
      %mul3A_52 = arith.constant 2 : i32
      %mul3A_53 = arith.muli %scan3A_51, %mul3A_52 : i32
      %add3A_54 = arith.constant 0 : i32
      %add3A_55 = arith.addi %add3A_54, %mul3A_53 : i32
      %dma_wait3A = arith.constant 0 : i32
      %dma_wait3A_56 = tpu.memref_slice %arg7[%add3A_55, %dma_wait3A] : memref<40x128xi32, #tpu.memory_space<vmem>> -> memref<1x128xi32, #tpu.memory_space<vmem>>
      %dma_wait3A_57 = tpu.memref_squeeze %dma_wait3A_56 : memref<1x128xi32, #tpu.memory_space<vmem>> -> memref<128xi32, #tpu.memory_space<vmem>>
      %dma_wait3A_58 = arith.constant 0 : i32
      %dma_wait3A_59 = arith.constant 0 : i32
      %dma_wait3A_60 = tpu.memref_slice %arg2[%dma_wait3A_58, %dma_wait3A_59] : memref<10240x128xf32, #tpu.memory_space<hbm>> -> memref<10240x128xf32, #tpu.memory_space<hbm>>
      tpu.wait_indirect_dma semaphore(%arg12 : memref<!tpu.dma_semaphore, #tpu.memory_space<semaphore_mem>>) src(%dma_wait3A_60 : memref<10240x128xf32, #tpu.memory_space<hbm>>) dst(%arg9 : memref<128x128xf32, #tpu.memory_space<vmem>>)
      %dma_start3A_61 = arith.constant 0 : i32
      %dma_start3A_62 = tpu.memref_slice %arg8[%add3A_55, %dma_start3A_61] : memref<40x128xi32, #tpu.memory_space<vmem>> -> memref<1x128xi32, #tpu.memory_space<vmem>>
      %dma_start3A_63 = tpu.memref_squeeze %dma_start3A_62 : memref<1x128xi32, #tpu.memory_space<vmem>> -> memref<128xi32, #tpu.memory_space<vmem>>
      %dma_start3A_64 = arith.constant 0 : i32
      %dma_start3A_65 = arith.constant 0 : i32
      %dma_start3A_66 = tpu.memref_slice %arg11[%dma_start3A_64, %dma_start3A_65] : memref<10240x128xf32, #tpu.memory_space<vmem_shared>> -> memref<10240x128xf32, #tpu.memory_space<vmem_shared>>
      tpu.enqueue_indirect_dma source(%arg9 : memref<128x128xf32, #tpu.memory_space<vmem>>) target(%dma_start3A_66 : memref<10240x128xf32, #tpu.memory_space<vmem_shared>>) offsets(%dma_start3A_63 : memref<128xi32, #tpu.memory_space<vmem>>) semaphore(%arg14 : memref<!tpu.dma_semaphore, #tpu.memory_space<semaphore_mem>>) {add = true}
      %add3A_67 = arith.constant 1 : i32
      %add3A_68 = arith.addi %add3A_55, %add3A_67 : i32
      %dma_wait3A_69 = arith.constant 0 : i32
      %dma_wait3A_70 = tpu.memref_slice %arg7[%add3A_68, %dma_wait3A_69] : memref<40x128xi32, #tpu.memory_space<vmem>> -> memref<1x128xi32, #tpu.memory_space<vmem>>
      %dma_wait3A_71 = tpu.memref_squeeze %dma_wait3A_70 : memref<1x128xi32, #tpu.memory_space<vmem>> -> memref<128xi32, #tpu.memory_space<vmem>>
      %dma_wait3A_72 = arith.constant 0 : i32
      %dma_wait3A_73 = arith.constant 0 : i32
      %dma_wait3A_74 = tpu.memref_slice %arg2[%dma_wait3A_72, %dma_wait3A_73] : memref<10240x128xf32, #tpu.memory_space<hbm>> -> memref<10240x128xf32, #tpu.memory_space<hbm>>
      tpu.wait_indirect_dma semaphore(%arg13 : memref<!tpu.dma_semaphore, #tpu.memory_space<semaphore_mem>>) src(%dma_wait3A_74 : memref<10240x128xf32, #tpu.memory_space<hbm>>) dst(%arg10 : memref<128x128xf32, #tpu.memory_space<vmem>>)
      %add3A_75 = arith.constant 1 : i32
      %add3A_76 = arith.addi %add3A_55, %add3A_75 : i32
      %dma_start3A_77 = arith.constant 0 : i32
      %dma_start3A_78 = tpu.memref_slice %arg8[%add3A_76, %dma_start3A_77] : memref<40x128xi32, #tpu.memory_space<vmem>> -> memref<1x128xi32, #tpu.memory_space<vmem>>
      %dma_start3A_79 = tpu.memref_squeeze %dma_start3A_78 : memref<1x128xi32, #tpu.memory_space<vmem>> -> memref<128xi32, #tpu.memory_space<vmem>>
      %dma_start3A_80 = arith.constant 0 : i32
      %dma_start3A_81 = arith.constant 0 : i32
      %dma_start3A_82 = tpu.memref_slice %arg11[%dma_start3A_80, %dma_start3A_81] : memref<10240x128xf32, #tpu.memory_space<vmem_shared>> -> memref<10240x128xf32, #tpu.memory_space<vmem_shared>>
      tpu.enqueue_indirect_dma source(%arg10 : memref<128x128xf32, #tpu.memory_space<vmem>>) target(%dma_start3A_82 : memref<10240x128xf32, #tpu.memory_space<vmem_shared>>) offsets(%dma_start3A_79 : memref<128xi32, #tpu.memory_space<vmem>>) semaphore(%arg15 : memref<!tpu.dma_semaphore, #tpu.memory_space<semaphore_mem>>) {add = true}
      %dma_wait3A_83 = arith.constant 0 : i32
      %dma_wait3A_84 = tpu.memref_slice %arg8[%add3A_55, %dma_wait3A_83] : memref<40x128xi32, #tpu.memory_space<vmem>> -> memref<1x128xi32, #tpu.memory_space<vmem>>
      %dma_wait3A_85 = tpu.memref_squeeze %dma_wait3A_84 : memref<1x128xi32, #tpu.memory_space<vmem>> -> memref<128xi32, #tpu.memory_space<vmem>>
      %dma_wait3A_86 = arith.constant 0 : i32
      %dma_wait3A_87 = arith.constant 0 : i32
      %dma_wait3A_88 = tpu.memref_slice %arg11[%dma_wait3A_86, %dma_wait3A_87] : memref<10240x128xf32, #tpu.memory_space<vmem_shared>> -> memref<10240x128xf32, #tpu.memory_space<vmem_shared>>
      tpu.wait_indirect_dma semaphore(%arg14 : memref<!tpu.dma_semaphore, #tpu.memory_space<semaphore_mem>>) src(%arg9 : memref<128x128xf32, #tpu.memory_space<vmem>>) dst(%dma_wait3A_88 : memref<10240x128xf32, #tpu.memory_space<vmem_shared>>)
      %add3A_89 = arith.constant 2 : i32
      %add3A_90 = arith.addi %add3A_55, %add3A_89 : i32
      %lt3A = arith.constant 40 : i32
      %lt3A_91 = arith.cmpi slt, %add3A_90, %lt3A : i32
      %convert_element_type3A = arith.extui %lt3A_91 : i1 to i32
      %cond3A = arith.constant 0 : i32
      %cond3A_92 = arith.cmpi ne, %convert_element_type3A, %cond3A : i32
      scf.if %cond3A_92 {
        %add3A_106 = arith.constant 2 : i32
        %add3A_107 = arith.addi %add3A_55, %add3A_106 : i32
        %dma_start3A_108 = arith.constant 0 : i32
        %dma_start3A_109 = tpu.memref_slice %arg7[%add3A_107, %dma_start3A_108] : memref<40x128xi32, #tpu.memory_space<vmem>> -> memref<1x128xi32, #tpu.memory_space<vmem>>
        %dma_start3A_110 = tpu.memref_squeeze %dma_start3A_109 : memref<1x128xi32, #tpu.memory_space<vmem>> -> memref<128xi32, #tpu.memory_space<vmem>>
        %dma_start3A_111 = arith.constant 0 : i32
        %dma_start3A_112 = arith.constant 0 : i32
        %dma_start3A_113 = tpu.memref_slice %arg2[%dma_start3A_111, %dma_start3A_112] : memref<10240x128xf32, #tpu.memory_space<hbm>> -> memref<10240x128xf32, #tpu.memory_space<hbm>>
        tpu.enqueue_indirect_dma source(%dma_start3A_113 : memref<10240x128xf32, #tpu.memory_space<hbm>>) target(%arg9 : memref<128x128xf32, #tpu.memory_space<vmem>>) offsets(%dma_start3A_110 : memref<128xi32, #tpu.memory_space<vmem>>) semaphore(%arg12 : memref<!tpu.dma_semaphore, #tpu.memory_space<semaphore_mem>>)
      } else {
      }
      %dma_wait3A_93 = arith.constant 0 : i32
      %dma_wait3A_94 = tpu.memref_slice %arg8[%add3A_76, %dma_wait3A_93] : memref<40x128xi32, #tpu.memory_space<vmem>> -> memref<1x128xi32, #tpu.memory_space<vmem>>
      %dma_wait3A_95 = tpu.memref_squeeze %dma_wait3A_94 : memref<1x128xi32, #tpu.memory_space<vmem>> -> memref<128xi32, #tpu.memory_space<vmem>>
      %dma_wait3A_96 = arith.constant 0 : i32
      %dma_wait3A_97 = arith.constant 0 : i32
      %dma_wait3A_98 = tpu.memref_slice %arg11[%dma_wait3A_96, %dma_wait3A_97] : memref<10240x128xf32, #tpu.memory_space<vmem_shared>> -> memref<10240x128xf32, #tpu.memory_space<vmem_shared>>
      tpu.wait_indirect_dma semaphore(%arg15 : memref<!tpu.dma_semaphore, #tpu.memory_space<semaphore_mem>>) src(%arg10 : memref<128x128xf32, #tpu.memory_space<vmem>>) dst(%dma_wait3A_98 : memref<10240x128xf32, #tpu.memory_space<vmem_shared>>)
      %add3A_99 = arith.constant 2 : i32
      %add3A_100 = arith.addi %add3A_55, %add3A_99 : i32
      %lt3A_101 = arith.constant 40 : i32
      %lt3A_102 = arith.cmpi slt, %add3A_100, %lt3A_101 : i32
      %convert_element_type3A_103 = arith.extui %lt3A_102 : i1 to i32
      %cond3A_104 = arith.constant 0 : i32
      %cond3A_105 = arith.cmpi ne, %convert_element_type3A_103, %cond3A_104 : i32
      scf.if %cond3A_105 {
        %add3A_106 = arith.constant 3 : i32
        %add3A_107 = arith.addi %add3A_55, %add3A_106 : i32
        %dma_start3A_108 = arith.constant 0 : i32
        %dma_start3A_109 = tpu.memref_slice %arg7[%add3A_107, %dma_start3A_108] : memref<40x128xi32, #tpu.memory_space<vmem>> -> memref<1x128xi32, #tpu.memory_space<vmem>>
        %dma_start3A_110 = tpu.memref_squeeze %dma_start3A_109 : memref<1x128xi32, #tpu.memory_space<vmem>> -> memref<128xi32, #tpu.memory_space<vmem>>
        %dma_start3A_111 = arith.constant 0 : i32
        %dma_start3A_112 = arith.constant 0 : i32
        %dma_start3A_113 = tpu.memref_slice %arg2[%dma_start3A_111, %dma_start3A_112] : memref<10240x128xf32, #tpu.memory_space<hbm>> -> memref<10240x128xf32, #tpu.memory_space<hbm>>
        tpu.enqueue_indirect_dma source(%dma_start3A_113 : memref<10240x128xf32, #tpu.memory_space<hbm>>) target(%arg10 : memref<128x128xf32, #tpu.memory_space<vmem>>) offsets(%dma_start3A_110 : memref<128xi32, #tpu.memory_space<vmem>>) semaphore(%arg13 : memref<!tpu.dma_semaphore, #tpu.memory_space<semaphore_mem>>)
      } else {
      }
    }
    %scan3A_46 = arith.constant 20 : i32
    %barrier3A_47 = arith.constant 0 : index
    tpu.barrier barrier_id(%barrier3A_47)
    %mul3A_48 = arith.constant 10240 : i32
    %mul3A_49 = arith.muli %arg0, %mul3A_48 : i32
    %add3A_50 = arith.addi %mul3A_49, %mul3A_2 : i32
    "tpu.region"() ({
      %run_scoped3A = tpu.sem_alloc : memref<!tpu.dma_semaphore, #tpu.memory_space<semaphore_mem>>
      %dma_start3A_51 = arith.constant 0 : i32
      %dma_start3A_52 = tpu.memref_slice %arg6[%add3A_50, %dma_start3A_51] : memref<20480x128xf32, #tpu.memory_space<hbm>> -> memref<640x128xf32, #tpu.memory_space<hbm>>
      %dma_start3A_53 = arith.constant 0 : i32
      %dma_start3A_54 = tpu.memref_slice %arg11[%mul3A_2, %dma_start3A_53] : memref<10240x128xf32, #tpu.memory_space<vmem_shared>> -> memref<640x128xf32, #tpu.memory_space<vmem_shared>>
      tpu.enqueue_dma source(%dma_start3A_54 : memref<640x128xf32, #tpu.memory_space<vmem_shared>>) target(%dma_start3A_52 : memref<640x128xf32, #tpu.memory_space<hbm>>) target_semaphore(%run_scoped3A : memref<!tpu.dma_semaphore, #tpu.memory_space<semaphore_mem>>)
      %dma_wait3A = arith.constant 0 : i32
      %dma_wait3A_55 = tpu.memref_slice %arg6[%add3A_50, %dma_wait3A] : memref<20480x128xf32, #tpu.memory_space<hbm>> -> memref<640x128xf32, #tpu.memory_space<hbm>>
      %dma_wait3A_56 = arith.constant 0 : i32
      %dma_wait3A_57 = tpu.memref_slice %arg11[%mul3A_2, %dma_wait3A_56] : memref<10240x128xf32, #tpu.memory_space<vmem_shared>> -> memref<640x128xf32, #tpu.memory_space<vmem_shared>>
      tpu.wait_dma2 semaphore(%run_scoped3A : memref<!tpu.dma_semaphore, #tpu.memory_space<semaphore_mem>>) src(%dma_wait3A_57 : memref<640x128xf32, #tpu.memory_space<vmem_shared>>) dst(%dma_wait3A_55 : memref<640x128xf32, #tpu.memory_space<hbm>>)
      tpu.yield
    }) : () -> ()
    return
  }
}

module attributes {stable_mosaic.version = 14 : i64} {
  func.func @_prep_body(%arg0: i32, %arg1: memref<5120x128xf32, #tpu.memory_space<vmem>>, %arg2: memref<128x128xf32, #tpu.memory_space<vmem>>, %arg3: memref<5120x128xf32, #tpu.memory_space<vmem>>, %arg4: memref<5120x128xf32, #tpu.memory_space<vmem>>, %arg5: memref<5120x1xf32, #tpu.memory_space<vmem>>, %arg6: memref<5120x128xf32, #tpu.memory_space<vmem>>) attributes {dimension_semantics = [#tpu.dimension_semantics<arbitrary>], iteration_bounds = array<i64: 2>, scalar_prefetch = 0 : i64, scratch_operands = 0 : i64, tpu.core_type = #tpu.core_type<tc>, window_params = [{transform_indices = @transform_0, window_bounds = array<i64: 5120, 128>}, {pipeline_mode = #tpu.pipeline_mode<synchronous>, transform_indices = @transform_1, window_bounds = array<i64: 128, 128>}, {transform_indices = @transform_2, window_bounds = array<i64: 5120, 128>}, {transform_indices = @transform_3, window_bounds = array<i64: 5120, 128>}, {transform_indices = @transform_4, window_bounds = array<i64: 5120, 1>}, {transform_indices = @transform_5, window_bounds = array<i64: 5120, 128>}]} {
    %get3A = arith.constant 0 : index
    %get3A_0 = arith.constant 0 : index
    %get3A_1 = vector.load %arg3[%get3A, %get3A_0] : memref<5120x128xf32, #tpu.memory_space<vmem>>, vector<5120x1xf32>
    %get3A_2 = arith.constant 0 : index
    %get3A_3 = arith.constant 0 : index
    %get3A_4 = vector.load %arg4[%get3A_2, %get3A_3] : memref<5120x128xf32, #tpu.memory_space<vmem>>, vector<5120x1xf32>
    %add3A = arith.addf %get3A_1, %get3A_4 : vector<5120x1xf32>
    %add3A_5 = arith.constant 1.000000e+00 : f32
    %add3A_6 = vector.broadcast %add3A_5 : f32 to vector<5120x1xf32>
    %add3A_7 = arith.addf %add3A, %add3A_6 : vector<5120x1xf32>
    %rsqrt3A = math.rsqrt %add3A_7 : vector<5120x1xf32>
    %swap3A = arith.constant 0 : index
    %swap3A_8 = arith.constant 0 : index
    %swap3A_9 = vector.load %arg5[%swap3A, %swap3A_8] : memref<5120x1xf32, #tpu.memory_space<vmem>>, vector<5120x1xf32>
    tpu.vector_store %arg5[%swap3A, %swap3A_8], %rsqrt3A {strides = array<i32>} : memref<5120x1xf32, #tpu.memory_space<vmem>>, vector<5120x1xf32>,
    %get3A_10 = arith.constant 0 : index
    %get3A_11 = arith.constant 0 : index
    %get3A_12 = vector.load %arg1[%get3A_10, %get3A_11] : memref<5120x128xf32, #tpu.memory_space<vmem>>, vector<5120x128xf32>
    %get3A_13 = arith.constant 0 : index
    %get3A_14 = arith.constant 0 : index
    %get3A_15 = vector.load %arg2[%get3A_13, %get3A_14] : memref<128x128xf32, #tpu.memory_space<vmem>>, vector<128x128xf32>
    %dot_general3A = arith.constant dense<0.000000e+00> : vector<5120x128xf32>
    %dot_general3A_16 = tpu.matmul %get3A_12, %get3A_15, %dot_general3A {dimension_numbers = #tpu.dot_dimension_numbers<[1], [0], [0], [1], [0, 0, 1, 1], [], []>, transpose_lhs_hint = false} : vector<5120x128xf32>, vector<128x128xf32>, vector<5120x128xf32> -> vector<5120x128xf32>
    %mul3A = vector.broadcast %rsqrt3A : vector<5120x1xf32> to vector<5120x128xf32>
    %mul3A_17 = arith.mulf %mul3A, %dot_general3A_16 : vector<5120x128xf32>
    %swap3A_18 = arith.constant 0 : index
    %swap3A_19 = arith.constant 0 : index
    %swap3A_20 = vector.load %arg6[%swap3A_18, %swap3A_19] : memref<5120x128xf32, #tpu.memory_space<vmem>>, vector<5120x128xf32>
    tpu.vector_store %arg6[%swap3A_18, %swap3A_19], %mul3A_17 {strides = array<i32>} : memref<5120x128xf32, #tpu.memory_space<vmem>>, vector<5120x128xf32>,
    return
  }
  func.func @transform_0(%arg0: i32) -> (i32, i32) {
    %c0_i32 = arith.constant 0 : i32
    %c0_i32_0 = arith.constant 0 : i32
    return %arg0, %c0_i32 : i32, i32
  }
  func.func @transform_1(%arg0: i32) -> (i32, i32) {
    %c0_i32 = arith.constant 0 : i32
    %c0_i32_0 = arith.constant 0 : i32
    %c0_i32_1 = arith.constant 0 : i32
    return %c0_i32, %c0_i32_0 : i32, i32
  }
  func.func @transform_2(%arg0: i32) -> (i32, i32) {
    %c0_i32 = arith.constant 0 : i32
    %c0_i32_0 = arith.constant 0 : i32
    return %arg0, %c0_i32 : i32, i32
  }
  func.func @transform_3(%arg0: i32) -> (i32, i32) {
    %add3A = arith.constant 2 : i32
    %add3A_0 = arith.addi %arg0, %add3A : i32
    %c0_i32 = arith.constant 0 : i32
    %c0_i32_1 = arith.constant 0 : i32
    return %add3A_0, %c0_i32 : i32, i32
  }
  func.func @transform_4(%arg0: i32) -> (i32, i32) {
    %c0_i32 = arith.constant 0 : i32
    %c0_i32_0 = arith.constant 0 : i32
    return %arg0, %c0_i32 : i32, i32
  }
  func.func @transform_5(%arg0: i32) -> (i32, i32) {
    %c0_i32 = arith.constant 0 : i32
    %c0_i32_0 = arith.constant 0 : i32
    return %arg0, %c0_i32 : i32, i32
  }
}

module attributes {stable_mosaic.version = 14 : i64} {
  func.func @_layer_body(%arg0: i32, %arg1: memref<5120x128xf32, #tpu.memory_space<vmem>>, %arg2: memref<5120x128xf32, #tpu.memory_space<vmem>>, %arg3: memref<5120x128xf32, #tpu.memory_space<vmem>>, %arg4: memref<5120x1xf32, #tpu.memory_space<vmem>>, %arg5: memref<128x128xf32, #tpu.memory_space<vmem>>, %arg6: memref<1x128xf32, #tpu.memory_space<vmem>>, %arg7: memref<5120x128xf32, #tpu.memory_space<vmem>>) attributes {dimension_semantics = [#tpu.dimension_semantics<arbitrary>], iteration_bounds = array<i64: 2>, scalar_prefetch = 0 : i64, scratch_operands = 0 : i64, tpu.core_type = #tpu.core_type<tc>, window_params = [{transform_indices = @transform_0, window_bounds = array<i64: 5120, 128>}, {transform_indices = @transform_1, window_bounds = array<i64: 5120, 128>}, {transform_indices = @transform_2, window_bounds = array<i64: 5120, 128>}, {transform_indices = @transform_3, window_bounds = array<i64: 5120, 1>}, {pipeline_mode = #tpu.pipeline_mode<synchronous>, transform_indices = @transform_4, window_bounds = array<i64: 128, 128>}, {pipeline_mode = #tpu.pipeline_mode<synchronous>, transform_indices = @transform_5, window_bounds = array<i64: 1, 128>}, {transform_indices = @transform_6, window_bounds = array<i64: 5120, 128>}]} {
    %get3A = arith.constant 0 : index
    %get3A_0 = arith.constant 0 : index
    %get3A_1 = vector.load %arg4[%get3A, %get3A_0] : memref<5120x1xf32, #tpu.memory_space<vmem>>, vector<5120x1xf32>
    %get3A_2 = arith.constant 0 : index
    %get3A_3 = arith.constant 0 : index
    %get3A_4 = vector.load %arg1[%get3A_2, %get3A_3] : memref<5120x128xf32, #tpu.memory_space<vmem>>, vector<5120x128xf32>
    %get3A_5 = arith.constant 0 : index
    %get3A_6 = arith.constant 0 : index
    %get3A_7 = vector.load %arg2[%get3A_5, %get3A_6] : memref<5120x128xf32, #tpu.memory_space<vmem>>, vector<5120x128xf32>
    %add3A = arith.addf %get3A_4, %get3A_7 : vector<5120x128xf32>
    %get3A_8 = arith.constant 0 : index
    %get3A_9 = arith.constant 0 : index
    %get3A_10 = vector.load %arg3[%get3A_8, %get3A_9] : memref<5120x128xf32, #tpu.memory_space<vmem>>, vector<5120x128xf32>
    %add3A_11 = arith.addf %add3A, %get3A_10 : vector<5120x128xf32>
    %mul3A = vector.broadcast %get3A_1 : vector<5120x1xf32> to vector<5120x128xf32>
    %mul3A_12 = arith.mulf %mul3A, %add3A_11 : vector<5120x128xf32>
    %get3A_13 = arith.constant 0 : index
    %get3A_14 = arith.constant 0 : index
    %get3A_15 = vector.load %arg6[%get3A_13, %get3A_14] : memref<1x128xf32, #tpu.memory_space<vmem>>, vector<1x128xf32>
    %add3A_16 = vector.broadcast %get3A_15 : vector<1x128xf32> to vector<5120x128xf32>
    %add3A_17 = arith.addf %mul3A_12, %add3A_16 : vector<5120x128xf32>
    %swap3A = arith.constant 0 : index
    %swap3A_18 = arith.constant 0 : index
    %swap3A_19 = vector.load %arg7[%swap3A, %swap3A_18] : memref<5120x128xf32, #tpu.memory_space<vmem>>, vector<5120x128xf32>
    tpu.vector_store %arg7[%swap3A, %swap3A_18], %add3A_17 {strides = array<i32>} : memref<5120x128xf32, #tpu.memory_space<vmem>>, vector<5120x128xf32>,
    return
  }
  func.func @transform_0(%arg0: i32) -> (i32, i32) {
    %c0_i32 = arith.constant 0 : i32
    %c0_i32_0 = arith.constant 0 : i32
    return %arg0, %c0_i32 : i32, i32
  }
  func.func @transform_1(%arg0: i32) -> (i32, i32) {
    %add3A = arith.constant 2 : i32
    %add3A_0 = arith.addi %arg0, %add3A : i32
    %c0_i32 = arith.constant 0 : i32
    %c0_i32_1 = arith.constant 0 : i32
    return %add3A_0, %c0_i32 : i32, i32
  }
  func.func @transform_2(%arg0: i32) -> (i32, i32) {
    %c0_i32 = arith.constant 0 : i32
    %c0_i32_0 = arith.constant 0 : i32
    return %arg0, %c0_i32 : i32, i32
  }
  func.func @transform_3(%arg0: i32) -> (i32, i32) {
    %c0_i32 = arith.constant 0 : i32
    %c0_i32_0 = arith.constant 0 : i32
    return %arg0, %c0_i32 : i32, i32
  }
  func.func @transform_4(%arg0: i32) -> (i32, i32) {
    %c0_i32 = arith.constant 0 : i32
    %c0_i32_0 = arith.constant 0 : i32
    %c0_i32_1 = arith.constant 0 : i32
    return %c0_i32, %c0_i32_0 : i32, i32
  }
  func.func @transform_5(%arg0: i32) -> (i32, i32) {
    %c0_i32 = arith.constant 0 : i32
    %c0_i32_0 = arith.constant 0 : i32
    %c0_i32_1 = arith.constant 0 : i32
    return %c0_i32, %c0_i32_0 : i32, i32
  }
  func.func @transform_6(%arg0: i32) -> (i32, i32) {
    %c0_i32 = arith.constant 0 : i32
    %c0_i32_0 = arith.constant 0 : i32
    return %arg0, %c0_i32 : i32, i32
  }
}

module attributes {stable_mosaic.version = 14 : i64} {
  func.func @_layer_body(%arg0: i32, %arg1: memref<5120x128xf32, #tpu.memory_space<vmem>>, %arg2: memref<5120x128xf32, #tpu.memory_space<vmem>>, %arg3: memref<5120x128xf32, #tpu.memory_space<vmem>>, %arg4: memref<5120x1xf32, #tpu.memory_space<vmem>>, %arg5: memref<128x128xf32, #tpu.memory_space<vmem>>, %arg6: memref<1x128xf32, #tpu.memory_space<vmem>>, %arg7: memref<5120x128xf32, #tpu.memory_space<vmem>>) attributes {dimension_semantics = [#tpu.dimension_semantics<arbitrary>], iteration_bounds = array<i64: 2>, scalar_prefetch = 0 : i64, scratch_operands = 0 : i64, tpu.core_type = #tpu.core_type<tc>, window_params = [{transform_indices = @transform_0, window_bounds = array<i64: 5120, 128>}, {transform_indices = @transform_1, window_bounds = array<i64: 5120, 128>}, {transform_indices = @transform_2, window_bounds = array<i64: 5120, 128>}, {transform_indices = @transform_3, window_bounds = array<i64: 5120, 1>}, {pipeline_mode = #tpu.pipeline_mode<synchronous>, transform_indices = @transform_4, window_bounds = array<i64: 128, 128>}, {pipeline_mode = #tpu.pipeline_mode<synchronous>, transform_indices = @transform_5, window_bounds = array<i64: 1, 128>}, {transform_indices = @transform_6, window_bounds = array<i64: 5120, 128>}]} {
    %get3A = arith.constant 0 : index
    %get3A_0 = arith.constant 0 : index
    %get3A_1 = vector.load %arg4[%get3A, %get3A_0] : memref<5120x1xf32, #tpu.memory_space<vmem>>, vector<5120x1xf32>
    %get3A_2 = arith.constant 0 : index
    %get3A_3 = arith.constant 0 : index
    %get3A_4 = vector.load %arg1[%get3A_2, %get3A_3] : memref<5120x128xf32, #tpu.memory_space<vmem>>, vector<5120x128xf32>
    %get3A_5 = arith.constant 0 : index
    %get3A_6 = arith.constant 0 : index
    %get3A_7 = vector.load %arg2[%get3A_5, %get3A_6] : memref<5120x128xf32, #tpu.memory_space<vmem>>, vector<5120x128xf32>
    %add3A = arith.addf %get3A_4, %get3A_7 : vector<5120x128xf32>
    %get3A_8 = arith.constant 0 : index
    %get3A_9 = arith.constant 0 : index
    %get3A_10 = vector.load %arg3[%get3A_8, %get3A_9] : memref<5120x128xf32, #tpu.memory_space<vmem>>, vector<5120x128xf32>
    %add3A_11 = arith.addf %add3A, %get3A_10 : vector<5120x128xf32>
    %mul3A = vector.broadcast %get3A_1 : vector<5120x1xf32> to vector<5120x128xf32>
    %mul3A_12 = arith.mulf %mul3A, %add3A_11 : vector<5120x128xf32>
    %get3A_13 = arith.constant 0 : index
    %get3A_14 = arith.constant 0 : index
    %get3A_15 = vector.load %arg6[%get3A_13, %get3A_14] : memref<1x128xf32, #tpu.memory_space<vmem>>, vector<1x128xf32>
    %add3A_16 = vector.broadcast %get3A_15 : vector<1x128xf32> to vector<5120x128xf32>
    %add3A_17 = arith.addf %mul3A_12, %add3A_16 : vector<5120x128xf32>
    %max3A = arith.constant 0.000000e+00 : f32
    %max3A_18 = vector.broadcast %max3A : f32 to vector<5120x128xf32>
    %max3A_19 = arith.maximumf %add3A_17, %max3A_18 : vector<5120x128xf32>
    %get3A_20 = arith.constant 0 : index
    %get3A_21 = arith.constant 0 : index
    %get3A_22 = vector.load %arg4[%get3A_20, %get3A_21] : memref<5120x1xf32, #tpu.memory_space<vmem>>, vector<5120x1xf32>
    %get3A_23 = arith.constant 0 : index
    %get3A_24 = arith.constant 0 : index
    %get3A_25 = vector.load %arg5[%get3A_23, %get3A_24] : memref<128x128xf32, #tpu.memory_space<vmem>>, vector<128x128xf32>
    %dot_general3A = arith.constant dense<0.000000e+00> : vector<5120x128xf32>
    %dot_general3A_26 = tpu.matmul %max3A_19, %get3A_25, %dot_general3A {dimension_numbers = #tpu.dot_dimension_numbers<[1], [0], [0], [1], [0, 0, 1, 1], [], []>, transpose_lhs_hint = false} : vector<5120x128xf32>, vector<128x128xf32>, vector<5120x128xf32> -> vector<5120x128xf32>
    %mul3A_27 = vector.broadcast %get3A_22 : vector<5120x1xf32> to vector<5120x128xf32>
    %mul3A_28 = arith.mulf %mul3A_27, %dot_general3A_26 : vector<5120x128xf32>
    %swap3A = arith.constant 0 : index
    %swap3A_29 = arith.constant 0 : index
    %swap3A_30 = vector.load %arg7[%swap3A, %swap3A_29] : memref<5120x128xf32, #tpu.memory_space<vmem>>, vector<5120x128xf32>
    tpu.vector_store %arg7[%swap3A, %swap3A_29], %mul3A_28 {strides = array<i32>} : memref<5120x128xf32, #tpu.memory_space<vmem>>, vector<5120x128xf32>,
    return
  }
  func.func @transform_0(%arg0: i32) -> (i32, i32) {
    %c0_i32 = arith.constant 0 : i32
    %c0_i32_0 = arith.constant 0 : i32
    return %arg0, %c0_i32 : i32, i32
  }
  func.func @transform_1(%arg0: i32) -> (i32, i32) {
    %add3A = arith.constant 2 : i32
    %add3A_0 = arith.addi %arg0, %add3A : i32
    %c0_i32 = arith.constant 0 : i32
    %c0_i32_1 = arith.constant 0 : i32
    return %add3A_0, %c0_i32 : i32, i32
  }
  func.func @transform_2(%arg0: i32) -> (i32, i32) {
    %c0_i32 = arith.constant 0 : i32
    %c0_i32_0 = arith.constant 0 : i32
    return %arg0, %c0_i32 : i32, i32
  }
  func.func @transform_3(%arg0: i32) -> (i32, i32) {
    %c0_i32 = arith.constant 0 : i32
    %c0_i32_0 = arith.constant 0 : i32
    return %arg0, %c0_i32 : i32, i32
  }
  func.func @transform_4(%arg0: i32) -> (i32, i32) {
    %c0_i32 = arith.constant 0 : i32
    %c0_i32_0 = arith.constant 0 : i32
    %c0_i32_1 = arith.constant 0 : i32
    return %c0_i32, %c0_i32_0 : i32, i32
  }
  func.func @transform_5(%arg0: i32) -> (i32, i32) {
    %c0_i32 = arith.constant 0 : i32
    %c0_i32_0 = arith.constant 0 : i32
    %c0_i32_1 = arith.constant 0 : i32
    return %c0_i32, %c0_i32_0 : i32, i32
  }
  func.func @transform_6(%arg0: i32) -> (i32, i32) {
    %c0_i32 = arith.constant 0 : i32
    %c0_i32_0 = arith.constant 0 : i32
    return %arg0, %c0_i32 : i32, i32
  }
}

</mosaic_0001>

<sc_bundles>
// kernel: kernel.10.cloned.1.call-start
scs
__scs_entry_jumppad:
0x0: {  	(pc) =	sbr.rel $0x88, $3  }
0x1: {  	(tag) =	ssettag $0x0;
	lr =	simm.s32 $0x1  }
0x2: {  	[smem:$0x3F99] =	sst lr;
	_ =	strace $0xD0000000  }
0x3: {  	_ = 	snop  }
0x4: {  	_ = 	snop  }
0x5: {  	_ = 	snop  }
0x6: {  	_ = 	snop  }
0x7: {  	_ = 	snop  }
__scs_overlays_trampoline_lowered:
0x8: {  	[smem:$0x3FA8] =	sst s0  }
0x9: {  	[smem:$0x3FA9] =	sst s1  }
0xa: {  	[smem:$0x3FAA] =	sst s2  }
0xb: {  	[smem:$0x3FAB] =	sst s3  }
0xc: {  	[smem:$0x3FAC] =	sst s4  }
0xd: {  	[smem:$0x3FAD] =	sst s5  }
0xe: {  	[smem:$0x3FAE] =	sst s6  }
0xf: {  	[smem:$0x3FAF] =	sst s7  }
0x10: {  	[smem:$0x3FB0] =	sst s8  }
0x11: {  	[smem:$0x3FB1] =	sst s9;
	s0 =	simm.s32 @!p0 $0x0  }
0x12: {  	s1 =	sld [smem:$0x3F97];
	s0 =	simm.s32 @p0 $0x1  }
0x13: {  	[smem:$0x3FB2] =	sst s0;
	s0 =	simm.s32 @!p1 $0x0  }
0x14: {  	s2 =	sld [smem:$0x3F96];
	s0 =	simm.s32 @p1 $0x1  }
0x15: {  	[smem:$0x3FB3] =	sst s0;
	s0 =	simm.s32 @!p2 $0x0  }
0x16: {  	s3 =	sld [smem:$0x3FDB];
	s0 =	simm.s32 @p2 $0x1  }
0x17: {  	s4 =	simm.s32 $0x1BF5;
	[smem:$0x3FB5] =	sst s0  }
0x18: {  	s0 =	sld [smem:$0x3F98];
	_ =	swait.ge [sflag:s4], $0x0  }
0x19: {  	s7 =	sld [smem:$0x3F99]  }
0x1a: {  	s8 =	sadd.s32 $0xFFFFE003, lr  }
0x1b: {  	s9 =	sadd.s32 $0xFFFFFEF7, lr;
	s5 =	simm.s32 $0xFFFFFFFF;
	p2 =	slt.u32 s8, $0xFFFFF086  }
0x1c: {  	p1 =	slt.u32 s9, $0xF7A;
	s5 =	simm.s32 @!p2 $0x0  }
0x1d: {  	s5 =	simm.s32 @p1 $0x1;
	p0 =	seq.s32 s7, s2  }
0x1e: {  	s7 =	smul.u32 @!p0 $0xF7A, s2;
	p2 =	seq.s32 @!p0 s5, $0x0  }
0x1f: {  	s9 =	smul.u32 $0xF7A, s1;
	s8 =	simm.s32 @!p0 $0x1BF5;
	p2 =	por !p2, p0  }
0x20: {  	[sflag:s8] =	ssyncset.s32 @!p0 $0xFFFFF086;
	s6 =	sadd.s32 @!p0 s3, s7;
	s7 =	simm.s32 @!p0 $0x108  }
0x21: {  	s3 =	sadd.s32 s3, s9;
	s6 =	sadd.s32 @!p0 $0x88, s6;
	s7 =	simm.s32 @p2 $0x1082  }
0x22: {  	[simem:s7], [sflag:s8] =	dma.local @!p0 [hbm:s6], $0xF7A  }
0x23: {  	s9 =	sor.u32 $0xD0000000, s2;
	s6 =	simm.s32 $0x108;
	_ =	swait.ge @!p0 [sflag:s8], $0x0  }
0x24: {  	s3 =	sadd.s32 $0x88, s3;
	s6 =	simm.s32 @!p1 $0x1082;
	[sflag:s4] =	ssyncset.s32 $0xFFFFF086  }
0x25: {  	[simem:s6], [sflag:s4] =	dma.local [hbm:s3], $0xF7A  }
0x26: {  	[smem:$0x3F99] =	sst s1;
	(tag) =	ssettag s2;
	_ =	strace s9  }
0x27: {  	s1 =	sld [smem:$0x3FA9]  }
0x28: {  	s2 =	sld [smem:$0x3FAA]  }
0x29: {  	s4 =	sld [smem:$0x3FAC]  }
0x2a: {  	p0 =	seq.s32 s5, $0x0;
	s5 =	sld [smem:$0x3FAD]  }
0x2b: {  	s6 =	sld [smem:$0x3FAE]  }
0x2c: {  	s7 =	sld [smem:$0x3FAF]  }
0x2d: {  	s3 =	simm.s32 $0x108;
	s8 =	sld [smem:$0x3FB0]  }
0x2e: {  	s3 =	simm.s32 @!p0 $0x1082;
	s9 =	sld [smem:$0x3FB1]  }
0x2f: {  	lr =	sadd.s32 s0, s3;
	s0 =	sld [smem:$0x3FA8]  }
0x30: {  	s3 =	sld [smem:$0x3FAB]  }
0x31: {  	[smem:$0x3FB4] =	sst s10  }
0x32: {  	s10 =	sld [smem:$0x3FB2];
	_ =	sdelay $0x3  }
0x33: {  	p0 =	seq.s32 s10, $0x1;
	s10 =	sld [smem:$0x3FB4];
	_ =	sdelay $0x3  }
0x34: {  	[smem:$0x3FB4] =	sst s10  }
0x35: {  	s10 =	sld [smem:$0x3FB3];
	_ =	sdelay $0x3  }
0x36: {  	p1 =	seq.s32 s10, $0x1;
	s10 =	sld [smem:$0x3FB4];
	_ =	sdelay $0x3  }
0x37: {  	[smem:$0x3FB4] =	sst s10  }
0x38: {  	s10 =	sld [smem:$0x3FB5]  }
0x39: {  	_ = 	snop;
	(pc) =	sbr.ind lr, $3  }
0x3a: {  	_ = 	snop  }
0x3b: {  	_ = 	snop  }
0x3c: {  	p2 =	seq.s32 s10, $0x1;
	s10 =	sld [smem:$0x3FB4]  }
0x3d: {  	_ =	shalt  }
0x3e: {  	_ =	shalt  }
0x3f: {  	_ =	shalt  }
0x40: {  	_ =	shalt  }
0x41: {  	_ =	shalt  }
0x42: {  	_ =	shalt  }
0x43: {  	_ =	shalt  }
0x44: {  	_ =	shalt  }
0x45: {  	_ =	shalt  }
0x46: {  	_ =	shalt  }
0x47: {  	_ =	shalt  }
0x48: {  	_ =	shalt  }
0x49: {  	_ =	shalt  }
0x4a: {  	_ =	shalt  }
0x4b: {  	_ =	shalt  }
0x4c: {  	_ =	shalt  }
0x4d: {  	_ =	shalt  }
0x4e: {  	_ =	shalt  }
0x4f: {  	_ =	shalt  }
0x50: {  	_ =	shalt  }
0x51: {  	_ =	shalt  }
0x52: {  	_ =	shalt  }
0x53: {  	_ =	shalt  }
0x54: {  	_ =	shalt  }
0x55: {  	_ =	shalt  }
0x56: {  	_ =	shalt  }
0x57: {  	_ =	shalt  }
0x58: {  	_ =	shalt  }
0x59: {  	_ =	shalt  }
0x5a: {  	_ =	shalt  }
0x5b: {  	_ =	shalt  }
0x5c: {  	_ =	shalt  }
0x5d: {  	_ =	shalt  }
0x5e: {  	_ =	shalt  }
0x5f: {  	_ =	shalt  }
0x60: {  	_ =	shalt  }
0x61: {  	_ =	shalt  }
0x62: {  	_ =	shalt  }
0x63: {  	_ =	shalt  }
0x64: {  	_ =	shalt  }
0x65: {  	_ =	shalt  }
0x66: {  	_ =	shalt  }
0x67: {  	_ =	shalt  }
0x68: {  	_ =	shalt  }
0x69: {  	_ =	shalt  }
0x6a: {  	_ =	shalt  }
0x6b: {  	_ =	shalt  }
0x6c: {  	_ =	shalt  }
0x6d: {  	_ =	shalt  }
0x6e: {  	_ =	shalt  }
0x6f: {  	_ =	shalt  }
0x70: {  	_ =	shalt  }
0x71: {  	_ =	shalt  }
0x72: {  	_ =	shalt  }
0x73: {  	_ =	shalt  }
0x74: {  	_ =	shalt  }
0x75: {  	_ =	shalt  }
0x76: {  	_ =	shalt  }
0x77: {  	_ =	shalt  }
0x78: {  	_ =	shalt  }
0x79: {  	_ =	shalt  }
0x7a: {  	_ =	shalt  }
0x7b: {  	_ =	shalt  }
0x7c: {  	_ =	shalt  }
0x7d: {  	_ =	shalt  }
0x7e: {  	_ =	shalt  }
0x7f: {  	_ =	shalt  }
0x80: {  	_ =	shalt  }
0x81: {  	_ =	shalt  }
0x82: {  	_ =	shalt  }
0x83: {  	_ =	shalt  }
0x84: {  	_ =	shalt  }
0x85: {  	_ =	shalt  }
0x86: {  	_ =	shalt  }
0x87: {  	_ =	shalt  }
.Lfunc_end0:
.L_simem_size_0:
called_computation_lowered:
.L_overlay_start_0:
0x88: {  	s2 =	sld [smem:$0x3FD9]  }
0x89: {  	s3 =	sld [smem:$0x3FFE];
	_ =	sdelay $0x1  }
0x8a: {  	s1 =	srdreg.scid  }
0x8b: {  	s0 =	sand.u32 $0x1, s1  }
0x8c: {  	s17 =	sshll.u32 s0, $0xA;
	s2 =	sadd.s32 s3, s2  }
0x8d: {  	s2 =	sadd.s32 s2, s17  }
0x8e: {  	[smem:$0x3FC0] =	sst s2  }
0x8f: {  	_ = 	snop  }
0x90: {  	s2 =	sld [smem:$0x3FD0];
	(tm) =	ssettm $0x1  }
0x91: {  	s18 =	sld [smem:$0x3FFB];
	_ =	sdelay $0x3  }
0x92: {  	_ =	strace s18  }
0x93: {  	s3 =	sld [smem:$0x3FFC];
	_ =	sdelay $0x3  }
0x94: {  	_ =	strace s3  }
0x95: {  	s3 =	sld [smem:$0x3FFD];
	_ =	sdelay $0x3  }
0x96: {  	_ =	strace s3  }
0x97: {  	_ =	strace $0x8FFFFFFF  }
0x98: {  	s19 =	sld [smem:$0x3FDB];
	_ =	sdelay $0x1  }
0x99: {  	s4 =	simm.s32 $_scs_section_size  }
0x9a: {  	s5 =	simm.s32 $_size__tile_overlayer_lowered;
	s6 =	simm.s32 $_tile_overlayer_lowered  }
0x9b: {  	s22 =	simm.s32 $0x1BFF;
	s21 =	sshll.u32 s6, $0x1;
	s3 =	sadd.s32 s4, s19  }
0x9c: {  	s7 =	simm.s32 $0x0;
	s20 =	sshll.u32 s5, $0x1;
	s5 =	sadd.s32 s21, s3  }
0x9d: {  	[timem:s7], [sflag:s22] =	dma.local [hbm:s5], s20  }
0x9e: {  	_ =	swait.ge [sflag:s22], s20  }
0x9f: {  	s4 =	ssub.s32 $0x0, s20;
	[sflag:s22] =	ssyncset.done $0x0  }
0xa0: {  	[sflag:s22] =	ssyncadd.s32 s4;
	_ =	sdelay $0x1  }
0xa1: {  	s23 =	simm.s32 $0x1B8B  }
0xa2: {  	_ =	swait.ge [sflag:s23], $0x1  }
0xa3: {  	[sflag:s23] =	ssyncset.done $0x0  }
0xa4: {  	s25 =	simm.s32 $0x1B8E;
	s24 =	sld [smem:$0x3FFE];
	[sflag:s23] =	ssyncadd.s32 $0xFFFFFFFF  }
0xa5: {  	s26 =	simm.s32 $execute0_lowered;
	[smem:$0x3FD2] =	sst s25  }
0xa6: {  	s5 =	sshll.u32 s26, $0x1;
	_ =	strace $0x80000046;
	[dreg:$0x1] =	wrdreg $0xFFFFFFFF  }
0xa7: {  	s28 =	simm.s32 $_size_execute0_lowered;
	s3 =	sadd.s32 s3, s5;
	[dreg:$0x0] =	wrdreg $0x0  }
0xa8: {  	s5 =	sshll.u32 s28, $0x1;
	[dreg:$0x2] =	wrdreg s3  }
0xa9: {  	[dreg:$0x3] =	wrdreg s5  }
0xaa: {  	[dreg:$0x4] =	wrdreg $0xC0  }
0xab: {  	_ =	task [dreg:s7], $0x5FFFF  }
0xac: {  	[dreg:$0x1] =	wrdreg $0xFFFFFFFF  }
0xad: {  	[dreg:$0x0] =	wrdreg $0x60  }
0xae: {  	[dreg:$0x2] =	wrdreg s2  }
0xaf: {  	[dreg:$0x3] =	wrdreg s24  }
0xb0: {  	[dreg:$0x4] =	wrdreg $0x54000  }
0xb1: {  	[dreg:$0x5] =	wrdreg $0x9  }
0xb2: {  	_ =	task.clear_ibuf [dreg:s7], $0x6FFFF;
	_ =	strace $0x90000046  }
0xb3: {  	s29 =	simm.s32 $0x9;
	_ =	strace $0x80000048  }
0xb4: {  	_ =	swait.ge [sflag:s29], $0x1  }
0xb5: {  	[sflag:s29] =	ssyncadd.s32 $0xFFFFFFFF  }
0xb6: {  	_ =	strace $0x90000048  }
0xb7: {  	_ =	sfence  }
0xb8: {  	s30 =	sld [smem:$0x0];
	_ =	sdelay $0x2  }
0xb9: {  	s31 =	sshll.u32 s1, $0xD;
	s1 =	sshrl.u32 s1, $0x2  }
0xba: {  	s3 =	sand.u32 $0x4000, s31;
	s1 =	sadd.s32 s1, s30  }
0xbb: {  	s0 =	sor.u32 s3, s0;
	s1 =	sshll.u32 s1, $0x11  }
0xbc: {  	s0 =	sor.u32 s1, s0  }
0xbd: {  	s0 =	sadd.s32 $0x8F2B, s0  }
0xbe: {  	[sflag:s0] =	ssyncadd.remote.s32 $0x1  }
0xbf: {  	_ =	sfence.sel $0xFFFF  }
0xc0: {  	[dreg:$0x0] =	wrdreg $0xFFFFFFFF;
	(pc) =	sbr.abs _section_cstart, $3  }
0xc1: {  	[dreg:$0x1] =	wrdreg $0xFFFFFFFF  }
0xc2: {  	_ =	task.clear_ibuf [dreg:s7], $0x2FFFF;
	_ =	strace $0x9FFFFFFF  }
0xc3: {  	(tm) =	ssettm $0x7FFFFFFF  }
tec
execute0_lowered:
.L_overlay_start_1:
0x0: {  	(tag) =	ssettag $0x1  }
0x1: {  	s9 =	rddreg [dreg:$0x0]  }
0x2: {  	s6 =	rddreg [dreg:$0x1]  }
0x3: {  	s2 =	rddreg [dreg:$0x2]  }
0x4: {  	s0 =	rddreg [dreg:$0x3]  }
0x5: {  	s4 =	srdreg.scid;
	s1 =	stileid.u32;
	s3 =	simm.s32 $0x0  }
0x6: {  	s14 =	simm.s32 $0x80;
	s15 =	simm.s32 $0x0;
	s7 =	sand.u32 $0x1, s4  }
0x7: {  	s8 =	smul.u32 $0x2800, s1;
	[smem:$0x7FF] =	sst s3;
	s4 =	sadd.s32 $0xDC00, s6  }
0x8: {  	s5 =	sadd.s32 $0xD400, s6;
	s11 =	smul.u32 $0x50000, s1;
	s12 =	sshll.u32 s1, $0x1  }
0x9: {  	s31 =	sshll.u32 s1, $0x6;
	s10 =	smul.u32 $0x28000, s7;
	s29 =	ssub.s32 $0x2, s7  }
0xa: {  	_ =	strace $0x80000047;
	s7 =	sshll.u32 s7, $0x5;
	s30 =	sshrl.u32 s29, $0x1  }
0xb: {  	s7 =	sor.u32 s12, s7;
	s11 =	sshrl.u32 s11, $0x2;
	s12 =	simm.s32 $0x1  }
0xc: {  	s8 =	sadd.s32 s8, s10;
	s13 =	smul.u32 $0x280, s7;
	s10 =	ssub.s32 s29, s30  }
0xd: {  	s11 =	sadd.s32 s11, s2;
	s8 =	sadd.s32 s8, s6;
	s6 =	sor.u32 $0x1C01, s31  }
0xe: {  	s11 =	sshrl.u32 s11, $0x3;
	s7 =	sadd.s32 $0x10400, s8;
	s9 =	sadd.s32 s9, s13  }
0xf: {  	s8 =	smax.u32 s10, $0x1;
	s13 =	simm.s32 $0x1400;
	s10 =	sadd.s32 $0x280, s9  }
.LBB2_1:
0x10: {  	[spmem:s11], [sflag:s6] =	dma.local [hbm:s4], $0x2800  }
0x11: {  	_ =	swait.ge [sflag:s12], $0x2800  }
0x12: {  	[sflag:s12] =	ssyncset.done $0x0  }
0x13: {  	[sflag:s12] =	ssyncadd.s32 $0xFFFFD800  }
0x14: {  	[tilespmem:s13], [sflag:$0x1] =	stream.linear.gather [hbm4b:s5+s3], $0x4000, $0x38;
	[tilespmem:$0x19400] =	vst v63  }
0x15: {  	_ =	swait.ge [sflag:s12], $0x4000  }
0x16: {  	[sflag:s12] =	ssyncset.done $0x0  }
0x17: {  	[sflag:s12] =	ssyncadd.s32 $0xFFFFC000  }
0x18: {  	[bflag:$0x0] =	sbarrier.arrive $0xFFFF  }
0x19: {  	[tilespmem:s3], [sflag:$0x1] =	stream.linear.gather [hbm4b:s9+s3], $0x1400, $0x38;
	[tilespmem:$0x19400] =	vst v63  }
0x1a: {  	_ =	swait.ge [sflag:s12], $0x1400  }
0x1b: {  	[sflag:s12] =	ssyncset.done $0x0  }
0x1c: {  	s16 =	simm.s32 $0x0;
	[sflag:s12] =	ssyncadd.s32 $0xFFFFEC00  }
0x1d: {  	[spmem:s2] =	stream.indirect.scatter.add.f32 [tilespmem:s13], [sflag:$0x1], $0x80, s16, s14, $0xb8;
	[tilespmem:$0x19400] =	vst v63  }
0x1e: {  	_ =	swait.ge [sflag:s12], $0x4000  }
0x1f: {  	s16 =	simm.s32 $0x200;
	[sflag:s12] =	ssyncset.done $0x0  }
.LBB2_2:
0x20: {  	s17 =	sshra.s32 s16, $0x2;
	[sflag:s12] =	ssyncadd.s32 $0xFFFFC000;
	p0 =	sne.s32 s16, $0x4E00  }
0x21: {  	[spmem:s2] =	stream.indirect.scatter.add.f32 [tilespmem:s13], [sflag:$0x1], $0x80, s17, s14, $0xb8;
	[tilespmem:$0x19400] =	vst v63  }
.Ltmp0:
0x22: {  	_ = 	snop;
	(pc) =	sbr.rel @p0 .LBB2_2-.Ltmp0, $4  }
0x23: {  	_ = 	snop  }
0x24: {  	s16 =	sadd.s32 $0x200, s16  }
0x25: {  	_ =	swait.ge [sflag:s12], $0x4000  }
0x26: {  	[sflag:s12] =	ssyncset.done $0x0  }
0x27: {  	[sflag:s12] =	ssyncadd.s32 $0xFFFFC000;
	s16 =	simm.s32 $0x0  }
0x28: {  	[tilespmem:s16], [sflag:$0x1] =	stream.linear.gather [hbm4b:s10+s16], $0x1400, $0x38;
	[tilespmem:$0x19400] =	vst v63  }
0x29: {  	_ =	swait.ge [sflag:s12], $0x1400  }
0x2a: {  	[sflag:s12] =	ssyncset.done $0x0  }
0x2b: {  	s31 =	simm.s32 $0x0;
	[sflag:s12] =	ssyncadd.s32 $0xFFFFEC00  }
0x2c: {  	[spmem:s2] =	stream.indirect.scatter.add.f32 [tilespmem:s13], [sflag:$0x1], $0x80, s31, s14, $0xb8;
	[tilespmem:$0x19400] =	vst v63  }
0x2d: {  	_ =	swait.ge [sflag:s12], $0x4000  }
0x2e: {  	s16 =	simm.s32 $0x200;
	[sflag:s12] =	ssyncset.done $0x0  }
.LBB2_4:
0x2f: {  	s17 =	sshra.s32 s16, $0x2;
	[sflag:s12] =	ssyncadd.s32 $0xFFFFC000;
	p0 =	sne.s32 s16, $0x4E00  }
0x30: {  	[spmem:s2] =	stream.indirect.scatter.add.f32 [tilespmem:s13], [sflag:$0x1], $0x80, s17, s14, $0xb8;
	[tilespmem:$0x19400] =	vst v63  }
.Ltmp1:
0x31: {  	_ = 	snop;
	(pc) =	sbr.rel @p0 .LBB2_4-.Ltmp1, $4  }
0x32: {  	_ = 	snop  }
0x33: {  	s16 =	sadd.s32 $0x200, s16  }
0x34: {  	_ =	swait.ge [sflag:s12], $0x4000  }
0x35: {  	[sflag:s12] =	ssyncset.done $0x0  }
0x36: {  	s15 =	sadd.s32 $0x1, s15  }
0x37: {  	[sflag:s12] =	ssyncadd.s32 $0xFFFFC000;
	p0 =	sne.s32 s15, s8  }
.Ltmp2:
0x38: {  	[bflag:$0x0] =	sbarrier.arrive $0xFFFF;
	(pc) =	sbr.rel @p0 .LBB2_1-.Ltmp2, $4  }
0x39: {  	[hbm:s7], [sflag:s6] =	dma.local [spmem:s11], $0x2800  }
0x3a: {  	_ =	swait.ge [sflag:s12], $0x2800  }
0x3b: {  	[sflag:s12] =	ssyncset.done $0x0  }
0x3c: {  	[sflag:s12] =	ssyncadd.s32 $0xFFFFD800  }
0x3d: {  	_ =	sfence.sel $0x180000  }
0x3e: {  	[bflag:$0x0] =	sbarrier.arrive $0xFFFF  }
0x3f: {  	p0 =	sne.s32 s1, $0x0;
	_ =	strace $0x90000047  }
0x40: {  	s0 =	sadd.s32 @!p0 $0x100000, s0;
	[bflag:$0x2] =	sbarrier.arrive $0xFFFF  }
0x41: {  	[sflag:s0] =	ssyncadd.tile.s32 @!p0 $0x1;
	_ =	shalt  }
.Lfunc_end2:
_tile_overlayer_lowered:
.L_overlay_start_2:
0x42: {  	(tag) =	ssettag $0x2  }
0x43: {  	s0 =	rddreg [dreg:$0x0];
	s2 =	stileid.u32  }
0x44: {  	s1 =	rddreg [dreg:$0x1];
	p0 =	sne.s32 s2, $0x0  }
0x45: {  	s3 =	rddreg [dreg:$0x2];
	[bflag:$0x3] =	sbarrier.arrive $0xFFFF;
	s2 =	simm.s32 @!p0 $0x1C01  }
0x46: {  	[timem:s3], [sflag:s2] =	dma.local @!p0 [hbm:s0], s1  }
0x47: {  	s0 =	simm.s32 @!p0 $0x1  }
0x48: {  	_ =	swait.ge @!p0 [sflag:s0], s1  }
0x49: {  	s1 =	ssub.s32 @!p0 $0x0, s1;
	[sflag:s0] =	ssyncset.done @!p0 $0x0  }
0x4a: {  	[sflag:s0] =	ssyncadd.s32 @!p0 s1  }
0x4b: {  	[bflag:$0x3] =	sbarrier.arrive $0xFFFF  }
0x4c: {  	_ =	shalt  }

// kernel: kernel.13.cloned.1.call-start
scs
__scs_entry_jumppad:
0x0: {  	(pc) =	sbr.rel $0x88, $3  }
0x1: {  	(tag) =	ssettag $0x0;
	lr =	simm.s32 $0x1  }
0x2: {  	[smem:$0x3F99] =	sst lr;
	_ =	strace $0xD0000000  }
0x3: {  	_ = 	snop  }
0x4: {  	_ = 	snop  }
0x5: {  	_ = 	snop  }
0x6: {  	_ = 	snop  }
0x7: {  	_ = 	snop  }
__scs_overlays_trampoline_lowered:
0x8: {  	[smem:$0x3FA8] =	sst s0  }
0x9: {  	[smem:$0x3FA9] =	sst s1  }
0xa: {  	[smem:$0x3FAA] =	sst s2  }
0xb: {  	[smem:$0x3FAB] =	sst s3  }
0xc: {  	[smem:$0x3FAC] =	sst s4  }
0xd: {  	[smem:$0x3FAD] =	sst s5  }
0xe: {  	[smem:$0x3FAE] =	sst s6  }
0xf: {  	[smem:$0x3FAF] =	sst s7  }
0x10: {  	[smem:$0x3FB0] =	sst s8  }
0x11: {  	[smem:$0x3FB1] =	sst s9;
	s0 =	simm.s32 @!p0 $0x0  }
0x12: {  	s1 =	sld [smem:$0x3F97];
	s0 =	simm.s32 @p0 $0x1  }
0x13: {  	[smem:$0x3FB2] =	sst s0;
	s0 =	simm.s32 @!p1 $0x0  }
0x14: {  	s2 =	sld [smem:$0x3F96];
	s0 =	simm.s32 @p1 $0x1  }
0x15: {  	[smem:$0x3FB3] =	sst s0;
	s0 =	simm.s32 @!p2 $0x0  }
0x16: {  	s3 =	sld [smem:$0x3FDB];
	s0 =	simm.s32 @p2 $0x1  }
0x17: {  	s4 =	simm.s32 $0x1BF5;
	[smem:$0x3FB5] =	sst s0  }
0x18: {  	s0 =	sld [smem:$0x3F98];
	_ =	swait.ge [sflag:s4], $0x0  }
0x19: {  	s7 =	sld [smem:$0x3F99]  }
0x1a: {  	s8 =	sadd.s32 $0xFFFFE003, lr  }
0x1b: {  	s9 =	sadd.s32 $0xFFFFFEF7, lr;
	s5 =	simm.s32 $0xFFFFFFFF;
	p2 =	slt.u32 s8, $0xFFFFF086  }
0x1c: {  	p1 =	slt.u32 s9, $0xF7A;
	s5 =	simm.s32 @!p2 $0x0  }
0x1d: {  	s5 =	simm.s32 @p1 $0x1;
	p0 =	seq.s32 s7, s2  }
0x1e: {  	s7 =	smul.u32 @!p0 $0xF7A, s2;
	p2 =	seq.s32 @!p0 s5, $0x0  }
0x1f: {  	s9 =	smul.u32 $0xF7A, s1;
	s8 =	simm.s32 @!p0 $0x1BF5;
	p2 =	por !p2, p0  }
0x20: {  	[sflag:s8] =	ssyncset.s32 @!p0 $0xFFFFF086;
	s6 =	sadd.s32 @!p0 s3, s7;
	s7 =	simm.s32 @!p0 $0x108  }
0x21: {  	s3 =	sadd.s32 s3, s9;
	s6 =	sadd.s32 @!p0 $0x88, s6;
	s7 =	simm.s32 @p2 $0x1082  }
0x22: {  	[simem:s7], [sflag:s8] =	dma.local @!p0 [hbm:s6], $0xF7A  }
0x23: {  	s9 =	sor.u32 $0xD0000000, s2;
	s6 =	simm.s32 $0x108;
	_ =	swait.ge @!p0 [sflag:s8], $0x0  }
0x24: {  	s3 =	sadd.s32 $0x88, s3;
	s6 =	simm.s32 @!p1 $0x1082;
	[sflag:s4] =	ssyncset.s32 $0xFFFFF086  }
0x25: {  	[simem:s6], [sflag:s4] =	dma.local [hbm:s3], $0xF7A  }
0x26: {  	[smem:$0x3F99] =	sst s1;
	(tag) =	ssettag s2;
	_ =	strace s9  }
0x27: {  	s1 =	sld [smem:$0x3FA9]  }
0x28: {  	s2 =	sld [smem:$0x3FAA]  }
0x29: {  	s4 =	sld [smem:$0x3FAC]  }
0x2a: {  	p0 =	seq.s32 s5, $0x0;
	s5 =	sld [smem:$0x3FAD]  }
0x2b: {  	s6 =	sld [smem:$0x3FAE]  }
0x2c: {  	s7 =	sld [smem:$0x3FAF]  }
0x2d: {  	s3 =	simm.s32 $0x108;
	s8 =	sld [smem:$0x3FB0]  }
0x2e: {  	s3 =	simm.s32 @!p0 $0x1082;
	s9 =	sld [smem:$0x3FB1]  }
0x2f: {  	lr =	sadd.s32 s0, s3;
	s0 =	sld [smem:$0x3FA8]  }
0x30: {  	s3 =	sld [smem:$0x3FAB]  }
0x31: {  	[smem:$0x3FB4] =	sst s10  }
0x32: {  	s10 =	sld [smem:$0x3FB2];
	_ =	sdelay $0x3  }
0x33: {  	p0 =	seq.s32 s10, $0x1;
	s10 =	sld [smem:$0x3FB4];
	_ =	sdelay $0x3  }
0x34: {  	[smem:$0x3FB4] =	sst s10  }
0x35: {  	s10 =	sld [smem:$0x3FB3];
	_ =	sdelay $0x3  }
0x36: {  	p1 =	seq.s32 s10, $0x1;
	s10 =	sld [smem:$0x3FB4];
	_ =	sdelay $0x3  }
0x37: {  	[smem:$0x3FB4] =	sst s10  }
0x38: {  	s10 =	sld [smem:$0x3FB5]  }
0x39: {  	_ = 	snop;
	(pc) =	sbr.ind lr, $3  }
0x3a: {  	_ = 	snop  }
0x3b: {  	_ = 	snop  }
0x3c: {  	p2 =	seq.s32 s10, $0x1;
	s10 =	sld [smem:$0x3FB4]  }
0x3d: {  	_ =	shalt  }
0x3e: {  	_ =	shalt  }
0x3f: {  	_ =	shalt  }
0x40: {  	_ =	shalt  }
0x41: {  	_ =	shalt  }
0x42: {  	_ =	shalt  }
0x43: {  	_ =	shalt  }
0x44: {  	_ =	shalt  }
0x45: {  	_ =	shalt  }
0x46: {  	_ =	shalt  }
0x47: {  	_ =	shalt  }
0x48: {  	_ =	shalt  }
0x49: {  	_ =	shalt  }
0x4a: {  	_ =	shalt  }
0x4b: {  	_ =	shalt  }
0x4c: {  	_ =	shalt  }
0x4d: {  	_ =	shalt  }
0x4e: {  	_ =	shalt  }
0x4f: {  	_ =	shalt  }
0x50: {  	_ =	shalt  }
0x51: {  	_ =	shalt  }
0x52: {  	_ =	shalt  }
0x53: {  	_ =	shalt  }
0x54: {  	_ =	shalt  }
0x55: {  	_ =	shalt  }
0x56: {  	_ =	shalt  }
0x57: {  	_ =	shalt  }
0x58: {  	_ =	shalt  }
0x59: {  	_ =	shalt  }
0x5a: {  	_ =	shalt  }
0x5b: {  	_ =	shalt  }
0x5c: {  	_ =	shalt  }
0x5d: {  	_ =	shalt  }
0x5e: {  	_ =	shalt  }
0x5f: {  	_ =	shalt  }
0x60: {  	_ =	shalt  }
0x61: {  	_ =	shalt  }
0x62: {  	_ =	shalt  }
0x63: {  	_ =	shalt  }
0x64: {  	_ =	shalt  }
0x65: {  	_ =	shalt  }
0x66: {  	_ =	shalt  }
0x67: {  	_ =	shalt  }
0x68: {  	_ =	shalt  }
0x69: {  	_ =	shalt  }
0x6a: {  	_ =	shalt  }
0x6b: {  	_ =	shalt  }
0x6c: {  	_ =	shalt  }
0x6d: {  	_ =	shalt  }
0x6e: {  	_ =	shalt  }
0x6f: {  	_ =	shalt  }
0x70: {  	_ =	shalt  }
0x71: {  	_ =	shalt  }
0x72: {  	_ =	shalt  }
0x73: {  	_ =	shalt  }
0x74: {  	_ =	shalt  }
0x75: {  	_ =	shalt  }
0x76: {  	_ =	shalt  }
0x77: {  	_ =	shalt  }
0x78: {  	_ =	shalt  }
0x79: {  	_ =	shalt  }
0x7a: {  	_ =	shalt  }
0x7b: {  	_ =	shalt  }
0x7c: {  	_ =	shalt  }
0x7d: {  	_ =	shalt  }
0x7e: {  	_ =	shalt  }
0x7f: {  	_ =	shalt  }
0x80: {  	_ =	shalt  }
0x81: {  	_ =	shalt  }
0x82: {  	_ =	shalt  }
0x83: {  	_ =	shalt  }
0x84: {  	_ =	shalt  }
0x85: {  	_ =	shalt  }
0x86: {  	_ =	shalt  }
0x87: {  	_ =	shalt  }
.Lfunc_end0:
.L_simem_size_0:
called_computation.1_lowered:
.L_overlay_start_0:
0x88: {  	s2 =	sld [smem:$0x3FD9]  }
0x89: {  	s3 =	sld [smem:$0x3FFE];
	_ =	sdelay $0x1  }
0x8a: {  	s1 =	srdreg.scid  }
0x8b: {  	s0 =	sand.u32 $0x1, s1  }
0x8c: {  	s17 =	sshll.u32 s0, $0xA;
	s2 =	sadd.s32 s3, s2  }
0x8d: {  	s2 =	sadd.s32 s2, s17  }
0x8e: {  	[smem:$0x3FC0] =	sst s2  }
0x8f: {  	_ = 	snop  }
0x90: {  	s2 =	sld [smem:$0x3FD0];
	(tm) =	ssettm $0x1  }
0x91: {  	s18 =	sld [smem:$0x3FFB];
	_ =	sdelay $0x3  }
0x92: {  	_ =	strace s18  }
0x93: {  	s3 =	sld [smem:$0x3FFC];
	_ =	sdelay $0x3  }
0x94: {  	_ =	strace s3  }
0x95: {  	s3 =	sld [smem:$0x3FFD];
	_ =	sdelay $0x3  }
0x96: {  	_ =	strace s3  }
0x97: {  	_ =	strace $0x8FFFFFFF  }
0x98: {  	s19 =	sld [smem:$0x3FDB];
	_ =	sdelay $0x1  }
0x99: {  	s4 =	simm.s32 $_scs_section_size  }
0x9a: {  	s5 =	simm.s32 $_size__tile_overlayer_lowered;
	s6 =	simm.s32 $_tile_overlayer_lowered  }
0x9b: {  	s22 =	simm.s32 $0x1BFF;
	s21 =	sshll.u32 s6, $0x1;
	s3 =	sadd.s32 s4, s19  }
0x9c: {  	s7 =	simm.s32 $0x0;
	s20 =	sshll.u32 s5, $0x1;
	s5 =	sadd.s32 s21, s3  }
0x9d: {  	[timem:s7], [sflag:s22] =	dma.local [hbm:s5], s20  }
0x9e: {  	_ =	swait.ge [sflag:s22], s20  }
0x9f: {  	s4 =	ssub.s32 $0x0, s20;
	[sflag:s22] =	ssyncset.done $0x0  }
0xa0: {  	[sflag:s22] =	ssyncadd.s32 s4;
	_ =	sdelay $0x1  }
0xa1: {  	s23 =	simm.s32 $0x1B8B  }
0xa2: {  	_ =	swait.ge [sflag:s23], $0x1  }
0xa3: {  	[sflag:s23] =	ssyncset.done $0x0  }
0xa4: {  	s25 =	simm.s32 $0x1B8E;
	s24 =	sld [smem:$0x3FFE];
	[sflag:s23] =	ssyncadd.s32 $0xFFFFFFFF  }
0xa5: {  	s26 =	simm.s32 $execute0_lowered;
	[smem:$0x3FD2] =	sst s25  }
0xa6: {  	s5 =	sshll.u32 s26, $0x1;
	_ =	strace $0x80000049;
	[dreg:$0x1] =	wrdreg $0xFFFFFFFF  }
0xa7: {  	s28 =	simm.s32 $_size_execute0_lowered;
	s3 =	sadd.s32 s3, s5;
	[dreg:$0x0] =	wrdreg $0x0  }
0xa8: {  	s5 =	sshll.u32 s28, $0x1;
	[dreg:$0x2] =	wrdreg s3  }
0xa9: {  	[dreg:$0x3] =	wrdreg s5  }
0xaa: {  	[dreg:$0x4] =	wrdreg $0xC0  }
0xab: {  	_ =	task [dreg:s7], $0x5FFFF  }
0xac: {  	[dreg:$0x1] =	wrdreg $0xFFFFFFFF  }
0xad: {  	[dreg:$0x0] =	wrdreg $0x60  }
0xae: {  	[dreg:$0x2] =	wrdreg s24  }
0xaf: {  	[dreg:$0x3] =	wrdreg s2  }
0xb0: {  	[dreg:$0x4] =	wrdreg $0xA8000  }
0xb1: {  	[dreg:$0x5] =	wrdreg $0x9  }
0xb2: {  	_ =	task.clear_ibuf [dreg:s7], $0x6FFFF;
	_ =	strace $0x90000049  }
0xb3: {  	s29 =	simm.s32 $0x9;
	_ =	strace $0x8000004B  }
0xb4: {  	_ =	swait.ge [sflag:s29], $0x1  }
0xb5: {  	[sflag:s29] =	ssyncadd.s32 $0xFFFFFFFF  }
0xb6: {  	_ =	strace $0x9000004B  }
0xb7: {  	_ =	sfence  }
0xb8: {  	s30 =	sld [smem:$0x0];
	_ =	sdelay $0x2  }
0xb9: {  	s31 =	sshll.u32 s1, $0xD;
	s1 =	sshrl.u32 s1, $0x2  }
0xba: {  	s3 =	sand.u32 $0x4000, s31;
	s1 =	sadd.s32 s1, s30  }
0xbb: {  	s0 =	sor.u32 s3, s0;
	s1 =	sshll.u32 s1, $0x11  }
0xbc: {  	s0 =	sor.u32 s1, s0  }
0xbd: {  	s0 =	sadd.s32 $0x8F2B, s0  }
0xbe: {  	[sflag:s0] =	ssyncadd.remote.s32 $0x1  }
0xbf: {  	_ =	sfence.sel $0xFFFF  }
0xc0: {  	[dreg:$0x0] =	wrdreg $0xFFFFFFFF;
	(pc) =	sbr.abs _section_cstart, $3  }
0xc1: {  	[dreg:$0x1] =	wrdreg $0xFFFFFFFF  }
0xc2: {  	_ =	task.clear_ibuf [dreg:s7], $0x2FFFF;
	_ =	strace $0x9FFFFFFF  }
0xc3: {  	(tm) =	ssettm $0x7FFFFFFF  }
tec
execute0_lowered:
.L_overlay_start_1:
0x0: {  	(tag) =	ssettag $0x1  }
0x1: {  	s6 =	rddreg [dreg:$0x0]  }
0x2: {  	s9 =	rddreg [dreg:$0x1]  }
0x3: {  	s2 =	rddreg [dreg:$0x2]  }
0x4: {  	s0 =	rddreg [dreg:$0x3];
	s4 =	srdreg.scid  }
0x5: {  	s3 =	simm.s32 $0x0;
	s1 =	stileid.u32;
	s19 =	simm.s32 $0x1  }
0x6: {  	s20 =	simm.s32 $0x2;
	s21 =	simm.s32 $0x3;
	s22 =	simm.s32 $0x4  }
0x7: {  	s23 =	simm.s32 $0x2700;
	s24 =	simm.s32 $0x2780;
	s25 =	simm.s32 $0x0  }
0x8: {  	s7 =	sand.u32 $0x1, s4;
	[smem:$0x7FF] =	sst s3;
	s8 =	smul.u32 $0x2800, s1  }
0x9: {  	s12 =	sadd.s32 $0x3400, s6;
	s5 =	sadd.s32 $0xDC00, s6;
	s14 =	smul.u32 $0x50000, s1  }
0xa: {  	s17 =	sshll.u32 s1, $0x6;
	s4 =	sshll.u32 s7, $0x4;
	_ =	strace $0x8000004A  }
0xb: {  	s10 =	smul.u32 $0x28000, s7;
	s7 =	ssub.s32 $0x2, s7;
	s17 =	sor.u32 $0x1C05, s17  }
0xc: {  	s11 =	sor.u32 s1, s4;
	s4 =	sadd.s32 $0x10400, s6;
	s28 =	sshrl.u32 s7, $0x1  }
0xd: {  	s30 =	sshrl.u32 s14, $0x2;
	s14 =	simm.s32 $0x80;
	s13 =	smul.u32 $0x500, s11  }
0xe: {  	s11 =	smul.u32 $0x2800, s11;
	s8 =	sadd.s32 s8, s10;
	s18 =	sadd.s32 s30, s2  }
0xf: {  	s16 =	ssub.s32 s7, s28;
	s15 =	sadd.s32 s8, s6;
	s18 =	sshrl.u32 s18, $0x3  }
0x10: {  	s29 =	sshrl.u32 s11, $0x3;
	s6 =	sadd.s32 s12, s13;
	s7 =	sadd.s32 s9, s13  }
0x11: {  	s10 =	sadd.s32 $0x38400, s15;
	s11 =	smax.u32 s16, $0x1;
	s13 =	simm.s32 $0x1400  }
0x12: {  	s15 =	simm.s32 $0x2800;
	s16 =	simm.s32 $0x6800;
	s31 =	sadd.s32 $0x280, s29  }
0x13: {  	s8 =	sadd.s32 s12, s31;
	s9 =	sadd.s32 s9, s31;
	s12 =	simm.s32 $0x5  }
.LBB2_1:
0x14: {  	[tilespmem:s3], [sflag:$0x5] =	stream.linear.gather [hbm4b:s6+s3], $0x1400, $0x38;
	[tilespmem:$0x1E800] =	vst v63  }
0x15: {  	_ =	swait.ge [sflag:s12], $0x1400  }
0x16: {  	[sflag:s12] =	ssyncset.done $0x0  }
0x17: {  	[sflag:s12] =	ssyncadd.s32 $0xFFFFEC00  }
0x18: {  	[tilespmem:s13], [sflag:$0x5] =	stream.linear.gather [hbm4b:s7+s3], $0x1400, $0x38;
	[tilespmem:$0x1E800] =	vst v63  }
0x19: {  	_ =	swait.ge [sflag:s12], $0x1400  }
0x1a: {  	[sflag:s12] =	ssyncset.done $0x0  }
0x1b: {  	[sflag:s12] =	ssyncadd.s32 $0xFFFFEC00  }
0x1c: {  	[tilespmem:s15], [sflag:$0x1] =	stream.indirect.gather [hbm4b:s4+s14], $0x80, s3, s14, $0xb8;
	[tilespmem:$0x1E800] =	vst v63  }
0x1d: {  	_ = 	snop  }
0x1e: {  	[tilespmem:s16], [sflag:$0x2] =	stream.indirect.gather [hbm4b:s4+s14], $0x80, s14, s14, $0xb8;
	[tilespmem:$0x1E800] =	vst v63  }
0x1f: {  	[spmem:s18], [sflag:s17] =	dma.local [hbm:s5], $0x2800  }
0x20: {  	_ =	swait.ge [sflag:s12], $0x2800  }
0x21: {  	[sflag:s12] =	ssyncset.done $0x0  }
0x22: {  	[sflag:s12] =	ssyncadd.s32 $0xFFFFD800  }
0x23: {  	[bflag:$0x0] =	sbarrier.arrive $0xFFFF  }
0x24: {  	_ =	swait.ge [sflag:s19], $0x4000  }
0x25: {  	[sflag:s19] =	ssyncset.done $0x0  }
0x26: {  	s26 =	simm.s32 $0x1400;
	[sflag:s19] =	ssyncadd.s32 $0xFFFFC000  }
0x27: {  	[spmem:s2] =	stream.indirect.scatter.add.f32 [tilespmem:s15], [sflag:$0x3], $0x80, s26, s14, $0xb8;
	[tilespmem:$0x1E800] =	vst v63  }
0x28: {  	_ =	swait.ge [sflag:s20], $0x4000  }
0x29: {  	[sflag:s20] =	ssyncset.done $0x0  }
0x2a: {  	s30 =	simm.s32 $0x1480;
	[sflag:s20] =	ssyncadd.s32 $0xFFFFC000  }
0x2b: {  	[spmem:s2] =	stream.indirect.scatter.add.f32 [tilespmem:s16], [sflag:$0x4], $0x80, s30, s14, $0xb8;
	[tilespmem:$0x1E800] =	vst v63  }
0x2c: {  	_ =	swait.ge [sflag:s21], $0x4000  }
0x2d: {  	[sflag:s21] =	ssyncset.done $0x0  }
0x2e: {  	s31 =	simm.s32 $0x100;
	[sflag:s21] =	ssyncadd.s32 $0xFFFFC000  }
0x2f: {  	[tilespmem:s15], [sflag:$0x1] =	stream.indirect.gather [hbm4b:s4+s14], $0x80, s31, s14, $0xb8;
	[tilespmem:$0x1E800] =	vst v63  }
0x30: {  	_ =	swait.ge [sflag:s22], $0x4000  }
0x31: {  	[sflag:s22] =	ssyncset.done $0x0  }
0x32: {  	s28 =	simm.s32 $0x180;
	s26 =	simm.s32 $0x400;
	[sflag:s22] =	ssyncadd.s32 $0xFFFFC000  }
.LBB2_2:
0x33: {  	[tilespmem:s16], [sflag:$0x2] =	stream.indirect.gather [hbm4b:s4+s14], $0x80, s28, s14, $0xb8;
	[tilespmem:$0x1E800] =	vst v63  }
0x34: {  	s28 =	smov.u32 s26  }
0x35: {  	p0 =	sne.s32 s26, $0x4800;
	s26 =	sadd.s32 $0x400, s26;
	_ =	swait.ge [sflag:s19], $0x4000  }
0x36: {  	s28 =	sshra.s32 s28, $0x2;
	[sflag:s19] =	ssyncset.done $0x0  }
0x37: {  	s29 =	sadd.s32 $0x1400, s28;
	[sflag:s19] =	ssyncadd.s32 $0xFFFFC000  }
0x38: {  	[spmem:s2] =	stream.indirect.scatter.add.f32 [tilespmem:s15], [sflag:$0x3], $0x80, s29, s14, $0xb8;
	[tilespmem:$0x1E800] =	vst v63  }
0x39: {  	_ =	swait.ge [sflag:s20], $0x4000  }
0x3a: {  	[sflag:s20] =	ssyncset.done $0x0  }
0x3b: {  	s29 =	sadd.s32 $0x1480, s28;
	[sflag:s20] =	ssyncadd.s32 $0xFFFFC000  }
0x3c: {  	[spmem:s2] =	stream.indirect.scatter.add.f32 [tilespmem:s16], [sflag:$0x4], $0x80, s29, s14, $0xb8;
	[tilespmem:$0x1E800] =	vst v63  }
0x3d: {  	_ =	swait.ge [sflag:s21], $0x4000  }
0x3e: {  	[sflag:s21] =	ssyncset.done $0x0  }
.Ltmp0:
0x3f: {  	s29 =	sadd.s32 $0x100, s28;
	[sflag:s21] =	ssyncadd.s32 $0xFFFFC000;
	(pc) =	sbr.rel @p0 .LBB2_2-.Ltmp0, $4  }
0x40: {  	[tilespmem:s15], [sflag:$0x1] =	stream.indirect.gather [hbm4b:s4+s14], $0x80, s29, s14, $0xb8;
	[tilespmem:$0x1E800] =	vst v63  }
0x41: {  	_ =	swait.ge [sflag:s22], $0x4000  }
0x42: {  	[sflag:s22] =	ssyncset.done $0x0  }
0x43: {  	s28 =	sadd.s32 $0x180, s28;
	[sflag:s22] =	ssyncadd.s32 $0xFFFFC000  }
0x44: {  	[tilespmem:s16], [sflag:$0x2] =	stream.indirect.gather [hbm4b:s4+s14], $0x80, s28, s14, $0xb8;
	[tilespmem:$0x1E800] =	vst v63  }
0x45: {  	_ =	swait.ge [sflag:s19], $0x4000  }
0x46: {  	[sflag:s19] =	ssyncset.done $0x0  }
0x47: {  	[sflag:s19] =	ssyncadd.s32 $0xFFFFC000  }
0x48: {  	[spmem:s2] =	stream.indirect.scatter.add.f32 [tilespmem:s15], [sflag:$0x3], $0x80, s23, s14, $0xb8;
	[tilespmem:$0x1E800] =	vst v63  }
0x49: {  	_ =	swait.ge [sflag:s20], $0x4000  }
0x4a: {  	[sflag:s20] =	ssyncset.done $0x0  }
0x4b: {  	[sflag:s20] =	ssyncadd.s32 $0xFFFFC000  }
0x4c: {  	[spmem:s2] =	stream.indirect.scatter.add.f32 [tilespmem:s16], [sflag:$0x4], $0x80, s24, s14, $0xb8;
	[tilespmem:$0x1E800] =	vst v63  }
0x4d: {  	_ =	swait.ge [sflag:s21], $0x4000  }
0x4e: {  	[sflag:s21] =	ssyncset.done $0x0  }
0x4f: {  	[sflag:s21] =	ssyncadd.s32 $0xFFFFC000  }
0x50: {  	_ =	swait.ge [sflag:s22], $0x4000  }
0x51: {  	[sflag:s22] =	ssyncset.done $0x0  }
0x52: {  	s26 =	simm.s32 $0x0;
	[sflag:s22] =	ssyncadd.s32 $0xFFFFC000  }
0x53: {  	[tilespmem:s26], [sflag:$0x5] =	stream.linear.gather [hbm4b:s8+s26], $0x1400, $0x38;
	[tilespmem:$0x1E800] =	vst v63  }
0x54: {  	_ =	swait.ge [sflag:s12], $0x1400  }
0x55: {  	[sflag:s12] =	ssyncset.done $0x0  }
0x56: {  	[sflag:s12] =	ssyncadd.s32 $0xFFFFEC00  }
0x57: {  	[tilespmem:s13], [sflag:$0x5] =	stream.linear.gather [hbm4b:s9+s26], $0x1400, $0x38;
	[tilespmem:$0x1E800] =	vst v63  }
0x58: {  	_ =	swait.ge [sflag:s12], $0x1400  }
0x59: {  	[sflag:s12] =	ssyncset.done $0x0  }
0x5a: {  	[sflag:s12] =	ssyncadd.s32 $0xFFFFEC00  }
0x5b: {  	[tilespmem:s15], [sflag:$0x1] =	stream.indirect.gather [hbm4b:s4+s14], $0x80, s26, s14, $0xb8;
	[tilespmem:$0x1E800] =	vst v63  }
0x5c: {  	_ = 	snop  }
0x5d: {  	[tilespmem:s16], [sflag:$0x2] =	stream.indirect.gather [hbm4b:s4+s14], $0x80, s14, s14, $0xb8;
	[tilespmem:$0x1E800] =	vst v63  }
0x5e: {  	_ =	swait.ge [sflag:s19], $0x4000  }
0x5f: {  	[sflag:s19] =	ssyncset.done $0x0  }
0x60: {  	s29 =	simm.s32 $0x1400;
	[sflag:s19] =	ssyncadd.s32 $0xFFFFC000  }
0x61: {  	[spmem:s2] =	stream.indirect.scatter.add.f32 [tilespmem:s15], [sflag:$0x3], $0x80, s29, s14, $0xb8;
	[tilespmem:$0x1E800] =	vst v63  }
0x62: {  	_ =	swait.ge [sflag:s20], $0x4000  }
0x63: {  	[sflag:s20] =	ssyncset.done $0x0  }
0x64: {  	s30 =	simm.s32 $0x1480;
	[sflag:s20] =	ssyncadd.s32 $0xFFFFC000  }
0x65: {  	[spmem:s2] =	stream.indirect.scatter.add.f32 [tilespmem:s16], [sflag:$0x4], $0x80, s30, s14, $0xb8;
	[tilespmem:$0x1E800] =	vst v63  }
0x66: {  	_ =	swait.ge [sflag:s21], $0x4000  }
0x67: {  	[sflag:s21] =	ssyncset.done $0x0  }
0x68: {  	s31 =	simm.s32 $0x100;
	[sflag:s21] =	ssyncadd.s32 $0xFFFFC000  }
0x69: {  	[tilespmem:s15], [sflag:$0x1] =	stream.indirect.gather [hbm4b:s4+s14], $0x80, s31, s14, $0xb8;
	[tilespmem:$0x1E800] =	vst v63  }
0x6a: {  	_ =	swait.ge [sflag:s22], $0x4000  }
0x6b: {  	[sflag:s22] =	ssyncset.done $0x0  }
0x6c: {  	s28 =	simm.s32 $0x180;
	s26 =	simm.s32 $0x400;
	[sflag:s22] =	ssyncadd.s32 $0xFFFFC000  }
.LBB2_4:
0x6d: {  	[tilespmem:s16], [sflag:$0x2] =	stream.indirect.gather [hbm4b:s4+s14], $0x80, s28, s14, $0xb8;
	[tilespmem:$0x1E800] =	vst v63  }
0x6e: {  	s28 =	smov.u32 s26  }
0x6f: {  	p0 =	sne.s32 s26, $0x4800;
	s26 =	sadd.s32 $0x400, s26;
	_ =	swait.ge [sflag:s19], $0x4000  }
0x70: {  	s28 =	sshra.s32 s28, $0x2;
	[sflag:s19] =	ssyncset.done $0x0  }
0x71: {  	s29 =	sadd.s32 $0x1400, s28;
	[sflag:s19] =	ssyncadd.s32 $0xFFFFC000  }
0x72: {  	[spmem:s2] =	stream.indirect.scatter.add.f32 [tilespmem:s15], [sflag:$0x3], $0x80, s29, s14, $0xb8;
	[tilespmem:$0x1E800] =	vst v63  }
0x73: {  	_ =	swait.ge [sflag:s20], $0x4000  }
0x74: {  	[sflag:s20] =	ssyncset.done $0x0  }
0x75: {  	s29 =	sadd.s32 $0x1480, s28;
	[sflag:s20] =	ssyncadd.s32 $0xFFFFC000  }
0x76: {  	[spmem:s2] =	stream.indirect.scatter.add.f32 [tilespmem:s16], [sflag:$0x4], $0x80, s29, s14, $0xb8;
	[tilespmem:$0x1E800] =	vst v63  }
0x77: {  	_ =	swait.ge [sflag:s21], $0x4000  }
0x78: {  	[sflag:s21] =	ssyncset.done $0x0  }
.Ltmp1:
0x79: {  	s29 =	sadd.s32 $0x100, s28;
	[sflag:s21] =	ssyncadd.s32 $0xFFFFC000;
	(pc) =	sbr.rel @p0 .LBB2_4-.Ltmp1, $4  }
0x7a: {  	[tilespmem:s15], [sflag:$0x1] =	stream.indirect.gather [hbm4b:s4+s14], $0x80, s29, s14, $0xb8;
	[tilespmem:$0x1E800] =	vst v63  }
0x7b: {  	_ =	swait.ge [sflag:s22], $0x4000  }
0x7c: {  	[sflag:s22] =	ssyncset.done $0x0  }
0x7d: {  	s28 =	sadd.s32 $0x180, s28;
	[sflag:s22] =	ssyncadd.s32 $0xFFFFC000  }
0x7e: {  	[tilespmem:s16], [sflag:$0x2] =	stream.indirect.gather [hbm4b:s4+s14], $0x80, s28, s14, $0xb8;
	[tilespmem:$0x1E800] =	vst v63  }
0x7f: {  	_ =	swait.ge [sflag:s19], $0x4000  }
0x80: {  	[sflag:s19] =	ssyncset.done $0x0  }
0x81: {  	[sflag:s19] =	ssyncadd.s32 $0xFFFFC000  }
0x82: {  	[spmem:s2] =	stream.indirect.scatter.add.f32 [tilespmem:s15], [sflag:$0x3], $0x80, s23, s14, $0xb8;
	[tilespmem:$0x1E800] =	vst v63  }
0x83: {  	_ =	swait.ge [sflag:s20], $0x4000  }
0x84: {  	[sflag:s20] =	ssyncset.done $0x0  }
0x85: {  	[sflag:s20] =	ssyncadd.s32 $0xFFFFC000  }
0x86: {  	[spmem:s2] =	stream.indirect.scatter.add.f32 [tilespmem:s16], [sflag:$0x4], $0x80, s24, s14, $0xb8;
	[tilespmem:$0x1E800] =	vst v63  }
0x87: {  	_ =	swait.ge [sflag:s21], $0x4000  }
0x88: {  	[sflag:s21] =	ssyncset.done $0x0  }
0x89: {  	[sflag:s21] =	ssyncadd.s32 $0xFFFFC000  }
0x8a: {  	_ =	swait.ge [sflag:s22], $0x4000  }
0x8b: {  	s25 =	sadd.s32 $0x1, s25;
	[sflag:s22] =	ssyncset.done $0x0  }
0x8c: {  	p0 =	sne.s32 s25, s11;
	[sflag:s22] =	ssyncadd.s32 $0xFFFFC000  }
.Ltmp2:
0x8d: {  	[bflag:$0x0] =	sbarrier.arrive $0xFFFF;
	(pc) =	sbr.rel @p0 .LBB2_1-.Ltmp2, $4  }
0x8e: {  	[hbm:s10], [sflag:s17] =	dma.local [spmem:s18], $0x2800  }
0x8f: {  	_ =	swait.ge [sflag:s12], $0x2800  }
0x90: {  	[sflag:s12] =	ssyncset.done $0x0  }
0x91: {  	[sflag:s12] =	ssyncadd.s32 $0xFFFFD800  }
0x92: {  	_ =	sfence.sel $0x180000  }
0x93: {  	[bflag:$0x0] =	sbarrier.arrive $0xFFFF  }
0x94: {  	p0 =	sne.s32 s1, $0x0;
	_ =	strace $0x9000004A  }
0x95: {  	s0 =	sadd.s32 @!p0 $0x100000, s0;
	[bflag:$0x2] =	sbarrier.arrive $0xFFFF  }
0x96: {  	[sflag:s0] =	ssyncadd.tile.s32 @!p0 $0x1;
	_ =	shalt  }
.Lfunc_end2:
_tile_overlayer_lowered:
.L_overlay_start_2:
0x97: {  	(tag) =	ssettag $0x2  }
0x98: {  	s0 =	rddreg [dreg:$0x0];
	s2 =	stileid.u32  }
0x99: {  	s1 =	rddreg [dreg:$0x1];
	p0 =	sne.s32 s2, $0x0  }
0x9a: {  	s3 =	rddreg [dreg:$0x2];
	[bflag:$0x3] =	sbarrier.arrive $0xFFFF;
	s2 =	simm.s32 @!p0 $0x1C05  }
0x9b: {  	[timem:s3], [sflag:s2] =	dma.local @!p0 [hbm:s0], s1  }
0x9c: {  	s0 =	simm.s32 @!p0 $0x5  }
0x9d: {  	_ =	swait.ge @!p0 [sflag:s0], s1  }
0x9e: {  	s1 =	ssub.s32 @!p0 $0x0, s1;
	[sflag:s0] =	ssyncset.done @!p0 $0x0  }
0x9f: {  	[sflag:s0] =	ssyncadd.s32 @!p0 s1  }
0xa0: {  	[bflag:$0x3] =	sbarrier.arrive $0xFFFF  }
0xa1: {  	_ =	shalt  }

// kernel: kernel.16.cloned.1.call-start
scs
__scs_entry_jumppad:
0x0: {  	(pc) =	sbr.rel $0x88, $3  }
0x1: {  	(tag) =	ssettag $0x0;
	lr =	simm.s32 $0x1  }
0x2: {  	[smem:$0x3F99] =	sst lr;
	_ =	strace $0xD0000000  }
0x3: {  	_ = 	snop  }
0x4: {  	_ = 	snop  }
0x5: {  	_ = 	snop  }
0x6: {  	_ = 	snop  }
0x7: {  	_ = 	snop  }
__scs_overlays_trampoline_lowered:
0x8: {  	[smem:$0x3FA8] =	sst s0  }
0x9: {  	[smem:$0x3FA9] =	sst s1  }
0xa: {  	[smem:$0x3FAA] =	sst s2  }
0xb: {  	[smem:$0x3FAB] =	sst s3  }
0xc: {  	[smem:$0x3FAC] =	sst s4  }
0xd: {  	[smem:$0x3FAD] =	sst s5  }
0xe: {  	[smem:$0x3FAE] =	sst s6  }
0xf: {  	[smem:$0x3FAF] =	sst s7  }
0x10: {  	[smem:$0x3FB0] =	sst s8  }
0x11: {  	[smem:$0x3FB1] =	sst s9;
	s0 =	simm.s32 @!p0 $0x0  }
0x12: {  	s1 =	sld [smem:$0x3F97];
	s0 =	simm.s32 @p0 $0x1  }
0x13: {  	[smem:$0x3FB2] =	sst s0;
	s0 =	simm.s32 @!p1 $0x0  }
0x14: {  	s2 =	sld [smem:$0x3F96];
	s0 =	simm.s32 @p1 $0x1  }
0x15: {  	[smem:$0x3FB3] =	sst s0;
	s0 =	simm.s32 @!p2 $0x0  }
0x16: {  	s3 =	sld [smem:$0x3FDB];
	s0 =	simm.s32 @p2 $0x1  }
0x17: {  	s4 =	simm.s32 $0x1BF5;
	[smem:$0x3FB5] =	sst s0  }
0x18: {  	s0 =	sld [smem:$0x3F98];
	_ =	swait.ge [sflag:s4], $0x0  }
0x19: {  	s7 =	sld [smem:$0x3F99]  }
0x1a: {  	s8 =	sadd.s32 $0xFFFFE003, lr  }
0x1b: {  	s9 =	sadd.s32 $0xFFFFFEF7, lr;
	s5 =	simm.s32 $0xFFFFFFFF;
	p2 =	slt.u32 s8, $0xFFFFF086  }
0x1c: {  	p1 =	slt.u32 s9, $0xF7A;
	s5 =	simm.s32 @!p2 $0x0  }
0x1d: {  	s5 =	simm.s32 @p1 $0x1;
	p0 =	seq.s32 s7, s2  }
0x1e: {  	s7 =	smul.u32 @!p0 $0xF7A, s2;
	p2 =	seq.s32 @!p0 s5, $0x0  }
0x1f: {  	s9 =	smul.u32 $0xF7A, s1;
	s8 =	simm.s32 @!p0 $0x1BF5;
	p2 =	por !p2, p0  }
0x20: {  	[sflag:s8] =	ssyncset.s32 @!p0 $0xFFFFF086;
	s6 =	sadd.s32 @!p0 s3, s7;
	s7 =	simm.s32 @!p0 $0x108  }
0x21: {  	s3 =	sadd.s32 s3, s9;
	s6 =	sadd.s32 @!p0 $0x88, s6;
	s7 =	simm.s32 @p2 $0x1082  }
0x22: {  	[simem:s7], [sflag:s8] =	dma.local @!p0 [hbm:s6], $0xF7A  }
0x23: {  	s9 =	sor.u32 $0xD0000000, s2;
	s6 =	simm.s32 $0x108;
	_ =	swait.ge @!p0 [sflag:s8], $0x0  }
0x24: {  	s3 =	sadd.s32 $0x88, s3;
	s6 =	simm.s32 @!p1 $0x1082;
	[sflag:s4] =	ssyncset.s32 $0xFFFFF086  }
0x25: {  	[simem:s6], [sflag:s4] =	dma.local [hbm:s3], $0xF7A  }
0x26: {  	[smem:$0x3F99] =	sst s1;
	(tag) =	ssettag s2;
	_ =	strace s9  }
0x27: {  	s1 =	sld [smem:$0x3FA9]  }
0x28: {  	s2 =	sld [smem:$0x3FAA]  }
0x29: {  	s4 =	sld [smem:$0x3FAC]  }
0x2a: {  	p0 =	seq.s32 s5, $0x0;
	s5 =	sld [smem:$0x3FAD]  }
0x2b: {  	s6 =	sld [smem:$0x3FAE]  }
0x2c: {  	s7 =	sld [smem:$0x3FAF]  }
0x2d: {  	s3 =	simm.s32 $0x108;
	s8 =	sld [smem:$0x3FB0]  }
0x2e: {  	s3 =	simm.s32 @!p0 $0x1082;
	s9 =	sld [smem:$0x3FB1]  }
0x2f: {  	lr =	sadd.s32 s0, s3;
	s0 =	sld [smem:$0x3FA8]  }
0x30: {  	s3 =	sld [smem:$0x3FAB]  }
0x31: {  	[smem:$0x3FB4] =	sst s10  }
0x32: {  	s10 =	sld [smem:$0x3FB2];
	_ =	sdelay $0x3  }
0x33: {  	p0 =	seq.s32 s10, $0x1;
	s10 =	sld [smem:$0x3FB4];
	_ =	sdelay $0x3  }
0x34: {  	[smem:$0x3FB4] =	sst s10  }
0x35: {  	s10 =	sld [smem:$0x3FB3];
	_ =	sdelay $0x3  }
0x36: {  	p1 =	seq.s32 s10, $0x1;
	s10 =	sld [smem:$0x3FB4];
	_ =	sdelay $0x3  }
0x37: {  	[smem:$0x3FB4] =	sst s10  }
0x38: {  	s10 =	sld [smem:$0x3FB5]  }
0x39: {  	_ = 	snop;
	(pc) =	sbr.ind lr, $3  }
0x3a: {  	_ = 	snop  }
0x3b: {  	_ = 	snop  }
0x3c: {  	p2 =	seq.s32 s10, $0x1;
	s10 =	sld [smem:$0x3FB4]  }
0x3d: {  	_ =	shalt  }
0x3e: {  	_ =	shalt  }
0x3f: {  	_ =	shalt  }
0x40: {  	_ =	shalt  }
0x41: {  	_ =	shalt  }
0x42: {  	_ =	shalt  }
0x43: {  	_ =	shalt  }
0x44: {  	_ =	shalt  }
0x45: {  	_ =	shalt  }
0x46: {  	_ =	shalt  }
0x47: {  	_ =	shalt  }
0x48: {  	_ =	shalt  }
0x49: {  	_ =	shalt  }
0x4a: {  	_ =	shalt  }
0x4b: {  	_ =	shalt  }
0x4c: {  	_ =	shalt  }
0x4d: {  	_ =	shalt  }
0x4e: {  	_ =	shalt  }
0x4f: {  	_ =	shalt  }
0x50: {  	_ =	shalt  }
0x51: {  	_ =	shalt  }
0x52: {  	_ =	shalt  }
0x53: {  	_ =	shalt  }
0x54: {  	_ =	shalt  }
0x55: {  	_ =	shalt  }
0x56: {  	_ =	shalt  }
0x57: {  	_ =	shalt  }
0x58: {  	_ =	shalt  }
0x59: {  	_ =	shalt  }
0x5a: {  	_ =	shalt  }
0x5b: {  	_ =	shalt  }
0x5c: {  	_ =	shalt  }
0x5d: {  	_ =	shalt  }
0x5e: {  	_ =	shalt  }
0x5f: {  	_ =	shalt  }
0x60: {  	_ =	shalt  }
0x61: {  	_ =	shalt  }
0x62: {  	_ =	shalt  }
0x63: {  	_ =	shalt  }
0x64: {  	_ =	shalt  }
0x65: {  	_ =	shalt  }
0x66: {  	_ =	shalt  }
0x67: {  	_ =	shalt  }
0x68: {  	_ =	shalt  }
0x69: {  	_ =	shalt  }
0x6a: {  	_ =	shalt  }
0x6b: {  	_ =	shalt  }
0x6c: {  	_ =	shalt  }
0x6d: {  	_ =	shalt  }
0x6e: {  	_ =	shalt  }
0x6f: {  	_ =	shalt  }
0x70: {  	_ =	shalt  }
0x71: {  	_ =	shalt  }
0x72: {  	_ =	shalt  }
0x73: {  	_ =	shalt  }
0x74: {  	_ =	shalt  }
0x75: {  	_ =	shalt  }
0x76: {  	_ =	shalt  }
0x77: {  	_ =	shalt  }
0x78: {  	_ =	shalt  }
0x79: {  	_ =	shalt  }
0x7a: {  	_ =	shalt  }
0x7b: {  	_ =	shalt  }
0x7c: {  	_ =	shalt  }
0x7d: {  	_ =	shalt  }
0x7e: {  	_ =	shalt  }
0x7f: {  	_ =	shalt  }
0x80: {  	_ =	shalt  }
0x81: {  	_ =	shalt  }
0x82: {  	_ =	shalt  }
0x83: {  	_ =	shalt  }
0x84: {  	_ =	shalt  }
0x85: {  	_ =	shalt  }
0x86: {  	_ =	shalt  }
0x87: {  	_ =	shalt  }
.Lfunc_end0:
.L_simem_size_0:
called_computation.2_lowered:
.L_overlay_start_0:
0x88: {  	s2 =	sld [smem:$0x3FD9]  }
0x89: {  	s3 =	sld [smem:$0x3FFE];
	_ =	sdelay $0x1  }
0x8a: {  	s1 =	srdreg.scid  }
0x8b: {  	s0 =	sand.u32 $0x1, s1  }
0x8c: {  	s17 =	sshll.u32 s0, $0xA;
	s2 =	sadd.s32 s3, s2  }
0x8d: {  	s2 =	sadd.s32 s2, s17  }
0x8e: {  	[smem:$0x3FC0] =	sst s2  }
0x8f: {  	_ = 	snop  }
0x90: {  	s2 =	sld [smem:$0x3FD0];
	(tm) =	ssettm $0x1  }
0x91: {  	s18 =	sld [smem:$0x3FFB];
	_ =	sdelay $0x3  }
0x92: {  	_ =	strace s18  }
0x93: {  	s3 =	sld [smem:$0x3FFC];
	_ =	sdelay $0x3  }
0x94: {  	_ =	strace s3  }
0x95: {  	s3 =	sld [smem:$0x3FFD];
	_ =	sdelay $0x3  }
0x96: {  	_ =	strace s3  }
0x97: {  	_ =	strace $0x8FFFFFFF  }
0x98: {  	s19 =	sld [smem:$0x3FDB];
	_ =	sdelay $0x1  }
0x99: {  	s4 =	simm.s32 $_scs_section_size  }
0x9a: {  	s5 =	simm.s32 $_size__tile_overlayer_lowered;
	s6 =	simm.s32 $_tile_overlayer_lowered  }
0x9b: {  	s22 =	simm.s32 $0x1BFF;
	s21 =	sshll.u32 s6, $0x1;
	s3 =	sadd.s32 s4, s19  }
0x9c: {  	s7 =	simm.s32 $0x0;
	s20 =	sshll.u32 s5, $0x1;
	s5 =	sadd.s32 s21, s3  }
0x9d: {  	[timem:s7], [sflag:s22] =	dma.local [hbm:s5], s20  }
0x9e: {  	_ =	swait.ge [sflag:s22], s20  }
0x9f: {  	s4 =	ssub.s32 $0x0, s20;
	[sflag:s22] =	ssyncset.done $0x0  }
0xa0: {  	[sflag:s22] =	ssyncadd.s32 s4;
	_ =	sdelay $0x1  }
0xa1: {  	s23 =	simm.s32 $0x1B8B  }
0xa2: {  	_ =	swait.ge [sflag:s23], $0x1  }
0xa3: {  	[sflag:s23] =	ssyncset.done $0x0  }
0xa4: {  	s25 =	simm.s32 $0x1B8E;
	s24 =	sld [smem:$0x3FFE];
	[sflag:s23] =	ssyncadd.s32 $0xFFFFFFFF  }
0xa5: {  	s26 =	simm.s32 $execute0_lowered;
	[smem:$0x3FD2] =	sst s25  }
0xa6: {  	s5 =	sshll.u32 s26, $0x1;
	_ =	strace $0x8000004C;
	[dreg:$0x1] =	wrdreg $0xFFFFFFFF  }
0xa7: {  	s28 =	simm.s32 $_size_execute0_lowered;
	s3 =	sadd.s32 s3, s5;
	[dreg:$0x0] =	wrdreg $0x0  }
0xa8: {  	s5 =	sshll.u32 s28, $0x1;
	[dreg:$0x2] =	wrdreg s3  }
0xa9: {  	[dreg:$0x3] =	wrdreg s5  }
0xaa: {  	[dreg:$0x4] =	wrdreg $0xC0  }
0xab: {  	_ =	task [dreg:s7], $0x5FFFF  }
0xac: {  	[dreg:$0x1] =	wrdreg $0xFFFFFFFF  }
0xad: {  	[dreg:$0x0] =	wrdreg $0x60  }
0xae: {  	[dreg:$0x2] =	wrdreg s24  }
0xaf: {  	[dreg:$0x3] =	wrdreg s2  }
0xb0: {  	[dreg:$0x4] =	wrdreg $0xA8000  }
0xb1: {  	[dreg:$0x5] =	wrdreg $0x9  }
0xb2: {  	_ =	task.clear_ibuf [dreg:s7], $0x6FFFF;
	_ =	strace $0x9000004C  }
0xb3: {  	s29 =	simm.s32 $0x9;
	_ =	strace $0x8000004E  }
0xb4: {  	_ =	swait.ge [sflag:s29], $0x1  }
0xb5: {  	[sflag:s29] =	ssyncadd.s32 $0xFFFFFFFF  }
0xb6: {  	_ =	strace $0x9000004E  }
0xb7: {  	_ =	sfence  }
0xb8: {  	s30 =	sld [smem:$0x0];
	_ =	sdelay $0x2  }
0xb9: {  	s31 =	sshll.u32 s1, $0xD;
	s1 =	sshrl.u32 s1, $0x2  }
0xba: {  	s3 =	sand.u32 $0x4000, s31;
	s1 =	sadd.s32 s1, s30  }
0xbb: {  	s0 =	sor.u32 s3, s0;
	s1 =	sshll.u32 s1, $0x11  }
0xbc: {  	s0 =	sor.u32 s1, s0  }
0xbd: {  	s0 =	sadd.s32 $0x8F2B, s0  }
0xbe: {  	[sflag:s0] =	ssyncadd.remote.s32 $0x1  }
0xbf: {  	_ =	sfence.sel $0xFFFF  }
0xc0: {  	[dreg:$0x0] =	wrdreg $0xFFFFFFFF;
	(pc) =	sbr.abs _section_cstart, $3  }
0xc1: {  	[dreg:$0x1] =	wrdreg $0xFFFFFFFF  }
0xc2: {  	_ =	task.clear_ibuf [dreg:s7], $0x2FFFF;
	_ =	strace $0x9FFFFFFF  }
0xc3: {  	(tm) =	ssettm $0x7FFFFFFF  }
tec
execute0_lowered:
.L_overlay_start_1:
0x0: {  	(tag) =	ssettag $0x1  }
0x1: {  	s6 =	rddreg [dreg:$0x0]  }
0x2: {  	s9 =	rddreg [dreg:$0x1]  }
0x3: {  	s2 =	rddreg [dreg:$0x2]  }
0x4: {  	s0 =	rddreg [dreg:$0x3];
	s4 =	srdreg.scid  }
0x5: {  	s3 =	simm.s32 $0x0;
	s1 =	stileid.u32;
	s19 =	simm.s32 $0x1  }
0x6: {  	s20 =	simm.s32 $0x2;
	s21 =	simm.s32 $0x3;
	s22 =	simm.s32 $0x4  }
0x7: {  	s23 =	simm.s32 $0x2700;
	s24 =	simm.s32 $0x2780;
	s25 =	simm.s32 $0x0  }
0x8: {  	s7 =	sand.u32 $0x1, s4;
	[smem:$0x7FF] =	sst s3;
	s8 =	smul.u32 $0x2800, s1  }
0x9: {  	s12 =	sadd.s32 $0x3400, s6;
	s5 =	sadd.s32 $0xDC00, s6;
	s14 =	smul.u32 $0x50000, s1  }
0xa: {  	s17 =	sshll.u32 s1, $0x6;
	s4 =	sshll.u32 s7, $0x4;
	_ =	strace $0x8000004D  }
0xb: {  	s10 =	smul.u32 $0x28000, s7;
	s7 =	ssub.s32 $0x2, s7;
	s17 =	sor.u32 $0x1C05, s17  }
0xc: {  	s11 =	sor.u32 s1, s4;
	s4 =	sadd.s32 $0x10400, s6;
	s28 =	sshrl.u32 s7, $0x1  }
0xd: {  	s30 =	sshrl.u32 s14, $0x2;
	s14 =	simm.s32 $0x80;
	s13 =	smul.u32 $0x500, s11  }
0xe: {  	s11 =	smul.u32 $0x2800, s11;
	s8 =	sadd.s32 s8, s10;
	s18 =	sadd.s32 s30, s2  }
0xf: {  	s16 =	ssub.s32 s7, s28;
	s15 =	sadd.s32 s8, s6;
	s18 =	sshrl.u32 s18, $0x3  }
0x10: {  	s29 =	sshrl.u32 s11, $0x3;
	s6 =	sadd.s32 s12, s13;
	s7 =	sadd.s32 s9, s13  }
0x11: {  	s10 =	sadd.s32 $0x38400, s15;
	s11 =	smax.u32 s16, $0x1;
	s13 =	simm.s32 $0x1400  }
0x12: {  	s15 =	simm.s32 $0x2800;
	s16 =	simm.s32 $0x6800;
	s31 =	sadd.s32 $0x280, s29  }
0x13: {  	s8 =	sadd.s32 s12, s31;
	s9 =	sadd.s32 s9, s31;
	s12 =	simm.s32 $0x5  }
.LBB2_1:
0x14: {  	[tilespmem:s3], [sflag:$0x5] =	stream.linear.gather [hbm4b:s6+s3], $0x1400, $0x38;
	[tilespmem:$0x1E800] =	vst v63  }
0x15: {  	_ =	swait.ge [sflag:s12], $0x1400  }
0x16: {  	[sflag:s12] =	ssyncset.done $0x0  }
0x17: {  	[sflag:s12] =	ssyncadd.s32 $0xFFFFEC00  }
0x18: {  	[tilespmem:s13], [sflag:$0x5] =	stream.linear.gather [hbm4b:s7+s3], $0x1400, $0x38;
	[tilespmem:$0x1E800] =	vst v63  }
0x19: {  	_ =	swait.ge [sflag:s12], $0x1400  }
0x1a: {  	[sflag:s12] =	ssyncset.done $0x0  }
0x1b: {  	[sflag:s12] =	ssyncadd.s32 $0xFFFFEC00  }
0x1c: {  	[tilespmem:s15], [sflag:$0x1] =	stream.indirect.gather [hbm4b:s4+s14], $0x80, s3, s14, $0xb8;
	[tilespmem:$0x1E800] =	vst v63  }
0x1d: {  	_ = 	snop  }
0x1e: {  	[tilespmem:s16], [sflag:$0x2] =	stream.indirect.gather [hbm4b:s4+s14], $0x80, s14, s14, $0xb8;
	[tilespmem:$0x1E800] =	vst v63  }
0x1f: {  	[spmem:s18], [sflag:s17] =	dma.local [hbm:s5], $0x2800  }
0x20: {  	_ =	swait.ge [sflag:s12], $0x2800  }
0x21: {  	[sflag:s12] =	ssyncset.done $0x0  }
0x22: {  	[sflag:s12] =	ssyncadd.s32 $0xFFFFD800  }
0x23: {  	[bflag:$0x0] =	sbarrier.arrive $0xFFFF  }
0x24: {  	_ =	swait.ge [sflag:s19], $0x4000  }
0x25: {  	[sflag:s19] =	ssyncset.done $0x0  }
0x26: {  	s26 =	simm.s32 $0x1400;
	[sflag:s19] =	ssyncadd.s32 $0xFFFFC000  }
0x27: {  	[spmem:s2] =	stream.indirect.scatter.add.f32 [tilespmem:s15], [sflag:$0x3], $0x80, s26, s14, $0xb8;
	[tilespmem:$0x1E800] =	vst v63  }
0x28: {  	_ =	swait.ge [sflag:s20], $0x4000  }
0x29: {  	[sflag:s20] =	ssyncset.done $0x0  }
0x2a: {  	s30 =	simm.s32 $0x1480;
	[sflag:s20] =	ssyncadd.s32 $0xFFFFC000  }
0x2b: {  	[spmem:s2] =	stream.indirect.scatter.add.f32 [tilespmem:s16], [sflag:$0x4], $0x80, s30, s14, $0xb8;
	[tilespmem:$0x1E800] =	vst v63  }
0x2c: {  	_ =	swait.ge [sflag:s21], $0x4000  }
0x2d: {  	[sflag:s21] =	ssyncset.done $0x0  }
0x2e: {  	s31 =	simm.s32 $0x100;
	[sflag:s21] =	ssyncadd.s32 $0xFFFFC000  }
0x2f: {  	[tilespmem:s15], [sflag:$0x1] =	stream.indirect.gather [hbm4b:s4+s14], $0x80, s31, s14, $0xb8;
	[tilespmem:$0x1E800] =	vst v63  }
0x30: {  	_ =	swait.ge [sflag:s22], $0x4000  }
0x31: {  	[sflag:s22] =	ssyncset.done $0x0  }
0x32: {  	s28 =	simm.s32 $0x180;
	s26 =	simm.s32 $0x400;
	[sflag:s22] =	ssyncadd.s32 $0xFFFFC000  }
.LBB2_2:
0x33: {  	[tilespmem:s16], [sflag:$0x2] =	stream.indirect.gather [hbm4b:s4+s14], $0x80, s28, s14, $0xb8;
	[tilespmem:$0x1E800] =	vst v63  }
0x34: {  	s28 =	smov.u32 s26  }
0x35: {  	p0 =	sne.s32 s26, $0x4800;
	s26 =	sadd.s32 $0x400, s26;
	_ =	swait.ge [sflag:s19], $0x4000  }
0x36: {  	s28 =	sshra.s32 s28, $0x2;
	[sflag:s19] =	ssyncset.done $0x0  }
0x37: {  	s29 =	sadd.s32 $0x1400, s28;
	[sflag:s19] =	ssyncadd.s32 $0xFFFFC000  }
0x38: {  	[spmem:s2] =	stream.indirect.scatter.add.f32 [tilespmem:s15], [sflag:$0x3], $0x80, s29, s14, $0xb8;
	[tilespmem:$0x1E800] =	vst v63  }
0x39: {  	_ =	swait.ge [sflag:s20], $0x4000  }
0x3a: {  	[sflag:s20] =	ssyncset.done $0x0  }
0x3b: {  	s29 =	sadd.s32 $0x1480, s28;
	[sflag:s20] =	ssyncadd.s32 $0xFFFFC000  }
0x3c: {  	[spmem:s2] =	stream.indirect.scatter.add.f32 [tilespmem:s16], [sflag:$0x4], $0x80, s29, s14, $0xb8;
	[tilespmem:$0x1E800] =	vst v63  }
0x3d: {  	_ =	swait.ge [sflag:s21], $0x4000  }
0x3e: {  	[sflag:s21] =	ssyncset.done $0x0  }
.Ltmp0:
0x3f: {  	s29 =	sadd.s32 $0x100, s28;
	[sflag:s21] =	ssyncadd.s32 $0xFFFFC000;
	(pc) =	sbr.rel @p0 .LBB2_2-.Ltmp0, $4  }
0x40: {  	[tilespmem:s15], [sflag:$0x1] =	stream.indirect.gather [hbm4b:s4+s14], $0x80, s29, s14, $0xb8;
	[tilespmem:$0x1E800] =	vst v63  }
0x41: {  	_ =	swait.ge [sflag:s22], $0x4000  }
0x42: {  	[sflag:s22] =	ssyncset.done $0x0  }
0x43: {  	s28 =	sadd.s32 $0x180, s28;
	[sflag:s22] =	ssyncadd.s32 $0xFFFFC000  }
0x44: {  	[tilespmem:s16], [sflag:$0x2] =	stream.indirect.gather [hbm4b:s4+s14], $0x80, s28, s14, $0xb8;
	[tilespmem:$0x1E800] =	vst v63  }
0x45: {  	_ =	swait.ge [sflag:s19], $0x4000  }
0x46: {  	[sflag:s19] =	ssyncset.done $0x0  }
0x47: {  	[sflag:s19] =	ssyncadd.s32 $0xFFFFC000  }
0x48: {  	[spmem:s2] =	stream.indirect.scatter.add.f32 [tilespmem:s15], [sflag:$0x3], $0x80, s23, s14, $0xb8;
	[tilespmem:$0x1E800] =	vst v63  }
0x49: {  	_ =	swait.ge [sflag:s20], $0x4000  }
0x4a: {  	[sflag:s20] =	ssyncset.done $0x0  }
0x4b: {  	[sflag:s20] =	ssyncadd.s32 $0xFFFFC000  }
0x4c: {  	[spmem:s2] =	stream.indirect.scatter.add.f32 [tilespmem:s16], [sflag:$0x4], $0x80, s24, s14, $0xb8;
	[tilespmem:$0x1E800] =	vst v63  }
0x4d: {  	_ =	swait.ge [sflag:s21], $0x4000  }
0x4e: {  	[sflag:s21] =	ssyncset.done $0x0  }
0x4f: {  	[sflag:s21] =	ssyncadd.s32 $0xFFFFC000  }
0x50: {  	_ =	swait.ge [sflag:s22], $0x4000  }
0x51: {  	[sflag:s22] =	ssyncset.done $0x0  }
0x52: {  	s26 =	simm.s32 $0x0;
	[sflag:s22] =	ssyncadd.s32 $0xFFFFC000  }
0x53: {  	[tilespmem:s26], [sflag:$0x5] =	stream.linear.gather [hbm4b:s8+s26], $0x1400, $0x38;
	[tilespmem:$0x1E800] =	vst v63  }
0x54: {  	_ =	swait.ge [sflag:s12], $0x1400  }
0x55: {  	[sflag:s12] =	ssyncset.done $0x0  }
0x56: {  	[sflag:s12] =	ssyncadd.s32 $0xFFFFEC00  }
0x57: {  	[tilespmem:s13], [sflag:$0x5] =	stream.linear.gather [hbm4b:s9+s26], $0x1400, $0x38;
	[tilespmem:$0x1E800] =	vst v63  }
0x58: {  	_ =	swait.ge [sflag:s12], $0x1400  }
0x59: {  	[sflag:s12] =	ssyncset.done $0x0  }
0x5a: {  	[sflag:s12] =	ssyncadd.s32 $0xFFFFEC00  }
0x5b: {  	[tilespmem:s15], [sflag:$0x1] =	stream.indirect.gather [hbm4b:s4+s14], $0x80, s26, s14, $0xb8;
	[tilespmem:$0x1E800] =	vst v63  }
0x5c: {  	_ = 	snop  }
0x5d: {  	[tilespmem:s16], [sflag:$0x2] =	stream.indirect.gather [hbm4b:s4+s14], $0x80, s14, s14, $0xb8;
	[tilespmem:$0x1E800] =	vst v63  }
0x5e: {  	_ =	swait.ge [sflag:s19], $0x4000  }
0x5f: {  	[sflag:s19] =	ssyncset.done $0x0  }
0x60: {  	s29 =	simm.s32 $0x1400;
	[sflag:s19] =	ssyncadd.s32 $0xFFFFC000  }
0x61: {  	[spmem:s2] =	stream.indirect.scatter.add.f32 [tilespmem:s15], [sflag:$0x3], $0x80, s29, s14, $0xb8;
	[tilespmem:$0x1E800] =	vst v63  }
0x62: {  	_ =	swait.ge [sflag:s20], $0x4000  }
0x63: {  	[sflag:s20] =	ssyncset.done $0x0  }
0x64: {  	s30 =	simm.s32 $0x1480;
	[sflag:s20] =	ssyncadd.s32 $0xFFFFC000  }
0x65: {  	[spmem:s2] =	stream.indirect.scatter.add.f32 [tilespmem:s16], [sflag:$0x4], $0x80, s30, s14, $0xb8;
	[tilespmem:$0x1E800] =	vst v63  }
0x66: {  	_ =	swait.ge [sflag:s21], $0x4000  }
0x67: {  	[sflag:s21] =	ssyncset.done $0x0  }
0x68: {  	s31 =	simm.s32 $0x100;
	[sflag:s21] =	ssyncadd.s32 $0xFFFFC000  }
0x69: {  	[tilespmem:s15], [sflag:$0x1] =	stream.indirect.gather [hbm4b:s4+s14], $0x80, s31, s14, $0xb8;
	[tilespmem:$0x1E800] =	vst v63  }
0x6a: {  	_ =	swait.ge [sflag:s22], $0x4000  }
0x6b: {  	[sflag:s22] =	ssyncset.done $0x0  }
0x6c: {  	s28 =	simm.s32 $0x180;
	s26 =	simm.s32 $0x400;
	[sflag:s22] =	ssyncadd.s32 $0xFFFFC000  }
.LBB2_4:
0x6d: {  	[tilespmem:s16], [sflag:$0x2] =	stream.indirect.gather [hbm4b:s4+s14], $0x80, s28, s14, $0xb8;
	[tilespmem:$0x1E800] =	vst v63  }
0x6e: {  	s28 =	smov.u32 s26  }
0x6f: {  	p0 =	sne.s32 s26, $0x4800;
	s26 =	sadd.s32 $0x400, s26;
	_ =	swait.ge [sflag:s19], $0x4000  }
0x70: {  	s28 =	sshra.s32 s28, $0x2;
	[sflag:s19] =	ssyncset.done $0x0  }
0x71: {  	s29 =	sadd.s32 $0x1400, s28;
	[sflag:s19] =	ssyncadd.s32 $0xFFFFC000  }
0x72: {  	[spmem:s2] =	stream.indirect.scatter.add.f32 [tilespmem:s15], [sflag:$0x3], $0x80, s29, s14, $0xb8;
	[tilespmem:$0x1E800] =	vst v63  }
0x73: {  	_ =	swait.ge [sflag:s20], $0x4000  }
0x74: {  	[sflag:s20] =	ssyncset.done $0x0  }
0x75: {  	s29 =	sadd.s32 $0x1480, s28;
	[sflag:s20] =	ssyncadd.s32 $0xFFFFC000  }
0x76: {  	[spmem:s2] =	stream.indirect.scatter.add.f32 [tilespmem:s16], [sflag:$0x4], $0x80, s29, s14, $0xb8;
	[tilespmem:$0x1E800] =	vst v63  }
0x77: {  	_ =	swait.ge [sflag:s21], $0x4000  }
0x78: {  	[sflag:s21] =	ssyncset.done $0x0  }
.Ltmp1:
0x79: {  	s29 =	sadd.s32 $0x100, s28;
	[sflag:s21] =	ssyncadd.s32 $0xFFFFC000;
	(pc) =	sbr.rel @p0 .LBB2_4-.Ltmp1, $4  }
0x7a: {  	[tilespmem:s15], [sflag:$0x1] =	stream.indirect.gather [hbm4b:s4+s14], $0x80, s29, s14, $0xb8;
	[tilespmem:$0x1E800] =	vst v63  }
0x7b: {  	_ =	swait.ge [sflag:s22], $0x4000  }
0x7c: {  	[sflag:s22] =	ssyncset.done $0x0  }
0x7d: {  	s28 =	sadd.s32 $0x180, s28;
	[sflag:s22] =	ssyncadd.s32 $0xFFFFC000  }
0x7e: {  	[tilespmem:s16], [sflag:$0x2] =	stream.indirect.gather [hbm4b:s4+s14], $0x80, s28, s14, $0xb8;
	[tilespmem:$0x1E800] =	vst v63  }
0x7f: {  	_ =	swait.ge [sflag:s19], $0x4000  }
0x80: {  	[sflag:s19] =	ssyncset.done $0x0  }
0x81: {  	[sflag:s19] =	ssyncadd.s32 $0xFFFFC000  }
0x82: {  	[spmem:s2] =	stream.indirect.scatter.add.f32 [tilespmem:s15], [sflag:$0x3], $0x80, s23, s14, $0xb8;
	[tilespmem:$0x1E800] =	vst v63  }
0x83: {  	_ =	swait.ge [sflag:s20], $0x4000  }
0x84: {  	[sflag:s20] =	ssyncset.done $0x0  }
0x85: {  	[sflag:s20] =	ssyncadd.s32 $0xFFFFC000  }
0x86: {  	[spmem:s2] =	stream.indirect.scatter.add.f32 [tilespmem:s16], [sflag:$0x4], $0x80, s24, s14, $0xb8;
	[tilespmem:$0x1E800] =	vst v63  }
0x87: {  	_ =	swait.ge [sflag:s21], $0x4000  }
0x88: {  	[sflag:s21] =	ssyncset.done $0x0  }
0x89: {  	[sflag:s21] =	ssyncadd.s32 $0xFFFFC000  }
0x8a: {  	_ =	swait.ge [sflag:s22], $0x4000  }
0x8b: {  	s25 =	sadd.s32 $0x1, s25;
	[sflag:s22] =	ssyncset.done $0x0  }
0x8c: {  	p0 =	sne.s32 s25, s11;
	[sflag:s22] =	ssyncadd.s32 $0xFFFFC000  }
.Ltmp2:
0x8d: {  	[bflag:$0x0] =	sbarrier.arrive $0xFFFF;
	(pc) =	sbr.rel @p0 .LBB2_1-.Ltmp2, $4  }
0x8e: {  	[hbm:s10], [sflag:s17] =	dma.local [spmem:s18], $0x2800  }
0x8f: {  	_ =	swait.ge [sflag:s12], $0x2800  }
0x90: {  	[sflag:s12] =	ssyncset.done $0x0  }
0x91: {  	[sflag:s12] =	ssyncadd.s32 $0xFFFFD800  }
0x92: {  	_ =	sfence.sel $0x180000  }
0x93: {  	[bflag:$0x0] =	sbarrier.arrive $0xFFFF  }
0x94: {  	p0 =	sne.s32 s1, $0x0;
	_ =	strace $0x9000004D  }
0x95: {  	s0 =	sadd.s32 @!p0 $0x100000, s0;
	[bflag:$0x2] =	sbarrier.arrive $0xFFFF  }
0x96: {  	[sflag:s0] =	ssyncadd.tile.s32 @!p0 $0x1;
	_ =	shalt  }
.Lfunc_end2:
_tile_overlayer_lowered:
.L_overlay_start_2:
0x97: {  	(tag) =	ssettag $0x2  }
0x98: {  	s0 =	rddreg [dreg:$0x0];
	s2 =	stileid.u32  }
0x99: {  	s1 =	rddreg [dreg:$0x1];
	p0 =	sne.s32 s2, $0x0  }
0x9a: {  	s3 =	rddreg [dreg:$0x2];
	[bflag:$0x3] =	sbarrier.arrive $0xFFFF;
	s2 =	simm.s32 @!p0 $0x1C05  }
0x9b: {  	[timem:s3], [sflag:s2] =	dma.local @!p0 [hbm:s0], s1  }
0x9c: {  	s0 =	simm.s32 @!p0 $0x5  }
0x9d: {  	_ =	swait.ge @!p0 [sflag:s0], s1  }
0x9e: {  	s1 =	ssub.s32 @!p0 $0x0, s1;
	[sflag:s0] =	ssyncset.done @!p0 $0x0  }
0x9f: {  	[sflag:s0] =	ssyncadd.s32 @!p0 s1  }
0xa0: {  	[bflag:$0x3] =	sbarrier.arrive $0xFFFF  }
0xa1: {  	_ =	shalt  }

// kernel: kernel.19.cloned.1.call-start
scs
__scs_entry_jumppad:
0x0: {  	(pc) =	sbr.rel $0x88, $3  }
0x1: {  	(tag) =	ssettag $0x0;
	lr =	simm.s32 $0x1  }
0x2: {  	[smem:$0x3F99] =	sst lr;
	_ =	strace $0xD0000000  }
0x3: {  	_ = 	snop  }
0x4: {  	_ = 	snop  }
0x5: {  	_ = 	snop  }
0x6: {  	_ = 	snop  }
0x7: {  	_ = 	snop  }
__scs_overlays_trampoline_lowered:
0x8: {  	[smem:$0x3FA8] =	sst s0  }
0x9: {  	[smem:$0x3FA9] =	sst s1  }
0xa: {  	[smem:$0x3FAA] =	sst s2  }
0xb: {  	[smem:$0x3FAB] =	sst s3  }
0xc: {  	[smem:$0x3FAC] =	sst s4  }
0xd: {  	[smem:$0x3FAD] =	sst s5  }
0xe: {  	[smem:$0x3FAE] =	sst s6  }
0xf: {  	[smem:$0x3FAF] =	sst s7  }
0x10: {  	[smem:$0x3FB0] =	sst s8  }
0x11: {  	[smem:$0x3FB1] =	sst s9;
	s0 =	simm.s32 @!p0 $0x0  }
0x12: {  	s1 =	sld [smem:$0x3F97];
	s0 =	simm.s32 @p0 $0x1  }
0x13: {  	[smem:$0x3FB2] =	sst s0;
	s0 =	simm.s32 @!p1 $0x0  }
0x14: {  	s2 =	sld [smem:$0x3F96];
	s0 =	simm.s32 @p1 $0x1  }
0x15: {  	[smem:$0x3FB3] =	sst s0;
	s0 =	simm.s32 @!p2 $0x0  }
0x16: {  	s3 =	sld [smem:$0x3FDB];
	s0 =	simm.s32 @p2 $0x1  }
0x17: {  	s4 =	simm.s32 $0x1BF5;
	[smem:$0x3FB5] =	sst s0  }
0x18: {  	s0 =	sld [smem:$0x3F98];
	_ =	swait.ge [sflag:s4], $0x0  }
0x19: {  	s7 =	sld [smem:$0x3F99]  }
0x1a: {  	s8 =	sadd.s32 $0xFFFFE003, lr  }
0x1b: {  	s9 =	sadd.s32 $0xFFFFFEF7, lr;
	s5 =	simm.s32 $0xFFFFFFFF;
	p2 =	slt.u32 s8, $0xFFFFF086  }
0x1c: {  	p1 =	slt.u32 s9, $0xF7A;
	s5 =	simm.s32 @!p2 $0x0  }
0x1d: {  	s5 =	simm.s32 @p1 $0x1;
	p0 =	seq.s32 s7, s2  }
0x1e: {  	s7 =	smul.u32 @!p0 $0xF7A, s2;
	p2 =	seq.s32 @!p0 s5, $0x0  }
0x1f: {  	s9 =	smul.u32 $0xF7A, s1;
	s8 =	simm.s32 @!p0 $0x1BF5;
	p2 =	por !p2, p0  }
0x20: {  	[sflag:s8] =	ssyncset.s32 @!p0 $0xFFFFF086;
	s6 =	sadd.s32 @!p0 s3, s7;
	s7 =	simm.s32 @!p0 $0x108  }
0x21: {  	s3 =	sadd.s32 s3, s9;
	s6 =	sadd.s32 @!p0 $0x88, s6;
	s7 =	simm.s32 @p2 $0x1082  }
0x22: {  	[simem:s7], [sflag:s8] =	dma.local @!p0 [hbm:s6], $0xF7A  }
0x23: {  	s9 =	sor.u32 $0xD0000000, s2;
	s6 =	simm.s32 $0x108;
	_ =	swait.ge @!p0 [sflag:s8], $0x0  }
0x24: {  	s3 =	sadd.s32 $0x88, s3;
	s6 =	simm.s32 @!p1 $0x1082;
	[sflag:s4] =	ssyncset.s32 $0xFFFFF086  }
0x25: {  	[simem:s6], [sflag:s4] =	dma.local [hbm:s3], $0xF7A  }
0x26: {  	[smem:$0x3F99] =	sst s1;
	(tag) =	ssettag s2;
	_ =	strace s9  }
0x27: {  	s1 =	sld [smem:$0x3FA9]  }
0x28: {  	s2 =	sld [smem:$0x3FAA]  }
0x29: {  	s4 =	sld [smem:$0x3FAC]  }
0x2a: {  	p0 =	seq.s32 s5, $0x0;
	s5 =	sld [smem:$0x3FAD]  }
0x2b: {  	s6 =	sld [smem:$0x3FAE]  }
0x2c: {  	s7 =	sld [smem:$0x3FAF]  }
0x2d: {  	s3 =	simm.s32 $0x108;
	s8 =	sld [smem:$0x3FB0]  }
0x2e: {  	s3 =	simm.s32 @!p0 $0x1082;
	s9 =	sld [smem:$0x3FB1]  }
0x2f: {  	lr =	sadd.s32 s0, s3;
	s0 =	sld [smem:$0x3FA8]  }
0x30: {  	s3 =	sld [smem:$0x3FAB]  }
0x31: {  	[smem:$0x3FB4] =	sst s10  }
0x32: {  	s10 =	sld [smem:$0x3FB2];
	_ =	sdelay $0x3  }
0x33: {  	p0 =	seq.s32 s10, $0x1;
	s10 =	sld [smem:$0x3FB4];
	_ =	sdelay $0x3  }
0x34: {  	[smem:$0x3FB4] =	sst s10  }
0x35: {  	s10 =	sld [smem:$0x3FB3];
	_ =	sdelay $0x3  }
0x36: {  	p1 =	seq.s32 s10, $0x1;
	s10 =	sld [smem:$0x3FB4];
	_ =	sdelay $0x3  }
0x37: {  	[smem:$0x3FB4] =	sst s10  }
0x38: {  	s10 =	sld [smem:$0x3FB5]  }
0x39: {  	_ = 	snop;
	(pc) =	sbr.ind lr, $3  }
0x3a: {  	_ = 	snop  }
0x3b: {  	_ = 	snop  }
0x3c: {  	p2 =	seq.s32 s10, $0x1;
	s10 =	sld [smem:$0x3FB4]  }
0x3d: {  	_ =	shalt  }
0x3e: {  	_ =	shalt  }
0x3f: {  	_ =	shalt  }
0x40: {  	_ =	shalt  }
0x41: {  	_ =	shalt  }
0x42: {  	_ =	shalt  }
0x43: {  	_ =	shalt  }
0x44: {  	_ =	shalt  }
0x45: {  	_ =	shalt  }
0x46: {  	_ =	shalt  }
0x47: {  	_ =	shalt  }
0x48: {  	_ =	shalt  }
0x49: {  	_ =	shalt  }
0x4a: {  	_ =	shalt  }
0x4b: {  	_ =	shalt  }
0x4c: {  	_ =	shalt  }
0x4d: {  	_ =	shalt  }
0x4e: {  	_ =	shalt  }
0x4f: {  	_ =	shalt  }
0x50: {  	_ =	shalt  }
0x51: {  	_ =	shalt  }
0x52: {  	_ =	shalt  }
0x53: {  	_ =	shalt  }
0x54: {  	_ =	shalt  }
0x55: {  	_ =	shalt  }
0x56: {  	_ =	shalt  }
0x57: {  	_ =	shalt  }
0x58: {  	_ =	shalt  }
0x59: {  	_ =	shalt  }
0x5a: {  	_ =	shalt  }
0x5b: {  	_ =	shalt  }
0x5c: {  	_ =	shalt  }
0x5d: {  	_ =	shalt  }
0x5e: {  	_ =	shalt  }
0x5f: {  	_ =	shalt  }
0x60: {  	_ =	shalt  }
0x61: {  	_ =	shalt  }
0x62: {  	_ =	shalt  }
0x63: {  	_ =	shalt  }
0x64: {  	_ =	shalt  }
0x65: {  	_ =	shalt  }
0x66: {  	_ =	shalt  }
0x67: {  	_ =	shalt  }
0x68: {  	_ =	shalt  }
0x69: {  	_ =	shalt  }
0x6a: {  	_ =	shalt  }
0x6b: {  	_ =	shalt  }
0x6c: {  	_ =	shalt  }
0x6d: {  	_ =	shalt  }
0x6e: {  	_ =	shalt  }
0x6f: {  	_ =	shalt  }
0x70: {  	_ =	shalt  }
0x71: {  	_ =	shalt  }
0x72: {  	_ =	shalt  }
0x73: {  	_ =	shalt  }
0x74: {  	_ =	shalt  }
0x75: {  	_ =	shalt  }
0x76: {  	_ =	shalt  }
0x77: {  	_ =	shalt  }
0x78: {  	_ =	shalt  }
0x79: {  	_ =	shalt  }
0x7a: {  	_ =	shalt  }
0x7b: {  	_ =	shalt  }
0x7c: {  	_ =	shalt  }
0x7d: {  	_ =	shalt  }
0x7e: {  	_ =	shalt  }
0x7f: {  	_ =	shalt  }
0x80: {  	_ =	shalt  }
0x81: {  	_ =	shalt  }
0x82: {  	_ =	shalt  }
0x83: {  	_ =	shalt  }
0x84: {  	_ =	shalt  }
0x85: {  	_ =	shalt  }
0x86: {  	_ =	shalt  }
0x87: {  	_ =	shalt  }
.Lfunc_end0:
.L_simem_size_0:
called_computation.3_lowered:
.L_overlay_start_0:
0x88: {  	s2 =	sld [smem:$0x3FD9]  }
0x89: {  	s3 =	sld [smem:$0x3FFE];
	_ =	sdelay $0x1  }
0x8a: {  	s1 =	srdreg.scid  }
0x8b: {  	s0 =	sand.u32 $0x1, s1  }
0x8c: {  	s17 =	sshll.u32 s0, $0xA;
	s2 =	sadd.s32 s3, s2  }
0x8d: {  	s2 =	sadd.s32 s2, s17  }
0x8e: {  	[smem:$0x3FC0] =	sst s2  }
0x8f: {  	_ = 	snop  }
0x90: {  	s2 =	sld [smem:$0x3FD0];
	(tm) =	ssettm $0x1  }
0x91: {  	s18 =	sld [smem:$0x3FFB];
	_ =	sdelay $0x3  }
0x92: {  	_ =	strace s18  }
0x93: {  	s3 =	sld [smem:$0x3FFC];
	_ =	sdelay $0x3  }
0x94: {  	_ =	strace s3  }
0x95: {  	s3 =	sld [smem:$0x3FFD];
	_ =	sdelay $0x3  }
0x96: {  	_ =	strace s3  }
0x97: {  	_ =	strace $0x8FFFFFFF  }
0x98: {  	s19 =	sld [smem:$0x3FDB];
	_ =	sdelay $0x1  }
0x99: {  	s4 =	simm.s32 $_scs_section_size  }
0x9a: {  	s5 =	simm.s32 $_size__tile_overlayer_lowered;
	s6 =	simm.s32 $_tile_overlayer_lowered  }
0x9b: {  	s22 =	simm.s32 $0x1BFF;
	s21 =	sshll.u32 s6, $0x1;
	s3 =	sadd.s32 s4, s19  }
0x9c: {  	s7 =	simm.s32 $0x0;
	s20 =	sshll.u32 s5, $0x1;
	s5 =	sadd.s32 s21, s3  }
0x9d: {  	[timem:s7], [sflag:s22] =	dma.local [hbm:s5], s20  }
0x9e: {  	_ =	swait.ge [sflag:s22], s20  }
0x9f: {  	s4 =	ssub.s32 $0x0, s20;
	[sflag:s22] =	ssyncset.done $0x0  }
0xa0: {  	[sflag:s22] =	ssyncadd.s32 s4;
	_ =	sdelay $0x1  }
0xa1: {  	s23 =	simm.s32 $0x1B8B  }
0xa2: {  	_ =	swait.ge [sflag:s23], $0x1  }
0xa3: {  	[sflag:s23] =	ssyncset.done $0x0  }
0xa4: {  	s25 =	simm.s32 $0x1B8E;
	s24 =	sld [smem:$0x3FFE];
	[sflag:s23] =	ssyncadd.s32 $0xFFFFFFFF  }
0xa5: {  	s26 =	simm.s32 $execute0_lowered;
	[smem:$0x3FD2] =	sst s25  }
0xa6: {  	s5 =	sshll.u32 s26, $0x1;
	_ =	strace $0x8000004F;
	[dreg:$0x1] =	wrdreg $0xFFFFFFFF  }
0xa7: {  	s28 =	simm.s32 $_size_execute0_lowered;
	s3 =	sadd.s32 s3, s5;
	[dreg:$0x0] =	wrdreg $0x0  }
0xa8: {  	s5 =	sshll.u32 s28, $0x1;
	[dreg:$0x2] =	wrdreg s3  }
0xa9: {  	[dreg:$0x3] =	wrdreg s5  }
0xaa: {  	[dreg:$0x4] =	wrdreg $0xC0  }
0xab: {  	_ =	task [dreg:s7], $0x5FFFF  }
0xac: {  	[dreg:$0x1] =	wrdreg $0xFFFFFFFF  }
0xad: {  	[dreg:$0x0] =	wrdreg $0x60  }
0xae: {  	[dreg:$0x2] =	wrdreg s24  }
0xaf: {  	[dreg:$0x3] =	wrdreg s2  }
0xb0: {  	[dreg:$0x4] =	wrdreg $0xA8000  }
0xb1: {  	[dreg:$0x5] =	wrdreg $0x9  }
0xb2: {  	_ =	task.clear_ibuf [dreg:s7], $0x6FFFF;
	_ =	strace $0x9000004F  }
0xb3: {  	s29 =	simm.s32 $0x9;
	_ =	strace $0x80000051  }
0xb4: {  	_ =	swait.ge [sflag:s29], $0x1  }
0xb5: {  	[sflag:s29] =	ssyncadd.s32 $0xFFFFFFFF  }
0xb6: {  	_ =	strace $0x90000051  }
0xb7: {  	_ =	sfence  }
0xb8: {  	s30 =	sld [smem:$0x0];
	_ =	sdelay $0x2  }
0xb9: {  	s31 =	sshll.u32 s1, $0xD;
	s1 =	sshrl.u32 s1, $0x2  }
0xba: {  	s3 =	sand.u32 $0x4000, s31;
	s1 =	sadd.s32 s1, s30  }
0xbb: {  	s0 =	sor.u32 s3, s0;
	s1 =	sshll.u32 s1, $0x11  }
0xbc: {  	s0 =	sor.u32 s1, s0  }
0xbd: {  	s0 =	sadd.s32 $0x8F2B, s0  }
0xbe: {  	[sflag:s0] =	ssyncadd.remote.s32 $0x1  }
0xbf: {  	_ =	sfence.sel $0xFFFF  }
0xc0: {  	[dreg:$0x0] =	wrdreg $0xFFFFFFFF;
	(pc) =	sbr.abs _section_cstart, $3  }
0xc1: {  	[dreg:$0x1] =	wrdreg $0xFFFFFFFF  }
0xc2: {  	_ =	task.clear_ibuf [dreg:s7], $0x2FFFF;
	_ =	strace $0x9FFFFFFF  }
0xc3: {  	(tm) =	ssettm $0x7FFFFFFF  }
tec
execute0_lowered:
.L_overlay_start_1:
0x0: {  	(tag) =	ssettag $0x1  }
0x1: {  	s6 =	rddreg [dreg:$0x0]  }
0x2: {  	s9 =	rddreg [dreg:$0x1]  }
0x3: {  	s2 =	rddreg [dreg:$0x2]  }
0x4: {  	s0 =	rddreg [dreg:$0x3];
	s4 =	srdreg.scid  }
0x5: {  	s3 =	simm.s32 $0x0;
	s1 =	stileid.u32;
	s19 =	simm.s32 $0x1  }
0x6: {  	s20 =	simm.s32 $0x2;
	s21 =	simm.s32 $0x3;
	s22 =	simm.s32 $0x4  }
0x7: {  	s23 =	simm.s32 $0x2700;
	s24 =	simm.s32 $0x2780;
	s25 =	simm.s32 $0x0  }
0x8: {  	s7 =	sand.u32 $0x1, s4;
	[smem:$0x7FF] =	sst s3;
	s8 =	smul.u32 $0x2800, s1  }
0x9: {  	s12 =	sadd.s32 $0x3400, s6;
	s5 =	sadd.s32 $0xDC00, s6;
	s14 =	smul.u32 $0x50000, s1  }
0xa: {  	s17 =	sshll.u32 s1, $0x6;
	s4 =	sshll.u32 s7, $0x4;
	_ =	strace $0x80000050  }
0xb: {  	s10 =	smul.u32 $0x28000, s7;
	s7 =	ssub.s32 $0x2, s7;
	s17 =	sor.u32 $0x1C05, s17  }
0xc: {  	s11 =	sor.u32 s1, s4;
	s4 =	sadd.s32 $0x10400, s6;
	s28 =	sshrl.u32 s7, $0x1  }
0xd: {  	s30 =	sshrl.u32 s14, $0x2;
	s14 =	simm.s32 $0x80;
	s13 =	smul.u32 $0x500, s11  }
0xe: {  	s11 =	smul.u32 $0x2800, s11;
	s8 =	sadd.s32 s8, s10;
	s18 =	sadd.s32 s30, s2  }
0xf: {  	s16 =	ssub.s32 s7, s28;
	s15 =	sadd.s32 s8, s6;
	s18 =	sshrl.u32 s18, $0x3  }
0x10: {  	s29 =	sshrl.u32 s11, $0x3;
	s6 =	sadd.s32 s12, s13;
	s7 =	sadd.s32 s9, s13  }
0x11: {  	s10 =	sadd.s32 $0x38400, s15;
	s11 =	smax.u32 s16, $0x1;
	s13 =	simm.s32 $0x1400  }
0x12: {  	s15 =	simm.s32 $0x2800;
	s16 =	simm.s32 $0x6800;
	s31 =	sadd.s32 $0x280, s29  }
0x13: {  	s8 =	sadd.s32 s12, s31;
	s9 =	sadd.s32 s9, s31;
	s12 =	simm.s32 $0x5  }
.LBB2_1:
0x14: {  	[tilespmem:s3], [sflag:$0x5] =	stream.linear.gather [hbm4b:s6+s3], $0x1400, $0x38;
	[tilespmem:$0x1E800] =	vst v63  }
0x15: {  	_ =	swait.ge [sflag:s12], $0x1400  }
0x16: {  	[sflag:s12] =	ssyncset.done $0x0  }
0x17: {  	[sflag:s12] =	ssyncadd.s32 $0xFFFFEC00  }
0x18: {  	[tilespmem:s13], [sflag:$0x5] =	stream.linear.gather [hbm4b:s7+s3], $0x1400, $0x38;
	[tilespmem:$0x1E800] =	vst v63  }
0x19: {  	_ =	swait.ge [sflag:s12], $0x1400  }
0x1a: {  	[sflag:s12] =	ssyncset.done $0x0  }
0x1b: {  	[sflag:s12] =	ssyncadd.s32 $0xFFFFEC00  }
0x1c: {  	[tilespmem:s15], [sflag:$0x1] =	stream.indirect.gather [hbm4b:s4+s14], $0x80, s3, s14, $0xb8;
	[tilespmem:$0x1E800] =	vst v63  }
0x1d: {  	_ = 	snop  }
0x1e: {  	[tilespmem:s16], [sflag:$0x2] =	stream.indirect.gather [hbm4b:s4+s14], $0x80, s14, s14, $0xb8;
	[tilespmem:$0x1E800] =	vst v63  }
0x1f: {  	[spmem:s18], [sflag:s17] =	dma.local [hbm:s5], $0x2800  }
0x20: {  	_ =	swait.ge [sflag:s12], $0x2800  }
0x21: {  	[sflag:s12] =	ssyncset.done $0x0  }
0x22: {  	[sflag:s12] =	ssyncadd.s32 $0xFFFFD800  }
0x23: {  	[bflag:$0x0] =	sbarrier.arrive $0xFFFF  }
0x24: {  	_ =	swait.ge [sflag:s19], $0x4000  }
0x25: {  	[sflag:s19] =	ssyncset.done $0x0  }
0x26: {  	s26 =	simm.s32 $0x1400;
	[sflag:s19] =	ssyncadd.s32 $0xFFFFC000  }
0x27: {  	[spmem:s2] =	stream.indirect.scatter.add.f32 [tilespmem:s15], [sflag:$0x3], $0x80, s26, s14, $0xb8;
	[tilespmem:$0x1E800] =	vst v63  }
0x28: {  	_ =	swait.ge [sflag:s20], $0x4000  }
0x29: {  	[sflag:s20] =	ssyncset.done $0x0  }
0x2a: {  	s30 =	simm.s32 $0x1480;
	[sflag:s20] =	ssyncadd.s32 $0xFFFFC000  }
0x2b: {  	[spmem:s2] =	stream.indirect.scatter.add.f32 [tilespmem:s16], [sflag:$0x4], $0x80, s30, s14, $0xb8;
	[tilespmem:$0x1E800] =	vst v63  }
0x2c: {  	_ =	swait.ge [sflag:s21], $0x4000  }
0x2d: {  	[sflag:s21] =	ssyncset.done $0x0  }
0x2e: {  	s31 =	simm.s32 $0x100;
	[sflag:s21] =	ssyncadd.s32 $0xFFFFC000  }
0x2f: {  	[tilespmem:s15], [sflag:$0x1] =	stream.indirect.gather [hbm4b:s4+s14], $0x80, s31, s14, $0xb8;
	[tilespmem:$0x1E800] =	vst v63  }
0x30: {  	_ =	swait.ge [sflag:s22], $0x4000  }
0x31: {  	[sflag:s22] =	ssyncset.done $0x0  }
0x32: {  	s28 =	simm.s32 $0x180;
	s26 =	simm.s32 $0x400;
	[sflag:s22] =	ssyncadd.s32 $0xFFFFC000  }
.LBB2_2:
0x33: {  	[tilespmem:s16], [sflag:$0x2] =	stream.indirect.gather [hbm4b:s4+s14], $0x80, s28, s14, $0xb8;
	[tilespmem:$0x1E800] =	vst v63  }
0x34: {  	s28 =	smov.u32 s26  }
0x35: {  	p0 =	sne.s32 s26, $0x4800;
	s26 =	sadd.s32 $0x400, s26;
	_ =	swait.ge [sflag:s19], $0x4000  }
0x36: {  	s28 =	sshra.s32 s28, $0x2;
	[sflag:s19] =	ssyncset.done $0x0  }
0x37: {  	s29 =	sadd.s32 $0x1400, s28;
	[sflag:s19] =	ssyncadd.s32 $0xFFFFC000  }
0x38: {  	[spmem:s2] =	stream.indirect.scatter.add.f32 [tilespmem:s15], [sflag:$0x3], $0x80, s29, s14, $0xb8;
	[tilespmem:$0x1E800] =	vst v63  }
0x39: {  	_ =	swait.ge [sflag:s20], $0x4000  }
0x3a: {  	[sflag:s20] =	ssyncset.done $0x0  }
0x3b: {  	s29 =	sadd.s32 $0x1480, s28;
	[sflag:s20] =	ssyncadd.s32 $0xFFFFC000  }
0x3c: {  	[spmem:s2] =	stream.indirect.scatter.add.f32 [tilespmem:s16], [sflag:$0x4], $0x80, s29, s14, $0xb8;
	[tilespmem:$0x1E800] =	vst v63  }
0x3d: {  	_ =	swait.ge [sflag:s21], $0x4000  }
0x3e: {  	[sflag:s21] =	ssyncset.done $0x0  }
.Ltmp0:
0x3f: {  	s29 =	sadd.s32 $0x100, s28;
	[sflag:s21] =	ssyncadd.s32 $0xFFFFC000;
	(pc) =	sbr.rel @p0 .LBB2_2-.Ltmp0, $4  }
0x40: {  	[tilespmem:s15], [sflag:$0x1] =	stream.indirect.gather [hbm4b:s4+s14], $0x80, s29, s14, $0xb8;
	[tilespmem:$0x1E800] =	vst v63  }
0x41: {  	_ =	swait.ge [sflag:s22], $0x4000  }
0x42: {  	[sflag:s22] =	ssyncset.done $0x0  }
0x43: {  	s28 =	sadd.s32 $0x180, s28;
	[sflag:s22] =	ssyncadd.s32 $0xFFFFC000  }
0x44: {  	[tilespmem:s16], [sflag:$0x2] =	stream.indirect.gather [hbm4b:s4+s14], $0x80, s28, s14, $0xb8;
	[tilespmem:$0x1E800] =	vst v63  }
0x45: {  	_ =	swait.ge [sflag:s19], $0x4000  }
0x46: {  	[sflag:s19] =	ssyncset.done $0x0  }
0x47: {  	[sflag:s19] =	ssyncadd.s32 $0xFFFFC000  }
0x48: {  	[spmem:s2] =	stream.indirect.scatter.add.f32 [tilespmem:s15], [sflag:$0x3], $0x80, s23, s14, $0xb8;
	[tilespmem:$0x1E800] =	vst v63  }
0x49: {  	_ =	swait.ge [sflag:s20], $0x4000  }
0x4a: {  	[sflag:s20] =	ssyncset.done $0x0  }
0x4b: {  	[sflag:s20] =	ssyncadd.s32 $0xFFFFC000  }
0x4c: {  	[spmem:s2] =	stream.indirect.scatter.add.f32 [tilespmem:s16], [sflag:$0x4], $0x80, s24, s14, $0xb8;
	[tilespmem:$0x1E800] =	vst v63  }
0x4d: {  	_ =	swait.ge [sflag:s21], $0x4000  }
0x4e: {  	[sflag:s21] =	ssyncset.done $0x0  }
0x4f: {  	[sflag:s21] =	ssyncadd.s32 $0xFFFFC000  }
0x50: {  	_ =	swait.ge [sflag:s22], $0x4000  }
0x51: {  	[sflag:s22] =	ssyncset.done $0x0  }
0x52: {  	s26 =	simm.s32 $0x0;
	[sflag:s22] =	ssyncadd.s32 $0xFFFFC000  }
0x53: {  	[tilespmem:s26], [sflag:$0x5] =	stream.linear.gather [hbm4b:s8+s26], $0x1400, $0x38;
	[tilespmem:$0x1E800] =	vst v63  }
0x54: {  	_ =	swait.ge [sflag:s12], $0x1400  }
0x55: {  	[sflag:s12] =	ssyncset.done $0x0  }
0x56: {  	[sflag:s12] =	ssyncadd.s32 $0xFFFFEC00  }
0x57: {  	[tilespmem:s13], [sflag:$0x5] =	stream.linear.gather [hbm4b:s9+s26], $0x1400, $0x38;
	[tilespmem:$0x1E800] =	vst v63  }
0x58: {  	_ =	swait.ge [sflag:s12], $0x1400  }
0x59: {  	[sflag:s12] =	ssyncset.done $0x0  }
0x5a: {  	[sflag:s12] =	ssyncadd.s32 $0xFFFFEC00  }
0x5b: {  	[tilespmem:s15], [sflag:$0x1] =	stream.indirect.gather [hbm4b:s4+s14], $0x80, s26, s14, $0xb8;
	[tilespmem:$0x1E800] =	vst v63  }
0x5c: {  	_ = 	snop  }
0x5d: {  	[tilespmem:s16], [sflag:$0x2] =	stream.indirect.gather [hbm4b:s4+s14], $0x80, s14, s14, $0xb8;
	[tilespmem:$0x1E800] =	vst v63  }
0x5e: {  	_ =	swait.ge [sflag:s19], $0x4000  }
0x5f: {  	[sflag:s19] =	ssyncset.done $0x0  }
0x60: {  	s29 =	simm.s32 $0x1400;
	[sflag:s19] =	ssyncadd.s32 $0xFFFFC000  }
0x61: {  	[spmem:s2] =	stream.indirect.scatter.add.f32 [tilespmem:s15], [sflag:$0x3], $0x80, s29, s14, $0xb8;
	[tilespmem:$0x1E800] =	vst v63  }
0x62: {  	_ =	swait.ge [sflag:s20], $0x4000  }
0x63: {  	[sflag:s20] =	ssyncset.done $0x0  }
0x64: {  	s30 =	simm.s32 $0x1480;
	[sflag:s20] =	ssyncadd.s32 $0xFFFFC000  }
0x65: {  	[spmem:s2] =	stream.indirect.scatter.add.f32 [tilespmem:s16], [sflag:$0x4], $0x80, s30, s14, $0xb8;
	[tilespmem:$0x1E800] =	vst v63  }
0x66: {  	_ =	swait.ge [sflag:s21], $0x4000  }
0x67: {  	[sflag:s21] =	ssyncset.done $0x0  }
0x68: {  	s31 =	simm.s32 $0x100;
	[sflag:s21] =	ssyncadd.s32 $0xFFFFC000  }
0x69: {  	[tilespmem:s15], [sflag:$0x1] =	stream.indirect.gather [hbm4b:s4+s14], $0x80, s31, s14, $0xb8;
	[tilespmem:$0x1E800] =	vst v63  }
0x6a: {  	_ =	swait.ge [sflag:s22], $0x4000  }
0x6b: {  	[sflag:s22] =	ssyncset.done $0x0  }
0x6c: {  	s28 =	simm.s32 $0x180;
	s26 =	simm.s32 $0x400;
	[sflag:s22] =	ssyncadd.s32 $0xFFFFC000  }
.LBB2_4:
0x6d: {  	[tilespmem:s16], [sflag:$0x2] =	stream.indirect.gather [hbm4b:s4+s14], $0x80, s28, s14, $0xb8;
	[tilespmem:$0x1E800] =	vst v63  }
0x6e: {  	s28 =	smov.u32 s26  }
0x6f: {  	p0 =	sne.s32 s26, $0x4800;
	s26 =	sadd.s32 $0x400, s26;
	_ =	swait.ge [sflag:s19], $0x4000  }
0x70: {  	s28 =	sshra.s32 s28, $0x2;
	[sflag:s19] =	ssyncset.done $0x0  }
0x71: {  	s29 =	sadd.s32 $0x1400, s28;
	[sflag:s19] =	ssyncadd.s32 $0xFFFFC000  }
0x72: {  	[spmem:s2] =	stream.indirect.scatter.add.f32 [tilespmem:s15], [sflag:$0x3], $0x80, s29, s14, $0xb8;
	[tilespmem:$0x1E800] =	vst v63  }
0x73: {  	_ =	swait.ge [sflag:s20], $0x4000  }
0x74: {  	[sflag:s20] =	ssyncset.done $0x0  }
0x75: {  	s29 =	sadd.s32 $0x1480, s28;
	[sflag:s20] =	ssyncadd.s32 $0xFFFFC000  }
0x76: {  	[spmem:s2] =	stream.indirect.scatter.add.f32 [tilespmem:s16], [sflag:$0x4], $0x80, s29, s14, $0xb8;
	[tilespmem:$0x1E800] =	vst v63  }
0x77: {  	_ =	swait.ge [sflag:s21], $0x4000  }
0x78: {  	[sflag:s21] =	ssyncset.done $0x0  }
.Ltmp1:
0x79: {  	s29 =	sadd.s32 $0x100, s28;
	[sflag:s21] =	ssyncadd.s32 $0xFFFFC000;
	(pc) =	sbr.rel @p0 .LBB2_4-.Ltmp1, $4  }
0x7a: {  	[tilespmem:s15], [sflag:$0x1] =	stream.indirect.gather [hbm4b:s4+s14], $0x80, s29, s14, $0xb8;
	[tilespmem:$0x1E800] =	vst v63  }
0x7b: {  	_ =	swait.ge [sflag:s22], $0x4000  }
0x7c: {  	[sflag:s22] =	ssyncset.done $0x0  }
0x7d: {  	s28 =	sadd.s32 $0x180, s28;
	[sflag:s22] =	ssyncadd.s32 $0xFFFFC000  }
0x7e: {  	[tilespmem:s16], [sflag:$0x2] =	stream.indirect.gather [hbm4b:s4+s14], $0x80, s28, s14, $0xb8;
	[tilespmem:$0x1E800] =	vst v63  }
0x7f: {  	_ =	swait.ge [sflag:s19], $0x4000  }
0x80: {  	[sflag:s19] =	ssyncset.done $0x0  }
0x81: {  	[sflag:s19] =	ssyncadd.s32 $0xFFFFC000  }
0x82: {  	[spmem:s2] =	stream.indirect.scatter.add.f32 [tilespmem:s15], [sflag:$0x3], $0x80, s23, s14, $0xb8;
	[tilespmem:$0x1E800] =	vst v63  }
0x83: {  	_ =	swait.ge [sflag:s20], $0x4000  }
0x84: {  	[sflag:s20] =	ssyncset.done $0x0  }
0x85: {  	[sflag:s20] =	ssyncadd.s32 $0xFFFFC000  }
0x86: {  	[spmem:s2] =	stream.indirect.scatter.add.f32 [tilespmem:s16], [sflag:$0x4], $0x80, s24, s14, $0xb8;
	[tilespmem:$0x1E800] =	vst v63  }
0x87: {  	_ =	swait.ge [sflag:s21], $0x4000  }
0x88: {  	[sflag:s21] =	ssyncset.done $0x0  }
0x89: {  	[sflag:s21] =	ssyncadd.s32 $0xFFFFC000  }
0x8a: {  	_ =	swait.ge [sflag:s22], $0x4000  }
0x8b: {  	s25 =	sadd.s32 $0x1, s25;
	[sflag:s22] =	ssyncset.done $0x0  }
0x8c: {  	p0 =	sne.s32 s25, s11;
	[sflag:s22] =	ssyncadd.s32 $0xFFFFC000  }
.Ltmp2:
0x8d: {  	[bflag:$0x0] =	sbarrier.arrive $0xFFFF;
	(pc) =	sbr.rel @p0 .LBB2_1-.Ltmp2, $4  }
0x8e: {  	[hbm:s10], [sflag:s17] =	dma.local [spmem:s18], $0x2800  }
0x8f: {  	_ =	swait.ge [sflag:s12], $0x2800  }
0x90: {  	[sflag:s12] =	ssyncset.done $0x0  }
0x91: {  	[sflag:s12] =	ssyncadd.s32 $0xFFFFD800  }
0x92: {  	_ =	sfence.sel $0x180000  }
0x93: {  	[bflag:$0x0] =	sbarrier.arrive $0xFFFF  }
0x94: {  	p0 =	sne.s32 s1, $0x0;
	_ =	strace $0x90000050  }
0x95: {  	s0 =	sadd.s32 @!p0 $0x100000, s0;
	[bflag:$0x2] =	sbarrier.arrive $0xFFFF  }
0x96: {  	[sflag:s0] =	ssyncadd.tile.s32 @!p0 $0x1;
	_ =	shalt  }
.Lfunc_end2:
_tile_overlayer_lowered:
.L_overlay_start_2:
0x97: {  	(tag) =	ssettag $0x2  }
0x98: {  	s0 =	rddreg [dreg:$0x0];
	s2 =	stileid.u32  }
0x99: {  	s1 =	rddreg [dreg:$0x1];
	p0 =	sne.s32 s2, $0x0  }
0x9a: {  	s3 =	rddreg [dreg:$0x2];
	[bflag:$0x3] =	sbarrier.arrive $0xFFFF;
	s2 =	simm.s32 @!p0 $0x1C05  }
0x9b: {  	[timem:s3], [sflag:s2] =	dma.local @!p0 [hbm:s0], s1  }
0x9c: {  	s0 =	simm.s32 @!p0 $0x5  }
0x9d: {  	_ =	swait.ge @!p0 [sflag:s0], s1  }
0x9e: {  	s1 =	ssub.s32 @!p0 $0x0, s1;
	[sflag:s0] =	ssyncset.done @!p0 $0x0  }
0x9f: {  	[sflag:s0] =	ssyncadd.s32 @!p0 s1  }
0xa0: {  	[bflag:$0x3] =	sbarrier.arrive $0xFFFF  }
0xa1: {  	_ =	shalt  }

</sc_bundles>
